<compile_context>
chip_gen: v7x
topology: tpu7x:2x2x1
jax: 0.10.2.dev20260603
libtpu: 0.0.44.dev20260713+nightly
codegen_flags: <defaults>
</compile_context>

<pallas_src>
import jax
import jax.numpy as jnp
from jax import lax
from jax.experimental import pallas as pl
from jax.experimental.pallas import tpu as pltpu
from jax.experimental.pallas import tpu_sc as plsc

NC = 2
NS = 16
NW = NC * NS

ROWS = 16384
COLS = 26
DIM = 64
B = ROWS * COLS
CW = ROWS // NW
CH = 1024
CB = ROWS // CH
NQ = COLS * CB
QW = NQ // NW
assert QW * NW == NQ and CH % 16 == 0

MB = 8192
NMB = -(-1000000 // MB)
Z = NMB * MB


def _format_body(idxT_hbm, out_hbm, idx_v, sems):
    wid = lax.axis_index("s") * NC + lax.axis_index("c")
    col0 = wid * CW
    pltpu.sync_copy(idxT_hbm.at[:, pl.ds(col0, CW)], idx_v)
    descs = [
        pltpu.async_copy(idx_v.at[c], out_hbm.at[pl.ds(c * ROWS + col0, CW)],
                         sems.at[c])
        for c in range(COLS)
    ]
    for d in descs:
        d.wait()


@jax.jit
def _format(idxT):
    mesh = plsc.VectorSubcoreMesh(core_axis_name="c", subcore_axis_name="s")
    return pl.kernel(
        _format_body,
        out_type=jax.ShapeDtypeStruct((B,), jnp.int32),
        mesh=mesh,
        scratch_types=(
            pltpu.VMEM((COLS, CW), jnp.int32),
            pltpu.SemaphoreType.DMA((COLS,)),
        ),
        compiler_params=pltpu.CompilerParams(use_tc_tiling_on_sc=True),
    )(idxT)


def _merge_body(in_ref, out_ref):
    x = in_ref[...]
    y = x.T
    out_ref[...] = jnp.concatenate([y, y], axis=1)


@jax.jit
def _merge(tT):
    return pl.pallas_call(
        _merge_body,
        out_shape=jax.ShapeDtypeStruct((Z, 128), jnp.float32),
        grid=(NMB,),
        in_specs=[pl.BlockSpec((64, MB), lambda i: (0, i))],
        out_specs=pl.BlockSpec((MB, 128), lambda i: (i, 0)),
    )(tT)


def _gather_body(idx_hbm, table_hbm, out_hbm, idx_v, rows_v, sem):
    wid = lax.axis_index("s") * NC + lax.axis_index("c")

    def step(i, carry):
        q = wid * QW + i
        c = q // CB
        b0 = (q % CB) * CH
        pltpu.sync_copy(idx_hbm.at[pl.ds(q * CH, CH)], idx_v)

        def dbl(k, carry2):
            v = idx_v[pl.ds(k * 16, 16)]
            idx_v[pl.ds(k * 16, 16)] = v + v
            return carry2

        lax.fori_loop(0, CH // 16, dbl, 0)
        pltpu.async_copy(table_hbm.at[idx_v], rows_v, sem).wait()
        pltpu.sync_copy(rows_v, out_hbm.at[c, pl.ds(b0, CH), pl.ds(0, DIM)])
        return carry

    lax.fori_loop(0, QW, step, 0)


@jax.jit
def _gather(idx1d, table2z):
    mesh = plsc.VectorSubcoreMesh(core_axis_name="c", subcore_axis_name="s")
    return pl.kernel(
        _gather_body,
        out_type=jax.ShapeDtypeStruct((COLS, ROWS, 2 * DIM), jnp.float32),
        mesh=mesh,
        scratch_types=(
            pltpu.VMEM((CH,), jnp.int32),
            pltpu.VMEM((CH, DIM), jnp.float32),
            pltpu.SemaphoreType.DMA,
        ),
        compiler_params=pltpu.CompilerParams(use_tc_tiling_on_sc=False),
    )(idx1d, table2z)


def kernel(attributes, table):
    idxT = attributes.T.astype(jnp.int32)
    idx1d = _format(idxT)
    t2z = _merge(table.T)
    table2z = t2z.reshape(2 * Z, DIM)
    out = _gather(idx1d, table2z)
    return out[:, :, :DIM].transpose(1, 0, 2)

# --- scband reference (transcript-rebuilt; emitter-appended) ---
"""Pipeline reference for scband-attribute-embedding-7713761263853 (READ-ONLY COPY).

The authoritative reference and input builder live on the scoring server;
editing this copy changes nothing except your own understanding.
"""

import jax, jax.numpy as jnp
import numpy as np

NUM_ATTRIBUTES = 1000000
ATTR_EMBEDDING_DIM = 64

def setup_inputs(seed: int = 0) -> dict:
    key = jax.random.key(seed)
    k_idx, k_tab = jax.random.split(key)
    attributes = jax.random.randint(k_idx, (16384, 26), 0, NUM_ATTRIBUTES, dtype=jnp.int64 if jax.config.read('jax_enable_x64') else jnp.int32)
    table = jax.random.normal(k_tab, (NUM_ATTRIBUTES, ATTR_EMBEDDING_DIM), dtype=jnp.float32)
    return {"attributes": attributes, "table": table}

def reference(attributes, table):
    # nn.Embedding lookup: table[attributes]
    return jnp.take(table, attributes, axis=0)

if __name__ == "__main__":
    import jax
    _d = setup_inputs()
    print(jax.jit(kernel)(*tuple(_d.values())))

</pallas_src>

<mosaic_0001>
#map = affine_map<(d0, d1) -> (0, 0)>
#map1 = affine_map<(d0, d1) -> (0)>
module attributes {stable_mosaic.version = 14 : i64} {
  func.func @_format_body(%arg0: i32, %arg1: i32, %arg2: memref<26x16384xi32, #tpu.memory_space<hbm>>, %arg3: memref<425984xi32, #tpu.memory_space<hbm>>, %arg4: memref<26x512xi32, #tpu.memory_space<vmem>>, %arg5: memref<26x!tpu.dma_semaphore, #tpu.memory_space<semaphore_mem>>) attributes {dimension_semantics = [#tpu.dimension_semantics<core_parallel>, #tpu.dimension_semantics<subcore_parallel>], iteration_bounds = array<i64: 2, 16>, scalar_prefetch = 0 : i64, scratch_operands = 2 : i64, tpu.core_type = #tpu.core_type<sc_vector_subcore>, window_params = [{transform_indices = #map}, {transform_indices = #map1}]} {
    %mul3A = arith.constant 2 : i32
    %mul3A_0 = arith.muli %arg1, %mul3A : i32
    %add3A = arith.addi %mul3A_0, %arg0 : i32
    %mul3A_1 = arith.constant 512 : i32
    %mul3A_2 = arith.muli %add3A, %mul3A_1 : i32
    "tpu.region"() ({
      %run_scoped3A = tpu.sem_alloc : memref<!tpu.dma_semaphore, #tpu.memory_space<semaphore_mem>>
      %dma_start3A_677 = arith.constant 0 : i32
      %dma_start3A_678 = tpu.memref_slice %arg2[%dma_start3A_677, %mul3A_2] : memref<26x16384xi32, #tpu.memory_space<hbm>> -> memref<26x512xi32, #tpu.memory_space<hbm>>
      %dma_start3A_679 = arith.constant 0 : i32
      %dma_start3A_680 = tpu.memref_slice %arg2[%dma_start3A_679, %mul3A_2] : memref<26x16384xi32, #tpu.memory_space<hbm>> -> memref<26x512xi32, #tpu.memory_space<hbm>>
      tpu.enqueue_dma source(%dma_start3A_680 : memref<26x512xi32, #tpu.memory_space<hbm>>) target(%arg4 : memref<26x512xi32, #tpu.memory_space<vmem>>) target_semaphore(%run_scoped3A : memref<!tpu.dma_semaphore, #tpu.memory_space<semaphore_mem>>)
      %dma_wait3A_681 = arith.constant 0 : i32
      %dma_wait3A_682 = tpu.memref_slice %arg2[%dma_wait3A_681, %mul3A_2] : memref<26x16384xi32, #tpu.memory_space<hbm>> -> memref<26x512xi32, #tpu.memory_space<hbm>>
      %dma_wait3A_683 = arith.constant 0 : i32
      %dma_wait3A_684 = tpu.memref_slice %arg2[%dma_wait3A_683, %mul3A_2] : memref<26x16384xi32, #tpu.memory_space<hbm>> -> memref<26x512xi32, #tpu.memory_space<hbm>>
      tpu.wait_dma2 semaphore(%run_scoped3A : memref<!tpu.dma_semaphore, #tpu.memory_space<semaphore_mem>>) src(%dma_wait3A_684 : memref<26x512xi32, #tpu.memory_space<hbm>>) dst(%arg4 : memref<26x512xi32, #tpu.memory_space<vmem>>)
      tpu.yield
    }) : () -> ()
    %add3A_3 = arith.constant 0 : i32
    %add3A_4 = arith.addi %add3A_3, %mul3A_2 : i32
    %dma_start3A = arith.constant 0 : i32
    %dma_start3A_5 = arith.constant 0 : i32
    %dma_start3A_6 = arith.constant 0 : i32
    %dma_start3A_7 = tpu.memref_slice %arg4[%dma_start3A, %dma_start3A_6] : memref<26x512xi32, #tpu.memory_space<vmem>> -> memref<1x512xi32, #tpu.memory_space<vmem>>
    %dma_start3A_8 = tpu.memref_squeeze %dma_start3A_7 : memref<1x512xi32, #tpu.memory_space<vmem>> -> memref<512xi32, #tpu.memory_space<vmem>>
    %dma_start3A_9 = tpu.memref_slice %arg3[%add3A_4] : memref<425984xi32, #tpu.memory_space<hbm>> -> memref<512xi32, #tpu.memory_space<hbm>>
    %dma_start3A_10 = tpu.memref_slice %arg5[%dma_start3A_5] : memref<26x!tpu.dma_semaphore, #tpu.memory_space<semaphore_mem>> -> memref<1x!tpu.dma_semaphore, #tpu.memory_space<semaphore_mem>>
    %dma_start3A_11 = tpu.memref_squeeze %dma_start3A_10 : memref<1x!tpu.dma_semaphore, #tpu.memory_space<semaphore_mem>> -> memref<!tpu.dma_semaphore, #tpu.memory_space<semaphore_mem>>
    %dma_start3A_12 = tpu.memref_slice %arg3[%add3A_4] : memref<425984xi32, #tpu.memory_space<hbm>> -> memref<512xi32, #tpu.memory_space<hbm>>
    %dma_start3A_13 = arith.constant 0 : i32
    %dma_start3A_14 = tpu.memref_slice %arg4[%dma_start3A, %dma_start3A_13] : memref<26x512xi32, #tpu.memory_space<vmem>> -> memref<1x512xi32, #tpu.memory_space<vmem>>
    %dma_start3A_15 = tpu.memref_squeeze %dma_start3A_14 : memref<1x512xi32, #tpu.memory_space<vmem>> -> memref<512xi32, #tpu.memory_space<vmem>>
    tpu.enqueue_dma source(%dma_start3A_15 : memref<512xi32, #tpu.memory_space<vmem>>) target(%dma_start3A_12 : memref<512xi32, #tpu.memory_space<hbm>>) target_semaphore(%dma_start3A_11 : memref<!tpu.dma_semaphore, #tpu.memory_space<semaphore_mem>>)
    %add3A_16 = arith.constant 16384 : i32
    %add3A_17 = arith.addi %add3A_16, %mul3A_2 : i32
    %dma_start3A_18 = arith.constant 1 : i32
    %dma_start3A_19 = arith.constant 1 : i32
    %dma_start3A_20 = arith.constant 0 : i32
    %dma_start3A_21 = tpu.memref_slice %arg4[%dma_start3A_18, %dma_start3A_20] : memref<26x512xi32, #tpu.memory_space<vmem>> -> memref<1x512xi32, #tpu.memory_space<vmem>>
    %dma_start3A_22 = tpu.memref_squeeze %dma_start3A_21 : memref<1x512xi32, #tpu.memory_space<vmem>> -> memref<512xi32, #tpu.memory_space<vmem>>
    %dma_start3A_23 = tpu.memref_slice %arg3[%add3A_17] : memref<425984xi32, #tpu.memory_space<hbm>> -> memref<512xi32, #tpu.memory_space<hbm>>
    %dma_start3A_24 = tpu.memref_slice %arg5[%dma_start3A_19] : memref<26x!tpu.dma_semaphore, #tpu.memory_space<semaphore_mem>> -> memref<1x!tpu.dma_semaphore, #tpu.memory_space<semaphore_mem>>
    %dma_start3A_25 = tpu.memref_squeeze %dma_start3A_24 : memref<1x!tpu.dma_semaphore, #tpu.memory_space<semaphore_mem>> -> memref<!tpu.dma_semaphore, #tpu.memory_space<semaphore_mem>>
    %dma_start3A_26 = tpu.memref_slice %arg3[%add3A_17] : memref<425984xi32, #tpu.memory_space<hbm>> -> memref<512xi32, #tpu.memory_space<hbm>>
    %dma_start3A_27 = arith.constant 0 : i32
    %dma_start3A_28 = tpu.memref_slice %arg4[%dma_start3A_18, %dma_start3A_27] : memref<26x512xi32, #tpu.memory_space<vmem>> -> memref<1x512xi32, #tpu.memory_space<vmem>>
    %dma_start3A_29 = tpu.memref_squeeze %dma_start3A_28 : memref<1x512xi32, #tpu.memory_space<vmem>> -> memref<512xi32, #tpu.memory_space<vmem>>
    tpu.enqueue_dma source(%dma_start3A_29 : memref<512xi32, #tpu.memory_space<vmem>>) target(%dma_start3A_26 : memref<512xi32, #tpu.memory_space<hbm>>) target_semaphore(%dma_start3A_25 : memref<!tpu.dma_semaphore, #tpu.memory_space<semaphore_mem>>)
    %add3A_30 = arith.constant 32768 : i32
    %add3A_31 = arith.addi %add3A_30, %mul3A_2 : i32
    %dma_start3A_32 = arith.constant 2 : i32
    %dma_start3A_33 = arith.constant 2 : i32
    %dma_start3A_34 = arith.constant 0 : i32
    %dma_start3A_35 = tpu.memref_slice %arg4[%dma_start3A_32, %dma_start3A_34] : memref<26x512xi32, #tpu.memory_space<vmem>> -> memref<1x512xi32, #tpu.memory_space<vmem>>
    %dma_start3A_36 = tpu.memref_squeeze %dma_start3A_35 : memref<1x512xi32, #tpu.memory_space<vmem>> -> memref<512xi32, #tpu.memory_space<vmem>>
    %dma_start3A_37 = tpu.memref_slice %arg3[%add3A_31] : memref<425984xi32, #tpu.memory_space<hbm>> -> memref<512xi32, #tpu.memory_space<hbm>>
    %dma_start3A_38 = tpu.memref_slice %arg5[%dma_start3A_33] : memref<26x!tpu.dma_semaphore, #tpu.memory_space<semaphore_mem>> -> memref<1x!tpu.dma_semaphore, #tpu.memory_space<semaphore_mem>>
    %dma_start3A_39 = tpu.memref_squeeze %dma_start3A_38 : memref<1x!tpu.dma_semaphore, #tpu.memory_space<semaphore_mem>> -> memref<!tpu.dma_semaphore, #tpu.memory_space<semaphore_mem>>
    %dma_start3A_40 = tpu.memref_slice %arg3[%add3A_31] : memref<425984xi32, #tpu.memory_space<hbm>> -> memref<512xi32, #tpu.memory_space<hbm>>
    %dma_start3A_41 = arith.constant 0 : i32
    %dma_start3A_42 = tpu.memref_slice %arg4[%dma_start3A_32, %dma_start3A_41] : memref<26x512xi32, #tpu.memory_space<vmem>> -> memref<1x512xi32, #tpu.memory_space<vmem>>
    %dma_start3A_43 = tpu.memref_squeeze %dma_start3A_42 : memref<1x512xi32, #tpu.memory_space<vmem>> -> memref<512xi32, #tpu.memory_space<vmem>>
    tpu.enqueue_dma source(%dma_start3A_43 : memref<512xi32, #tpu.memory_space<vmem>>) target(%dma_start3A_40 : memref<512xi32, #tpu.memory_space<hbm>>) target_semaphore(%dma_start3A_39 : memref<!tpu.dma_semaphore, #tpu.memory_space<semaphore_mem>>)
    %add3A_44 = arith.constant 49152 : i32
    %add3A_45 = arith.addi %add3A_44, %mul3A_2 : i32
    %dma_start3A_46 = arith.constant 3 : i32
    %dma_start3A_47 = arith.constant 3 : i32
    %dma_start3A_48 = arith.constant 0 : i32
    %dma_start3A_49 = tpu.memref_slice %arg4[%dma_start3A_46, %dma_start3A_48] : memref<26x512xi32, #tpu.memory_space<vmem>> -> memref<1x512xi32, #tpu.memory_space<vmem>>
    %dma_start3A_50 = tpu.memref_squeeze %dma_start3A_49 : memref<1x512xi32, #tpu.memory_space<vmem>> -> memref<512xi32, #tpu.memory_space<vmem>>
    %dma_start3A_51 = tpu.memref_slice %arg3[%add3A_45] : memref<425984xi32, #tpu.memory_space<hbm>> -> memref<512xi32, #tpu.memory_space<hbm>>
    %dma_start3A_52 = tpu.memref_slice %arg5[%dma_start3A_47] : memref<26x!tpu.dma_semaphore, #tpu.memory_space<semaphore_mem>> -> memref<1x!tpu.dma_semaphore, #tpu.memory_space<semaphore_mem>>
    %dma_start3A_53 = tpu.memref_squeeze %dma_start3A_52 : memref<1x!tpu.dma_semaphore, #tpu.memory_space<semaphore_mem>> -> memref<!tpu.dma_semaphore, #tpu.memory_space<semaphore_mem>>
    %dma_start3A_54 = tpu.memref_slice %arg3[%add3A_45] : memref<425984xi32, #tpu.memory_space<hbm>> -> memref<512xi32, #tpu.memory_space<hbm>>
    %dma_start3A_55 = arith.constant 0 : i32
    %dma_start3A_56 = tpu.memref_slice %arg4[%dma_start3A_46, %dma_start3A_55] : memref<26x512xi32, #tpu.memory_space<vmem>> -> memref<1x512xi32, #tpu.memory_space<vmem>>
    %dma_start3A_57 = tpu.memref_squeeze %dma_start3A_56 : memref<1x512xi32, #tpu.memory_space<vmem>> -> memref<512xi32, #tpu.memory_space<vmem>>
    tpu.enqueue_dma source(%dma_start3A_57 : memref<512xi32, #tpu.memory_space<vmem>>) target(%dma_start3A_54 : memref<512xi32, #tpu.memory_space<hbm>>) target_semaphore(%dma_start3A_53 : memref<!tpu.dma_semaphore, #tpu.memory_space<semaphore_mem>>)
    %add3A_58 = arith.constant 65536 : i32
    %add3A_59 = arith.addi %add3A_58, %mul3A_2 : i32
    %dma_start3A_60 = arith.constant 4 : i32
    %dma_start3A_61 = arith.constant 4 : i32
    %dma_start3A_62 = arith.constant 0 : i32
    %dma_start3A_63 = tpu.memref_slice %arg4[%dma_start3A_60, %dma_start3A_62] : memref<26x512xi32, #tpu.memory_space<vmem>> -> memref<1x512xi32, #tpu.memory_space<vmem>>
    %dma_start3A_64 = tpu.memref_squeeze %dma_start3A_63 : memref<1x512xi32, #tpu.memory_space<vmem>> -> memref<512xi32, #tpu.memory_space<vmem>>
    %dma_start3A_65 = tpu.memref_slice %arg3[%add3A_59] : memref<425984xi32, #tpu.memory_space<hbm>> -> memref<512xi32, #tpu.memory_space<hbm>>
    %dma_start3A_66 = tpu.memref_slice %arg5[%dma_start3A_61] : memref<26x!tpu.dma_semaphore, #tpu.memory_space<semaphore_mem>> -> memref<1x!tpu.dma_semaphore, #tpu.memory_space<semaphore_mem>>
    %dma_start3A_67 = tpu.memref_squeeze %dma_start3A_66 : memref<1x!tpu.dma_semaphore, #tpu.memory_space<semaphore_mem>> -> memref<!tpu.dma_semaphore, #tpu.memory_space<semaphore_mem>>
    %dma_start3A_68 = tpu.memref_slice %arg3[%add3A_59] : memref<425984xi32, #tpu.memory_space<hbm>> -> memref<512xi32, #tpu.memory_space<hbm>>
    %dma_start3A_69 = arith.constant 0 : i32
    %dma_start3A_70 = tpu.memref_slice %arg4[%dma_start3A_60, %dma_start3A_69] : memref<26x512xi32, #tpu.memory_space<vmem>> -> memref<1x512xi32, #tpu.memory_space<vmem>>
    %dma_start3A_71 = tpu.memref_squeeze %dma_start3A_70 : memref<1x512xi32, #tpu.memory_space<vmem>> -> memref<512xi32, #tpu.memory_space<vmem>>
    tpu.enqueue_dma source(%dma_start3A_71 : memref<512xi32, #tpu.memory_space<vmem>>) target(%dma_start3A_68 : memref<512xi32, #tpu.memory_space<hbm>>) target_semaphore(%dma_start3A_67 : memref<!tpu.dma_semaphore, #tpu.memory_space<semaphore_mem>>)
    %add3A_72 = arith.constant 81920 : i32
    %add3A_73 = arith.addi %add3A_72, %mul3A_2 : i32
    %dma_start3A_74 = arith.constant 5 : i32
    %dma_start3A_75 = arith.constant 5 : i32
    %dma_start3A_76 = arith.constant 0 : i32
    %dma_start3A_77 = tpu.memref_slice %arg4[%dma_start3A_74, %dma_start3A_76] : memref<26x512xi32, #tpu.memory_space<vmem>> -> memref<1x512xi32, #tpu.memory_space<vmem>>
    %dma_start3A_78 = tpu.memref_squeeze %dma_start3A_77 : memref<1x512xi32, #tpu.memory_space<vmem>> -> memref<512xi32, #tpu.memory_space<vmem>>
    %dma_start3A_79 = tpu.memref_slice %arg3[%add3A_73] : memref<425984xi32, #tpu.memory_space<hbm>> -> memref<512xi32, #tpu.memory_space<hbm>>
    %dma_start3A_80 = tpu.memref_slice %arg5[%dma_start3A_75] : memref<26x!tpu.dma_semaphore, #tpu.memory_space<semaphore_mem>> -> memref<1x!tpu.dma_semaphore, #tpu.memory_space<semaphore_mem>>
    %dma_start3A_81 = tpu.memref_squeeze %dma_start3A_80 : memref<1x!tpu.dma_semaphore, #tpu.memory_space<semaphore_mem>> -> memref<!tpu.dma_semaphore, #tpu.memory_space<semaphore_mem>>
    %dma_start3A_82 = tpu.memref_slice %arg3[%add3A_73] : memref<425984xi32, #tpu.memory_space<hbm>> -> memref<512xi32, #tpu.memory_space<hbm>>
    %dma_start3A_83 = arith.constant 0 : i32
    %dma_start3A_84 = tpu.memref_slice %arg4[%dma_start3A_74, %dma_start3A_83] : memref<26x512xi32, #tpu.memory_space<vmem>> -> memref<1x512xi32, #tpu.memory_space<vmem>>
    %dma_start3A_85 = tpu.memref_squeeze %dma_start3A_84 : memref<1x512xi32, #tpu.memory_space<vmem>> -> memref<512xi32, #tpu.memory_space<vmem>>
    tpu.enqueue_dma source(%dma_start3A_85 : memref<512xi32, #tpu.memory_space<vmem>>) target(%dma_start3A_82 : memref<512xi32, #tpu.memory_space<hbm>>) target_semaphore(%dma_start3A_81 : memref<!tpu.dma_semaphore, #tpu.memory_space<semaphore_mem>>)
    %add3A_86 = arith.constant 98304 : i32
    %add3A_87 = arith.addi %add3A_86, %mul3A_2 : i32
    %dma_start3A_88 = arith.constant 6 : i32
    %dma_start3A_89 = arith.constant 6 : i32
    %dma_start3A_90 = arith.constant 0 : i32
    %dma_start3A_91 = tpu.memref_slice %arg4[%dma_start3A_88, %dma_start3A_90] : memref<26x512xi32, #tpu.memory_space<vmem>> -> memref<1x512xi32, #tpu.memory_space<vmem>>
    %dma_start3A_92 = tpu.memref_squeeze %dma_start3A_91 : memref<1x512xi32, #tpu.memory_space<vmem>> -> memref<512xi32, #tpu.memory_space<vmem>>
    %dma_start3A_93 = tpu.memref_slice %arg3[%add3A_87] : memref<425984xi32, #tpu.memory_space<hbm>> -> memref<512xi32, #tpu.memory_space<hbm>>
    %dma_start3A_94 = tpu.memref_slice %arg5[%dma_start3A_89] : memref<26x!tpu.dma_semaphore, #tpu.memory_space<semaphore_mem>> -> memref<1x!tpu.dma_semaphore, #tpu.memory_space<semaphore_mem>>
    %dma_start3A_95 = tpu.memref_squeeze %dma_start3A_94 : memref<1x!tpu.dma_semaphore, #tpu.memory_space<semaphore_mem>> -> memref<!tpu.dma_semaphore, #tpu.memory_space<semaphore_mem>>
    %dma_start3A_96 = tpu.memref_slice %arg3[%add3A_87] : memref<425984xi32, #tpu.memory_space<hbm>> -> memref<512xi32, #tpu.memory_space<hbm>>
    %dma_start3A_97 = arith.constant 0 : i32
    %dma_start3A_98 = tpu.memref_slice %arg4[%dma_start3A_88, %dma_start3A_97] : memref<26x512xi32, #tpu.memory_space<vmem>> -> memref<1x512xi32, #tpu.memory_space<vmem>>
    %dma_start3A_99 = tpu.memref_squeeze %dma_start3A_98 : memref<1x512xi32, #tpu.memory_space<vmem>> -> memref<512xi32, #tpu.memory_space<vmem>>
    tpu.enqueue_dma source(%dma_start3A_99 : memref<512xi32, #tpu.memory_space<vmem>>) target(%dma_start3A_96 : memref<512xi32, #tpu.memory_space<hbm>>) target_semaphore(%dma_start3A_95 : memref<!tpu.dma_semaphore, #tpu.memory_space<semaphore_mem>>)
    %add3A_100 = arith.constant 114688 : i32
    %add3A_101 = arith.addi %add3A_100, %mul3A_2 : i32
    %dma_start3A_102 = arith.constant 7 : i32
    %dma_start3A_103 = arith.constant 7 : i32
    %dma_start3A_104 = arith.constant 0 : i32
    %dma_start3A_105 = tpu.memref_slice %arg4[%dma_start3A_102, %dma_start3A_104] : memref<26x512xi32, #tpu.memory_space<vmem>> -> memref<1x512xi32, #tpu.memory_space<vmem>>
    %dma_start3A_106 = tpu.memref_squeeze %dma_start3A_105 : memref<1x512xi32, #tpu.memory_space<vmem>> -> memref<512xi32, #tpu.memory_space<vmem>>
    %dma_start3A_107 = tpu.memref_slice %arg3[%add3A_101] : memref<425984xi32, #tpu.memory_space<hbm>> -> memref<512xi32, #tpu.memory_space<hbm>>
    %dma_start3A_108 = tpu.memref_slice %arg5[%dma_start3A_103] : memref<26x!tpu.dma_semaphore, #tpu.memory_space<semaphore_mem>> -> memref<1x!tpu.dma_semaphore, #tpu.memory_space<semaphore_mem>>
    %dma_start3A_109 = tpu.memref_squeeze %dma_start3A_108 : memref<1x!tpu.dma_semaphore, #tpu.memory_space<semaphore_mem>> -> memref<!tpu.dma_semaphore, #tpu.memory_space<semaphore_mem>>
    %dma_start3A_110 = tpu.memref_slice %arg3[%add3A_101] : memref<425984xi32, #tpu.memory_space<hbm>> -> memref<512xi32, #tpu.memory_space<hbm>>
    %dma_start3A_111 = arith.constant 0 : i32
    %dma_start3A_112 = tpu.memref_slice %arg4[%dma_start3A_102, %dma_start3A_111] : memref<26x512xi32, #tpu.memory_space<vmem>> -> memref<1x512xi32, #tpu.memory_space<vmem>>
    %dma_start3A_113 = tpu.memref_squeeze %dma_start3A_112 : memref<1x512xi32, #tpu.memory_space<vmem>> -> memref<512xi32, #tpu.memory_space<vmem>>
    tpu.enqueue_dma source(%dma_start3A_113 : memref<512xi32, #tpu.memory_space<vmem>>) target(%dma_start3A_110 : memref<512xi32, #tpu.memory_space<hbm>>) target_semaphore(%dma_start3A_109 : memref<!tpu.dma_semaphore, #tpu.memory_space<semaphore_mem>>)
    %add3A_114 = arith.constant 131072 : i32
    %add3A_115 = arith.addi %add3A_114, %mul3A_2 : i32
    %dma_start3A_116 = arith.constant 8 : i32
    %dma_start3A_117 = arith.constant 8 : i32
    %dma_start3A_118 = arith.constant 0 : i32
    %dma_start3A_119 = tpu.memref_slice %arg4[%dma_start3A_116, %dma_start3A_118] : memref<26x512xi32, #tpu.memory_space<vmem>> -> memref<1x512xi32, #tpu.memory_space<vmem>>
    %dma_start3A_120 = tpu.memref_squeeze %dma_start3A_119 : memref<1x512xi32, #tpu.memory_space<vmem>> -> memref<512xi32, #tpu.memory_space<vmem>>
    %dma_start3A_121 = tpu.memref_slice %arg3[%add3A_115] : memref<425984xi32, #tpu.memory_space<hbm>> -> memref<512xi32, #tpu.memory_space<hbm>>
    %dma_start3A_122 = tpu.memref_slice %arg5[%dma_start3A_117] : memref<26x!tpu.dma_semaphore, #tpu.memory_space<semaphore_mem>> -> memref<1x!tpu.dma_semaphore, #tpu.memory_space<semaphore_mem>>
    %dma_start3A_123 = tpu.memref_squeeze %dma_start3A_122 : memref<1x!tpu.dma_semaphore, #tpu.memory_space<semaphore_mem>> -> memref<!tpu.dma_semaphore, #tpu.memory_space<semaphore_mem>>
    %dma_start3A_124 = tpu.memref_slice %arg3[%add3A_115] : memref<425984xi32, #tpu.memory_space<hbm>> -> memref<512xi32, #tpu.memory_space<hbm>>
    %dma_start3A_125 = arith.constant 0 : i32
    %dma_start3A_126 = tpu.memref_slice %arg4[%dma_start3A_116, %dma_start3A_125] : memref<26x512xi32, #tpu.memory_space<vmem>> -> memref<1x512xi32, #tpu.memory_space<vmem>>
    %dma_start3A_127 = tpu.memref_squeeze %dma_start3A_126 : memref<1x512xi32, #tpu.memory_space<vmem>> -> memref<512xi32, #tpu.memory_space<vmem>>
    tpu.enqueue_dma source(%dma_start3A_127 : memref<512xi32, #tpu.memory_space<vmem>>) target(%dma_start3A_124 : memref<512xi32, #tpu.memory_space<hbm>>) target_semaphore(%dma_start3A_123 : memref<!tpu.dma_semaphore, #tpu.memory_space<semaphore_mem>>)
    %add3A_128 = arith.constant 147456 : i32
    %add3A_129 = arith.addi %add3A_128, %mul3A_2 : i32
    %dma_start3A_130 = arith.constant 9 : i32
    %dma_start3A_131 = arith.constant 9 : i32
    %dma_start3A_132 = arith.constant 0 : i32
    %dma_start3A_133 = tpu.memref_slice %arg4[%dma_start3A_130, %dma_start3A_132] : memref<26x512xi32, #tpu.memory_space<vmem>> -> memref<1x512xi32, #tpu.memory_space<vmem>>
    %dma_start3A_134 = tpu.memref_squeeze %dma_start3A_133 : memref<1x512xi32, #tpu.memory_space<vmem>> -> memref<512xi32, #tpu.memory_space<vmem>>
    %dma_start3A_135 = tpu.memref_slice %arg3[%add3A_129] : memref<425984xi32, #tpu.memory_space<hbm>> -> memref<512xi32, #tpu.memory_space<hbm>>
    %dma_start3A_136 = tpu.memref_slice %arg5[%dma_start3A_131] : memref<26x!tpu.dma_semaphore, #tpu.memory_space<semaphore_mem>> -> memref<1x!tpu.dma_semaphore, #tpu.memory_space<semaphore_mem>>
    %dma_start3A_137 = tpu.memref_squeeze %dma_start3A_136 : memref<1x!tpu.dma_semaphore, #tpu.memory_space<semaphore_mem>> -> memref<!tpu.dma_semaphore, #tpu.memory_space<semaphore_mem>>
    %dma_start3A_138 = tpu.memref_slice %arg3[%add3A_129] : memref<425984xi32, #tpu.memory_space<hbm>> -> memref<512xi32, #tpu.memory_space<hbm>>
    %dma_start3A_139 = arith.constant 0 : i32
    %dma_start3A_140 = tpu.memref_slice %arg4[%dma_start3A_130, %dma_start3A_139] : memref<26x512xi32, #tpu.memory_space<vmem>> -> memref<1x512xi32, #tpu.memory_space<vmem>>
    %dma_start3A_141 = tpu.memref_squeeze %dma_start3A_140 : memref<1x512xi32, #tpu.memory_space<vmem>> -> memref<512xi32, #tpu.memory_space<vmem>>
    tpu.enqueue_dma source(%dma_start3A_141 : memref<512xi32, #tpu.memory_space<vmem>>) target(%dma_start3A_138 : memref<512xi32, #tpu.memory_space<hbm>>) target_semaphore(%dma_start3A_137 : memref<!tpu.dma_semaphore, #tpu.memory_space<semaphore_mem>>)
    %add3A_142 = arith.constant 163840 : i32
    %add3A_143 = arith.addi %add3A_142, %mul3A_2 : i32
    %dma_start3A_144 = arith.constant 10 : i32
    %dma_start3A_145 = arith.constant 10 : i32
    %dma_start3A_146 = arith.constant 0 : i32
    %dma_start3A_147 = tpu.memref_slice %arg4[%dma_start3A_144, %dma_start3A_146] : memref<26x512xi32, #tpu.memory_space<vmem>> -> memref<1x512xi32, #tpu.memory_space<vmem>>
    %dma_start3A_148 = tpu.memref_squeeze %dma_start3A_147 : memref<1x512xi32, #tpu.memory_space<vmem>> -> memref<512xi32, #tpu.memory_space<vmem>>
    %dma_start3A_149 = tpu.memref_slice %arg3[%add3A_143] : memref<425984xi32, #tpu.memory_space<hbm>> -> memref<512xi32, #tpu.memory_space<hbm>>
    %dma_start3A_150 = tpu.memref_slice %arg5[%dma_start3A_145] : memref<26x!tpu.dma_semaphore, #tpu.memory_space<semaphore_mem>> -> memref<1x!tpu.dma_semaphore, #tpu.memory_space<semaphore_mem>>
    %dma_start3A_151 = tpu.memref_squeeze %dma_start3A_150 : memref<1x!tpu.dma_semaphore, #tpu.memory_space<semaphore_mem>> -> memref<!tpu.dma_semaphore, #tpu.memory_space<semaphore_mem>>
    %dma_start3A_152 = tpu.memref_slice %arg3[%add3A_143] : memref<425984xi32, #tpu.memory_space<hbm>> -> memref<512xi32, #tpu.memory_space<hbm>>
    %dma_start3A_153 = arith.constant 0 : i32
    %dma_start3A_154 = tpu.memref_slice %arg4[%dma_start3A_144, %dma_start3A_153] : memref<26x512xi32, #tpu.memory_space<vmem>> -> memref<1x512xi32, #tpu.memory_space<vmem>>
    %dma_start3A_155 = tpu.memref_squeeze %dma_start3A_154 : memref<1x512xi32, #tpu.memory_space<vmem>> -> memref<512xi32, #tpu.memory_space<vmem>>
    tpu.enqueue_dma source(%dma_start3A_155 : memref<512xi32, #tpu.memory_space<vmem>>) target(%dma_start3A_152 : memref<512xi32, #tpu.memory_space<hbm>>) target_semaphore(%dma_start3A_151 : memref<!tpu.dma_semaphore, #tpu.memory_space<semaphore_mem>>)
    %add3A_156 = arith.constant 180224 : i32
    %add3A_157 = arith.addi %add3A_156, %mul3A_2 : i32
    %dma_start3A_158 = arith.constant 11 : i32
    %dma_start3A_159 = arith.constant 11 : i32
    %dma_start3A_160 = arith.constant 0 : i32
    %dma_start3A_161 = tpu.memref_slice %arg4[%dma_start3A_158, %dma_start3A_160] : memref<26x512xi32, #tpu.memory_space<vmem>> -> memref<1x512xi32, #tpu.memory_space<vmem>>
    %dma_start3A_162 = tpu.memref_squeeze %dma_start3A_161 : memref<1x512xi32, #tpu.memory_space<vmem>> -> memref<512xi32, #tpu.memory_space<vmem>>
    %dma_start3A_163 = tpu.memref_slice %arg3[%add3A_157] : memref<425984xi32, #tpu.memory_space<hbm>> -> memref<512xi32, #tpu.memory_space<hbm>>
    %dma_start3A_164 = tpu.memref_slice %arg5[%dma_start3A_159] : memref<26x!tpu.dma_semaphore, #tpu.memory_space<semaphore_mem>> -> memref<1x!tpu.dma_semaphore, #tpu.memory_space<semaphore_mem>>
    %dma_start3A_165 = tpu.memref_squeeze %dma_start3A_164 : memref<1x!tpu.dma_semaphore, #tpu.memory_space<semaphore_mem>> -> memref<!tpu.dma_semaphore, #tpu.memory_space<semaphore_mem>>
    %dma_start3A_166 = tpu.memref_slice %arg3[%add3A_157] : memref<425984xi32, #tpu.memory_space<hbm>> -> memref<512xi32, #tpu.memory_space<hbm>>
    %dma_start3A_167 = arith.constant 0 : i32
    %dma_start3A_168 = tpu.memref_slice %arg4[%dma_start3A_158, %dma_start3A_167] : memref<26x512xi32, #tpu.memory_space<vmem>> -> memref<1x512xi32, #tpu.memory_space<vmem>>
    %dma_start3A_169 = tpu.memref_squeeze %dma_start3A_168 : memref<1x512xi32, #tpu.memory_space<vmem>> -> memref<512xi32, #tpu.memory_space<vmem>>
    tpu.enqueue_dma source(%dma_start3A_169 : memref<512xi32, #tpu.memory_space<vmem>>) target(%dma_start3A_166 : memref<512xi32, #tpu.memory_space<hbm>>) target_semaphore(%dma_start3A_165 : memref<!tpu.dma_semaphore, #tpu.memory_space<semaphore_mem>>)
    %add3A_170 = arith.constant 196608 : i32
    %add3A_171 = arith.addi %add3A_170, %mul3A_2 : i32
    %dma_start3A_172 = arith.constant 12 : i32
    %dma_start3A_173 = arith.constant 12 : i32
    %dma_start3A_174 = arith.constant 0 : i32
    %dma_start3A_175 = tpu.memref_slice %arg4[%dma_start3A_172, %dma_start3A_174] : memref<26x512xi32, #tpu.memory_space<vmem>> -> memref<1x512xi32, #tpu.memory_space<vmem>>
    %dma_start3A_176 = tpu.memref_squeeze %dma_start3A_175 : memref<1x512xi32, #tpu.memory_space<vmem>> -> memref<512xi32, #tpu.memory_space<vmem>>
    %dma_start3A_177 = tpu.memref_slice %arg3[%add3A_171] : memref<425984xi32, #tpu.memory_space<hbm>> -> memref<512xi32, #tpu.memory_space<hbm>>
    %dma_start3A_178 = tpu.memref_slice %arg5[%dma_start3A_173] : memref<26x!tpu.dma_semaphore, #tpu.memory_space<semaphore_mem>> -> memref<1x!tpu.dma_semaphore, #tpu.memory_space<semaphore_mem>>
    %dma_start3A_179 = tpu.memref_squeeze %dma_start3A_178 : memref<1x!tpu.dma_semaphore, #tpu.memory_space<semaphore_mem>> -> memref<!tpu.dma_semaphore, #tpu.memory_space<semaphore_mem>>
    %dma_start3A_180 = tpu.memref_slice %arg3[%add3A_171] : memref<425984xi32, #tpu.memory_space<hbm>> -> memref<512xi32, #tpu.memory_space<hbm>>
    %dma_start3A_181 = arith.constant 0 : i32
    %dma_start3A_182 = tpu.memref_slice %arg4[%dma_start3A_172, %dma_start3A_181] : memref<26x512xi32, #tpu.memory_space<vmem>> -> memref<1x512xi32, #tpu.memory_space<vmem>>
    %dma_start3A_183 = tpu.memref_squeeze %dma_start3A_182 : memref<1x512xi32, #tpu.memory_space<vmem>> -> memref<512xi32, #tpu.memory_space<vmem>>
    tpu.enqueue_dma source(%dma_start3A_183 : memref<512xi32, #tpu.memory_space<vmem>>) target(%dma_start3A_180 : memref<512xi32, #tpu.memory_space<hbm>>) target_semaphore(%dma_start3A_179 : memref<!tpu.dma_semaphore, #tpu.memory_space<semaphore_mem>>)
    %add3A_184 = arith.constant 212992 : i32
    %add3A_185 = arith.addi %add3A_184, %mul3A_2 : i32
    %dma_start3A_186 = arith.constant 13 : i32
    %dma_start3A_187 = arith.constant 13 : i32
    %dma_start3A_188 = arith.constant 0 : i32
    %dma_start3A_189 = tpu.memref_slice %arg4[%dma_start3A_186, %dma_start3A_188] : memref<26x512xi32, #tpu.memory_space<vmem>> -> memref<1x512xi32, #tpu.memory_space<vmem>>
    %dma_start3A_190 = tpu.memref_squeeze %dma_start3A_189 : memref<1x512xi32, #tpu.memory_space<vmem>> -> memref<512xi32, #tpu.memory_space<vmem>>
    %dma_start3A_191 = tpu.memref_slice %arg3[%add3A_185] : memref<425984xi32, #tpu.memory_space<hbm>> -> memref<512xi32, #tpu.memory_space<hbm>>
    %dma_start3A_192 = tpu.memref_slice %arg5[%dma_start3A_187] : memref<26x!tpu.dma_semaphore, #tpu.memory_space<semaphore_mem>> -> memref<1x!tpu.dma_semaphore, #tpu.memory_space<semaphore_mem>>
    %dma_start3A_193 = tpu.memref_squeeze %dma_start3A_192 : memref<1x!tpu.dma_semaphore, #tpu.memory_space<semaphore_mem>> -> memref<!tpu.dma_semaphore, #tpu.memory_space<semaphore_mem>>
    %dma_start3A_194 = tpu.memref_slice %arg3[%add3A_185] : memref<425984xi32, #tpu.memory_space<hbm>> -> memref<512xi32, #tpu.memory_space<hbm>>
    %dma_start3A_195 = arith.constant 0 : i32
    %dma_start3A_196 = tpu.memref_slice %arg4[%dma_start3A_186, %dma_start3A_195] : memref<26x512xi32, #tpu.memory_space<vmem>> -> memref<1x512xi32, #tpu.memory_space<vmem>>
    %dma_start3A_197 = tpu.memref_squeeze %dma_start3A_196 : memref<1x512xi32, #tpu.memory_space<vmem>> -> memref<512xi32, #tpu.memory_space<vmem>>
    tpu.enqueue_dma source(%dma_start3A_197 : memref<512xi32, #tpu.memory_space<vmem>>) target(%dma_start3A_194 : memref<512xi32, #tpu.memory_space<hbm>>) target_semaphore(%dma_start3A_193 : memref<!tpu.dma_semaphore, #tpu.memory_space<semaphore_mem>>)
    %add3A_198 = arith.constant 229376 : i32
    %add3A_199 = arith.addi %add3A_198, %mul3A_2 : i32
    %dma_start3A_200 = arith.constant 14 : i32
    %dma_start3A_201 = arith.constant 14 : i32
    %dma_start3A_202 = arith.constant 0 : i32
    %dma_start3A_203 = tpu.memref_slice %arg4[%dma_start3A_200, %dma_start3A_202] : memref<26x512xi32, #tpu.memory_space<vmem>> -> memref<1x512xi32, #tpu.memory_space<vmem>>
    %dma_start3A_204 = tpu.memref_squeeze %dma_start3A_203 : memref<1x512xi32, #tpu.memory_space<vmem>> -> memref<512xi32, #tpu.memory_space<vmem>>
    %dma_start3A_205 = tpu.memref_slice %arg3[%add3A_199] : memref<425984xi32, #tpu.memory_space<hbm>> -> memref<512xi32, #tpu.memory_space<hbm>>
    %dma_start3A_206 = tpu.memref_slice %arg5[%dma_start3A_201] : memref<26x!tpu.dma_semaphore, #tpu.memory_space<semaphore_mem>> -> memref<1x!tpu.dma_semaphore, #tpu.memory_space<semaphore_mem>>
    %dma_start3A_207 = tpu.memref_squeeze %dma_start3A_206 : memref<1x!tpu.dma_semaphore, #tpu.memory_space<semaphore_mem>> -> memref<!tpu.dma_semaphore, #tpu.memory_space<semaphore_mem>>
    %dma_start3A_208 = tpu.memref_slice %arg3[%add3A_199] : memref<425984xi32, #tpu.memory_space<hbm>> -> memref<512xi32, #tpu.memory_space<hbm>>
    %dma_start3A_209 = arith.constant 0 : i32
    %dma_start3A_210 = tpu.memref_slice %arg4[%dma_start3A_200, %dma_start3A_209] : memref<26x512xi32, #tpu.memory_space<vmem>> -> memref<1x512xi32, #tpu.memory_space<vmem>>
    %dma_start3A_211 = tpu.memref_squeeze %dma_start3A_210 : memref<1x512xi32, #tpu.memory_space<vmem>> -> memref<512xi32, #tpu.memory_space<vmem>>
    tpu.enqueue_dma source(%dma_start3A_211 : memref<512xi32, #tpu.memory_space<vmem>>) target(%dma_start3A_208 : memref<512xi32, #tpu.memory_space<hbm>>) target_semaphore(%dma_start3A_207 : memref<!tpu.dma_semaphore, #tpu.memory_space<semaphore_mem>>)
    %add3A_212 = arith.constant 245760 : i32
    %add3A_213 = arith.addi %add3A_212, %mul3A_2 : i32
    %dma_start3A_214 = arith.constant 15 : i32
    %dma_start3A_215 = arith.constant 15 : i32
    %dma_start3A_216 = arith.constant 0 : i32
    %dma_start3A_217 = tpu.memref_slice %arg4[%dma_start3A_214, %dma_start3A_216] : memref<26x512xi32, #tpu.memory_space<vmem>> -> memref<1x512xi32, #tpu.memory_space<vmem>>
    %dma_start3A_218 = tpu.memref_squeeze %dma_start3A_217 : memref<1x512xi32, #tpu.memory_space<vmem>> -> memref<512xi32, #tpu.memory_space<vmem>>
    %dma_start3A_219 = tpu.memref_slice %arg3[%add3A_213] : memref<425984xi32, #tpu.memory_space<hbm>> -> memref<512xi32, #tpu.memory_space<hbm>>
    %dma_start3A_220 = tpu.memref_slice %arg5[%dma_start3A_215] : memref<26x!tpu.dma_semaphore, #tpu.memory_space<semaphore_mem>> -> memref<1x!tpu.dma_semaphore, #tpu.memory_space<semaphore_mem>>
    %dma_start3A_221 = tpu.memref_squeeze %dma_start3A_220 : memref<1x!tpu.dma_semaphore, #tpu.memory_space<semaphore_mem>> -> memref<!tpu.dma_semaphore, #tpu.memory_space<semaphore_mem>>
    %dma_start3A_222 = tpu.memref_slice %arg3[%add3A_213] : memref<425984xi32, #tpu.memory_space<hbm>> -> memref<512xi32, #tpu.memory_space<hbm>>
    %dma_start3A_223 = arith.constant 0 : i32
    %dma_start3A_224 = tpu.memref_slice %arg4[%dma_start3A_214, %dma_start3A_223] : memref<26x512xi32, #tpu.memory_space<vmem>> -> memref<1x512xi32, #tpu.memory_space<vmem>>
    %dma_start3A_225 = tpu.memref_squeeze %dma_start3A_224 : memref<1x512xi32, #tpu.memory_space<vmem>> -> memref<512xi32, #tpu.memory_space<vmem>>
    tpu.enqueue_dma source(%dma_start3A_225 : memref<512xi32, #tpu.memory_space<vmem>>) target(%dma_start3A_222 : memref<512xi32, #tpu.memory_space<hbm>>) target_semaphore(%dma_start3A_221 : memref<!tpu.dma_semaphore, #tpu.memory_space<semaphore_mem>>)
    %add3A_226 = arith.constant 262144 : i32
    %add3A_227 = arith.addi %add3A_226, %mul3A_2 : i32
    %dma_start3A_228 = arith.constant 16 : i32
    %dma_start3A_229 = arith.constant 16 : i32
    %dma_start3A_230 = arith.constant 0 : i32
    %dma_start3A_231 = tpu.memref_slice %arg4[%dma_start3A_228, %dma_start3A_230] : memref<26x512xi32, #tpu.memory_space<vmem>> -> memref<1x512xi32, #tpu.memory_space<vmem>>
    %dma_start3A_232 = tpu.memref_squeeze %dma_start3A_231 : memref<1x512xi32, #tpu.memory_space<vmem>> -> memref<512xi32, #tpu.memory_space<vmem>>
    %dma_start3A_233 = tpu.memref_slice %arg3[%add3A_227] : memref<425984xi32, #tpu.memory_space<hbm>> -> memref<512xi32, #tpu.memory_space<hbm>>
    %dma_start3A_234 = tpu.memref_slice %arg5[%dma_start3A_229] : memref<26x!tpu.dma_semaphore, #tpu.memory_space<semaphore_mem>> -> memref<1x!tpu.dma_semaphore, #tpu.memory_space<semaphore_mem>>
    %dma_start3A_235 = tpu.memref_squeeze %dma_start3A_234 : memref<1x!tpu.dma_semaphore, #tpu.memory_space<semaphore_mem>> -> memref<!tpu.dma_semaphore, #tpu.memory_space<semaphore_mem>>
    %dma_start3A_236 = tpu.memref_slice %arg3[%add3A_227] : memref<425984xi32, #tpu.memory_space<hbm>> -> memref<512xi32, #tpu.memory_space<hbm>>
    %dma_start3A_237 = arith.constant 0 : i32
    %dma_start3A_238 = tpu.memref_slice %arg4[%dma_start3A_228, %dma_start3A_237] : memref<26x512xi32, #tpu.memory_space<vmem>> -> memref<1x512xi32, #tpu.memory_space<vmem>>
    %dma_start3A_239 = tpu.memref_squeeze %dma_start3A_238 : memref<1x512xi32, #tpu.memory_space<vmem>> -> memref<512xi32, #tpu.memory_space<vmem>>
    tpu.enqueue_dma source(%dma_start3A_239 : memref<512xi32, #tpu.memory_space<vmem>>) target(%dma_start3A_236 : memref<512xi32, #tpu.memory_space<hbm>>) target_semaphore(%dma_start3A_235 : memref<!tpu.dma_semaphore, #tpu.memory_space<semaphore_mem>>)
    %add3A_240 = arith.constant 278528 : i32
    %add3A_241 = arith.addi %add3A_240, %mul3A_2 : i32
    %dma_start3A_242 = arith.constant 17 : i32
    %dma_start3A_243 = arith.constant 17 : i32
    %dma_start3A_244 = arith.constant 0 : i32
    %dma_start3A_245 = tpu.memref_slice %arg4[%dma_start3A_242, %dma_start3A_244] : memref<26x512xi32, #tpu.memory_space<vmem>> -> memref<1x512xi32, #tpu.memory_space<vmem>>
    %dma_start3A_246 = tpu.memref_squeeze %dma_start3A_245 : memref<1x512xi32, #tpu.memory_space<vmem>> -> memref<512xi32, #tpu.memory_space<vmem>>
    %dma_start3A_247 = tpu.memref_slice %arg3[%add3A_241] : memref<425984xi32, #tpu.memory_space<hbm>> -> memref<512xi32, #tpu.memory_space<hbm>>
    %dma_start3A_248 = tpu.memref_slice %arg5[%dma_start3A_243] : memref<26x!tpu.dma_semaphore, #tpu.memory_space<semaphore_mem>> -> memref<1x!tpu.dma_semaphore, #tpu.memory_space<semaphore_mem>>
    %dma_start3A_249 = tpu.memref_squeeze %dma_start3A_248 : memref<1x!tpu.dma_semaphore, #tpu.memory_space<semaphore_mem>> -> memref<!tpu.dma_semaphore, #tpu.memory_space<semaphore_mem>>
    %dma_start3A_250 = tpu.memref_slice %arg3[%add3A_241] : memref<425984xi32, #tpu.memory_space<hbm>> -> memref<512xi32, #tpu.memory_space<hbm>>
    %dma_start3A_251 = arith.constant 0 : i32
    %dma_start3A_252 = tpu.memref_slice %arg4[%dma_start3A_242, %dma_start3A_251] : memref<26x512xi32, #tpu.memory_space<vmem>> -> memref<1x512xi32, #tpu.memory_space<vmem>>
    %dma_start3A_253 = tpu.memref_squeeze %dma_start3A_252 : memref<1x512xi32, #tpu.memory_space<vmem>> -> memref<512xi32, #tpu.memory_space<vmem>>
    tpu.enqueue_dma source(%dma_start3A_253 : memref<512xi32, #tpu.memory_space<vmem>>) target(%dma_start3A_250 : memref<512xi32, #tpu.memory_space<hbm>>) target_semaphore(%dma_start3A_249 : memref<!tpu.dma_semaphore, #tpu.memory_space<semaphore_mem>>)
    %add3A_254 = arith.constant 294912 : i32
    %add3A_255 = arith.addi %add3A_254, %mul3A_2 : i32
    %dma_start3A_256 = arith.constant 18 : i32
    %dma_start3A_257 = arith.constant 18 : i32
    %dma_start3A_258 = arith.constant 0 : i32
    %dma_start3A_259 = tpu.memref_slice %arg4[%dma_start3A_256, %dma_start3A_258] : memref<26x512xi32, #tpu.memory_space<vmem>> -> memref<1x512xi32, #tpu.memory_space<vmem>>
    %dma_start3A_260 = tpu.memref_squeeze %dma_start3A_259 : memref<1x512xi32, #tpu.memory_space<vmem>> -> memref<512xi32, #tpu.memory_space<vmem>>
    %dma_start3A_261 = tpu.memref_slice %arg3[%add3A_255] : memref<425984xi32, #tpu.memory_space<hbm>> -> memref<512xi32, #tpu.memory_space<hbm>>
    %dma_start3A_262 = tpu.memref_slice %arg5[%dma_start3A_257] : memref<26x!tpu.dma_semaphore, #tpu.memory_space<semaphore_mem>> -> memref<1x!tpu.dma_semaphore, #tpu.memory_space<semaphore_mem>>
    %dma_start3A_263 = tpu.memref_squeeze %dma_start3A_262 : memref<1x!tpu.dma_semaphore, #tpu.memory_space<semaphore_mem>> -> memref<!tpu.dma_semaphore, #tpu.memory_space<semaphore_mem>>
    %dma_start3A_264 = tpu.memref_slice %arg3[%add3A_255] : memref<425984xi32, #tpu.memory_space<hbm>> -> memref<512xi32, #tpu.memory_space<hbm>>
    %dma_start3A_265 = arith.constant 0 : i32
    %dma_start3A_266 = tpu.memref_slice %arg4[%dma_start3A_256, %dma_start3A_265] : memref<26x512xi32, #tpu.memory_space<vmem>> -> memref<1x512xi32, #tpu.memory_space<vmem>>
    %dma_start3A_267 = tpu.memref_squeeze %dma_start3A_266 : memref<1x512xi32, #tpu.memory_space<vmem>> -> memref<512xi32, #tpu.memory_space<vmem>>
    tpu.enqueue_dma source(%dma_start3A_267 : memref<512xi32, #tpu.memory_space<vmem>>) target(%dma_start3A_264 : memref<512xi32, #tpu.memory_space<hbm>>) target_semaphore(%dma_start3A_263 : memref<!tpu.dma_semaphore, #tpu.memory_space<semaphore_mem>>)
    %add3A_268 = arith.constant 311296 : i32
    %add3A_269 = arith.addi %add3A_268, %mul3A_2 : i32
    %dma_start3A_270 = arith.constant 19 : i32
    %dma_start3A_271 = arith.constant 19 : i32
    %dma_start3A_272 = arith.constant 0 : i32
    %dma_start3A_273 = tpu.memref_slice %arg4[%dma_start3A_270, %dma_start3A_272] : memref<26x512xi32, #tpu.memory_space<vmem>> -> memref<1x512xi32, #tpu.memory_space<vmem>>
    %dma_start3A_274 = tpu.memref_squeeze %dma_start3A_273 : memref<1x512xi32, #tpu.memory_space<vmem>> -> memref<512xi32, #tpu.memory_space<vmem>>
    %dma_start3A_275 = tpu.memref_slice %arg3[%add3A_269] : memref<425984xi32, #tpu.memory_space<hbm>> -> memref<512xi32, #tpu.memory_space<hbm>>
    %dma_start3A_276 = tpu.memref_slice %arg5[%dma_start3A_271] : memref<26x!tpu.dma_semaphore, #tpu.memory_space<semaphore_mem>> -> memref<1x!tpu.dma_semaphore, #tpu.memory_space<semaphore_mem>>
    %dma_start3A_277 = tpu.memref_squeeze %dma_start3A_276 : memref<1x!tpu.dma_semaphore, #tpu.memory_space<semaphore_mem>> -> memref<!tpu.dma_semaphore, #tpu.memory_space<semaphore_mem>>
    %dma_start3A_278 = tpu.memref_slice %arg3[%add3A_269] : memref<425984xi32, #tpu.memory_space<hbm>> -> memref<512xi32, #tpu.memory_space<hbm>>
    %dma_start3A_279 = arith.constant 0 : i32
    %dma_start3A_280 = tpu.memref_slice %arg4[%dma_start3A_270, %dma_start3A_279] : memref<26x512xi32, #tpu.memory_space<vmem>> -> memref<1x512xi32, #tpu.memory_space<vmem>>
    %dma_start3A_281 = tpu.memref_squeeze %dma_start3A_280 : memref<1x512xi32, #tpu.memory_space<vmem>> -> memref<512xi32, #tpu.memory_space<vmem>>
    tpu.enqueue_dma source(%dma_start3A_281 : memref<512xi32, #tpu.memory_space<vmem>>) target(%dma_start3A_278 : memref<512xi32, #tpu.memory_space<hbm>>) target_semaphore(%dma_start3A_277 : memref<!tpu.dma_semaphore, #tpu.memory_space<semaphore_mem>>)
    %add3A_282 = arith.constant 327680 : i32
    %add3A_283 = arith.addi %add3A_282, %mul3A_2 : i32
    %dma_start3A_284 = arith.constant 20 : i32
    %dma_start3A_285 = arith.constant 20 : i32
    %dma_start3A_286 = arith.constant 0 : i32
    %dma_start3A_287 = tpu.memref_slice %arg4[%dma_start3A_284, %dma_start3A_286] : memref<26x512xi32, #tpu.memory_space<vmem>> -> memref<1x512xi32, #tpu.memory_space<vmem>>
    %dma_start3A_288 = tpu.memref_squeeze %dma_start3A_287 : memref<1x512xi32, #tpu.memory_space<vmem>> -> memref<512xi32, #tpu.memory_space<vmem>>
    %dma_start3A_289 = tpu.memref_slice %arg3[%add3A_283] : memref<425984xi32, #tpu.memory_space<hbm>> -> memref<512xi32, #tpu.memory_space<hbm>>
    %dma_start3A_290 = tpu.memref_slice %arg5[%dma_start3A_285] : memref<26x!tpu.dma_semaphore, #tpu.memory_space<semaphore_mem>> -> memref<1x!tpu.dma_semaphore, #tpu.memory_space<semaphore_mem>>
    %dma_start3A_291 = tpu.memref_squeeze %dma_start3A_290 : memref<1x!tpu.dma_semaphore, #tpu.memory_space<semaphore_mem>> -> memref<!tpu.dma_semaphore, #tpu.memory_space<semaphore_mem>>
    %dma_start3A_292 = tpu.memref_slice %arg3[%add3A_283] : memref<425984xi32, #tpu.memory_space<hbm>> -> memref<512xi32, #tpu.memory_space<hbm>>
    %dma_start3A_293 = arith.constant 0 : i32
    %dma_start3A_294 = tpu.memref_slice %arg4[%dma_start3A_284, %dma_start3A_293] : memref<26x512xi32, #tpu.memory_space<vmem>> -> memref<1x512xi32, #tpu.memory_space<vmem>>
    %dma_start3A_295 = tpu.memref_squeeze %dma_start3A_294 : memref<1x512xi32, #tpu.memory_space<vmem>> -> memref<512xi32, #tpu.memory_space<vmem>>
    tpu.enqueue_dma source(%dma_start3A_295 : memref<512xi32, #tpu.memory_space<vmem>>) target(%dma_start3A_292 : memref<512xi32, #tpu.memory_space<hbm>>) target_semaphore(%dma_start3A_291 : memref<!tpu.dma_semaphore, #tpu.memory_space<semaphore_mem>>)
    %add3A_296 = arith.constant 344064 : i32
    %add3A_297 = arith.addi %add3A_296, %mul3A_2 : i32
    %dma_start3A_298 = arith.constant 21 : i32
    %dma_start3A_299 = arith.constant 21 : i32
    %dma_start3A_300 = arith.constant 0 : i32
    %dma_start3A_301 = tpu.memref_slice %arg4[%dma_start3A_298, %dma_start3A_300] : memref<26x512xi32, #tpu.memory_space<vmem>> -> memref<1x512xi32, #tpu.memory_space<vmem>>
    %dma_start3A_302 = tpu.memref_squeeze %dma_start3A_301 : memref<1x512xi32, #tpu.memory_space<vmem>> -> memref<512xi32, #tpu.memory_space<vmem>>
    %dma_start3A_303 = tpu.memref_slice %arg3[%add3A_297] : memref<425984xi32, #tpu.memory_space<hbm>> -> memref<512xi32, #tpu.memory_space<hbm>>
    %dma_start3A_304 = tpu.memref_slice %arg5[%dma_start3A_299] : memref<26x!tpu.dma_semaphore, #tpu.memory_space<semaphore_mem>> -> memref<1x!tpu.dma_semaphore, #tpu.memory_space<semaphore_mem>>
    %dma_start3A_305 = tpu.memref_squeeze %dma_start3A_304 : memref<1x!tpu.dma_semaphore, #tpu.memory_space<semaphore_mem>> -> memref<!tpu.dma_semaphore, #tpu.memory_space<semaphore_mem>>
    %dma_start3A_306 = tpu.memref_slice %arg3[%add3A_297] : memref<425984xi32, #tpu.memory_space<hbm>> -> memref<512xi32, #tpu.memory_space<hbm>>
    %dma_start3A_307 = arith.constant 0 : i32
    %dma_start3A_308 = tpu.memref_slice %arg4[%dma_start3A_298, %dma_start3A_307] : memref<26x512xi32, #tpu.memory_space<vmem>> -> memref<1x512xi32, #tpu.memory_space<vmem>>
    %dma_start3A_309 = tpu.memref_squeeze %dma_start3A_308 : memref<1x512xi32, #tpu.memory_space<vmem>> -> memref<512xi32, #tpu.memory_space<vmem>>
    tpu.enqueue_dma source(%dma_start3A_309 : memref<512xi32, #tpu.memory_space<vmem>>) target(%dma_start3A_306 : memref<512xi32, #tpu.memory_space<hbm>>) target_semaphore(%dma_start3A_305 : memref<!tpu.dma_semaphore, #tpu.memory_space<semaphore_mem>>)
    %add3A_310 = arith.constant 360448 : i32
    %add3A_311 = arith.addi %add3A_310, %mul3A_2 : i32
    %dma_start3A_312 = arith.constant 22 : i32
    %dma_start3A_313 = arith.constant 22 : i32
    %dma_start3A_314 = arith.constant 0 : i32
    %dma_start3A_315 = tpu.memref_slice %arg4[%dma_start3A_312, %dma_start3A_314] : memref<26x512xi32, #tpu.memory_space<vmem>> -> memref<1x512xi32, #tpu.memory_space<vmem>>
    %dma_start3A_316 = tpu.memref_squeeze %dma_start3A_315 : memref<1x512xi32, #tpu.memory_space<vmem>> -> memref<512xi32, #tpu.memory_space<vmem>>
    %dma_start3A_317 = tpu.memref_slice %arg3[%add3A_311] : memref<425984xi32, #tpu.memory_space<hbm>> -> memref<512xi32, #tpu.memory_space<hbm>>
    %dma_start3A_318 = tpu.memref_slice %arg5[%dma_start3A_313] : memref<26x!tpu.dma_semaphore, #tpu.memory_space<semaphore_mem>> -> memref<1x!tpu.dma_semaphore, #tpu.memory_space<semaphore_mem>>
    %dma_start3A_319 = tpu.memref_squeeze %dma_start3A_318 : memref<1x!tpu.dma_semaphore, #tpu.memory_space<semaphore_mem>> -> memref<!tpu.dma_semaphore, #tpu.memory_space<semaphore_mem>>
    %dma_start3A_320 = tpu.memref_slice %arg3[%add3A_311] : memref<425984xi32, #tpu.memory_space<hbm>> -> memref<512xi32, #tpu.memory_space<hbm>>
    %dma_start3A_321 = arith.constant 0 : i32
    %dma_start3A_322 = tpu.memref_slice %arg4[%dma_start3A_312, %dma_start3A_321] : memref<26x512xi32, #tpu.memory_space<vmem>> -> memref<1x512xi32, #tpu.memory_space<vmem>>
    %dma_start3A_323 = tpu.memref_squeeze %dma_start3A_322 : memref<1x512xi32, #tpu.memory_space<vmem>> -> memref<512xi32, #tpu.memory_space<vmem>>
    tpu.enqueue_dma source(%dma_start3A_323 : memref<512xi32, #tpu.memory_space<vmem>>) target(%dma_start3A_320 : memref<512xi32, #tpu.memory_space<hbm>>) target_semaphore(%dma_start3A_319 : memref<!tpu.dma_semaphore, #tpu.memory_space<semaphore_mem>>)
    %add3A_324 = arith.constant 376832 : i32
    %add3A_325 = arith.addi %add3A_324, %mul3A_2 : i32
    %dma_start3A_326 = arith.constant 23 : i32
    %dma_start3A_327 = arith.constant 23 : i32
    %dma_start3A_328 = arith.constant 0 : i32
    %dma_start3A_329 = tpu.memref_slice %arg4[%dma_start3A_326, %dma_start3A_328] : memref<26x512xi32, #tpu.memory_space<vmem>> -> memref<1x512xi32, #tpu.memory_space<vmem>>
    %dma_start3A_330 = tpu.memref_squeeze %dma_start3A_329 : memref<1x512xi32, #tpu.memory_space<vmem>> -> memref<512xi32, #tpu.memory_space<vmem>>
    %dma_start3A_331 = tpu.memref_slice %arg3[%add3A_325] : memref<425984xi32, #tpu.memory_space<hbm>> -> memref<512xi32, #tpu.memory_space<hbm>>
    %dma_start3A_332 = tpu.memref_slice %arg5[%dma_start3A_327] : memref<26x!tpu.dma_semaphore, #tpu.memory_space<semaphore_mem>> -> memref<1x!tpu.dma_semaphore, #tpu.memory_space<semaphore_mem>>
    %dma_start3A_333 = tpu.memref_squeeze %dma_start3A_332 : memref<1x!tpu.dma_semaphore, #tpu.memory_space<semaphore_mem>> -> memref<!tpu.dma_semaphore, #tpu.memory_space<semaphore_mem>>
    %dma_start3A_334 = tpu.memref_slice %arg3[%add3A_325] : memref<425984xi32, #tpu.memory_space<hbm>> -> memref<512xi32, #tpu.memory_space<hbm>>
    %dma_start3A_335 = arith.constant 0 : i32
    %dma_start3A_336 = tpu.memref_slice %arg4[%dma_start3A_326, %dma_start3A_335] : memref<26x512xi32, #tpu.memory_space<vmem>> -> memref<1x512xi32, #tpu.memory_space<vmem>>
    %dma_start3A_337 = tpu.memref_squeeze %dma_start3A_336 : memref<1x512xi32, #tpu.memory_space<vmem>> -> memref<512xi32, #tpu.memory_space<vmem>>
    tpu.enqueue_dma source(%dma_start3A_337 : memref<512xi32, #tpu.memory_space<vmem>>) target(%dma_start3A_334 : memref<512xi32, #tpu.memory_space<hbm>>) target_semaphore(%dma_start3A_333 : memref<!tpu.dma_semaphore, #tpu.memory_space<semaphore_mem>>)
    %add3A_338 = arith.constant 393216 : i32
    %add3A_339 = arith.addi %add3A_338, %mul3A_2 : i32
    %dma_start3A_340 = arith.constant 24 : i32
    %dma_start3A_341 = arith.constant 24 : i32
    %dma_start3A_342 = arith.constant 0 : i32
    %dma_start3A_343 = tpu.memref_slice %arg4[%dma_start3A_340, %dma_start3A_342] : memref<26x512xi32, #tpu.memory_space<vmem>> -> memref<1x512xi32, #tpu.memory_space<vmem>>
    %dma_start3A_344 = tpu.memref_squeeze %dma_start3A_343 : memref<1x512xi32, #tpu.memory_space<vmem>> -> memref<512xi32, #tpu.memory_space<vmem>>
    %dma_start3A_345 = tpu.memref_slice %arg3[%add3A_339] : memref<425984xi32, #tpu.memory_space<hbm>> -> memref<512xi32, #tpu.memory_space<hbm>>
    %dma_start3A_346 = tpu.memref_slice %arg5[%dma_start3A_341] : memref<26x!tpu.dma_semaphore, #tpu.memory_space<semaphore_mem>> -> memref<1x!tpu.dma_semaphore, #tpu.memory_space<semaphore_mem>>
    %dma_start3A_347 = tpu.memref_squeeze %dma_start3A_346 : memref<1x!tpu.dma_semaphore, #tpu.memory_space<semaphore_mem>> -> memref<!tpu.dma_semaphore, #tpu.memory_space<semaphore_mem>>
    %dma_start3A_348 = tpu.memref_slice %arg3[%add3A_339] : memref<425984xi32, #tpu.memory_space<hbm>> -> memref<512xi32, #tpu.memory_space<hbm>>
    %dma_start3A_349 = arith.constant 0 : i32
    %dma_start3A_350 = tpu.memref_slice %arg4[%dma_start3A_340, %dma_start3A_349] : memref<26x512xi32, #tpu.memory_space<vmem>> -> memref<1x512xi32, #tpu.memory_space<vmem>>
    %dma_start3A_351 = tpu.memref_squeeze %dma_start3A_350 : memref<1x512xi32, #tpu.memory_space<vmem>> -> memref<512xi32, #tpu.memory_space<vmem>>
    tpu.enqueue_dma source(%dma_start3A_351 : memref<512xi32, #tpu.memory_space<vmem>>) target(%dma_start3A_348 : memref<512xi32, #tpu.memory_space<hbm>>) target_semaphore(%dma_start3A_347 : memref<!tpu.dma_semaphore, #tpu.memory_space<semaphore_mem>>)
    %add3A_352 = arith.constant 409600 : i32
    %add3A_353 = arith.addi %add3A_352, %mul3A_2 : i32
    %dma_start3A_354 = arith.constant 25 : i32
    %dma_start3A_355 = arith.constant 25 : i32
    %dma_start3A_356 = arith.constant 0 : i32
    %dma_start3A_357 = tpu.memref_slice %arg4[%dma_start3A_354, %dma_start3A_356] : memref<26x512xi32, #tpu.memory_space<vmem>> -> memref<1x512xi32, #tpu.memory_space<vmem>>
    %dma_start3A_358 = tpu.memref_squeeze %dma_start3A_357 : memref<1x512xi32, #tpu.memory_space<vmem>> -> memref<512xi32, #tpu.memory_space<vmem>>
    %dma_start3A_359 = tpu.memref_slice %arg3[%add3A_353] : memref<425984xi32, #tpu.memory_space<hbm>> -> memref<512xi32, #tpu.memory_space<hbm>>
    %dma_start3A_360 = tpu.memref_slice %arg5[%dma_start3A_355] : memref<26x!tpu.dma_semaphore, #tpu.memory_space<semaphore_mem>> -> memref<1x!tpu.dma_semaphore, #tpu.memory_space<semaphore_mem>>
    %dma_start3A_361 = tpu.memref_squeeze %dma_start3A_360 : memref<1x!tpu.dma_semaphore, #tpu.memory_space<semaphore_mem>> -> memref<!tpu.dma_semaphore, #tpu.memory_space<semaphore_mem>>
    %dma_start3A_362 = tpu.memref_slice %arg3[%add3A_353] : memref<425984xi32, #tpu.memory_space<hbm>> -> memref<512xi32, #tpu.memory_space<hbm>>
    %dma_start3A_363 = arith.constant 0 : i32
    %dma_start3A_364 = tpu.memref_slice %arg4[%dma_start3A_354, %dma_start3A_363] : memref<26x512xi32, #tpu.memory_space<vmem>> -> memref<1x512xi32, #tpu.memory_space<vmem>>
    %dma_start3A_365 = tpu.memref_squeeze %dma_start3A_364 : memref<1x512xi32, #tpu.memory_space<vmem>> -> memref<512xi32, #tpu.memory_space<vmem>>
    tpu.enqueue_dma source(%dma_start3A_365 : memref<512xi32, #tpu.memory_space<vmem>>) target(%dma_start3A_362 : memref<512xi32, #tpu.memory_space<hbm>>) target_semaphore(%dma_start3A_361 : memref<!tpu.dma_semaphore, #tpu.memory_space<semaphore_mem>>)
    %dma_wait3A = arith.constant 0 : i32
    %dma_wait3A_366 = arith.constant 0 : i32
    %dma_wait3A_367 = arith.constant 0 : i32
    %dma_wait3A_368 = tpu.memref_slice %arg4[%dma_wait3A, %dma_wait3A_367] : memref<26x512xi32, #tpu.memory_space<vmem>> -> memref<1x512xi32, #tpu.memory_space<vmem>>
    %dma_wait3A_369 = tpu.memref_squeeze %dma_wait3A_368 : memref<1x512xi32, #tpu.memory_space<vmem>> -> memref<512xi32, #tpu.memory_space<vmem>>
    %dma_wait3A_370 = tpu.memref_slice %arg3[%add3A_4] : memref<425984xi32, #tpu.memory_space<hbm>> -> memref<512xi32, #tpu.memory_space<hbm>>
    %dma_wait3A_371 = tpu.memref_slice %arg5[%dma_wait3A_366] : memref<26x!tpu.dma_semaphore, #tpu.memory_space<semaphore_mem>> -> memref<1x!tpu.dma_semaphore, #tpu.memory_space<semaphore_mem>>
    %dma_wait3A_372 = tpu.memref_squeeze %dma_wait3A_371 : memref<1x!tpu.dma_semaphore, #tpu.memory_space<semaphore_mem>> -> memref<!tpu.dma_semaphore, #tpu.memory_space<semaphore_mem>>
    %dma_wait3A_373 = tpu.memref_slice %arg3[%add3A_4] : memref<425984xi32, #tpu.memory_space<hbm>> -> memref<512xi32, #tpu.memory_space<hbm>>
    %dma_wait3A_374 = arith.constant 0 : i32
    %dma_wait3A_375 = tpu.memref_slice %arg4[%dma_wait3A, %dma_wait3A_374] : memref<26x512xi32, #tpu.memory_space<vmem>> -> memref<1x512xi32, #tpu.memory_space<vmem>>
    %dma_wait3A_376 = tpu.memref_squeeze %dma_wait3A_375 : memref<1x512xi32, #tpu.memory_space<vmem>> -> memref<512xi32, #tpu.memory_space<vmem>>
    tpu.wait_dma2 semaphore(%dma_wait3A_372 : memref<!tpu.dma_semaphore, #tpu.memory_space<semaphore_mem>>) src(%dma_wait3A_376 : memref<512xi32, #tpu.memory_space<vmem>>) dst(%dma_wait3A_373 : memref<512xi32, #tpu.memory_space<hbm>>)
    %dma_wait3A_377 = arith.constant 1 : i32
    %dma_wait3A_378 = arith.constant 1 : i32
    %dma_wait3A_379 = arith.constant 0 : i32
    %dma_wait3A_380 = tpu.memref_slice %arg4[%dma_wait3A_377, %dma_wait3A_379] : memref<26x512xi32, #tpu.memory_space<vmem>> -> memref<1x512xi32, #tpu.memory_space<vmem>>
    %dma_wait3A_381 = tpu.memref_squeeze %dma_wait3A_380 : memref<1x512xi32, #tpu.memory_space<vmem>> -> memref<512xi32, #tpu.memory_space<vmem>>
    %dma_wait3A_382 = tpu.memref_slice %arg3[%add3A_17] : memref<425984xi32, #tpu.memory_space<hbm>> -> memref<512xi32, #tpu.memory_space<hbm>>
    %dma_wait3A_383 = tpu.memref_slice %arg5[%dma_wait3A_378] : memref<26x!tpu.dma_semaphore, #tpu.memory_space<semaphore_mem>> -> memref<1x!tpu.dma_semaphore, #tpu.memory_space<semaphore_mem>>
    %dma_wait3A_384 = tpu.memref_squeeze %dma_wait3A_383 : memref<1x!tpu.dma_semaphore, #tpu.memory_space<semaphore_mem>> -> memref<!tpu.dma_semaphore, #tpu.memory_space<semaphore_mem>>
    %dma_wait3A_385 = tpu.memref_slice %arg3[%add3A_17] : memref<425984xi32, #tpu.memory_space<hbm>> -> memref<512xi32, #tpu.memory_space<hbm>>
    %dma_wait3A_386 = arith.constant 0 : i32
    %dma_wait3A_387 = tpu.memref_slice %arg4[%dma_wait3A_377, %dma_wait3A_386] : memref<26x512xi32, #tpu.memory_space<vmem>> -> memref<1x512xi32, #tpu.memory_space<vmem>>
    %dma_wait3A_388 = tpu.memref_squeeze %dma_wait3A_387 : memref<1x512xi32, #tpu.memory_space<vmem>> -> memref<512xi32, #tpu.memory_space<vmem>>
    tpu.wait_dma2 semaphore(%dma_wait3A_384 : memref<!tpu.dma_semaphore, #tpu.memory_space<semaphore_mem>>) src(%dma_wait3A_388 : memref<512xi32, #tpu.memory_space<vmem>>) dst(%dma_wait3A_385 : memref<512xi32, #tpu.memory_space<hbm>>)
    %dma_wait3A_389 = arith.constant 2 : i32
    %dma_wait3A_390 = arith.constant 2 : i32
    %dma_wait3A_391 = arith.constant 0 : i32
    %dma_wait3A_392 = tpu.memref_slice %arg4[%dma_wait3A_389, %dma_wait3A_391] : memref<26x512xi32, #tpu.memory_space<vmem>> -> memref<1x512xi32, #tpu.memory_space<vmem>>
    %dma_wait3A_393 = tpu.memref_squeeze %dma_wait3A_392 : memref<1x512xi32, #tpu.memory_space<vmem>> -> memref<512xi32, #tpu.memory_space<vmem>>
    %dma_wait3A_394 = tpu.memref_slice %arg3[%add3A_31] : memref<425984xi32, #tpu.memory_space<hbm>> -> memref<512xi32, #tpu.memory_space<hbm>>
    %dma_wait3A_395 = tpu.memref_slice %arg5[%dma_wait3A_390] : memref<26x!tpu.dma_semaphore, #tpu.memory_space<semaphore_mem>> -> memref<1x!tpu.dma_semaphore, #tpu.memory_space<semaphore_mem>>
    %dma_wait3A_396 = tpu.memref_squeeze %dma_wait3A_395 : memref<1x!tpu.dma_semaphore, #tpu.memory_space<semaphore_mem>> -> memref<!tpu.dma_semaphore, #tpu.memory_space<semaphore_mem>>
    %dma_wait3A_397 = tpu.memref_slice %arg3[%add3A_31] : memref<425984xi32, #tpu.memory_space<hbm>> -> memref<512xi32, #tpu.memory_space<hbm>>
    %dma_wait3A_398 = arith.constant 0 : i32
    %dma_wait3A_399 = tpu.memref_slice %arg4[%dma_wait3A_389, %dma_wait3A_398] : memref<26x512xi32, #tpu.memory_space<vmem>> -> memref<1x512xi32, #tpu.memory_space<vmem>>
    %dma_wait3A_400 = tpu.memref_squeeze %dma_wait3A_399 : memref<1x512xi32, #tpu.memory_space<vmem>> -> memref<512xi32, #tpu.memory_space<vmem>>
    tpu.wait_dma2 semaphore(%dma_wait3A_396 : memref<!tpu.dma_semaphore, #tpu.memory_space<semaphore_mem>>) src(%dma_wait3A_400 : memref<512xi32, #tpu.memory_space<vmem>>) dst(%dma_wait3A_397 : memref<512xi32, #tpu.memory_space<hbm>>)
    %dma_wait3A_401 = arith.constant 3 : i32
    %dma_wait3A_402 = arith.constant 3 : i32
    %dma_wait3A_403 = arith.constant 0 : i32
    %dma_wait3A_404 = tpu.memref_slice %arg4[%dma_wait3A_401, %dma_wait3A_403] : memref<26x512xi32, #tpu.memory_space<vmem>> -> memref<1x512xi32, #tpu.memory_space<vmem>>
    %dma_wait3A_405 = tpu.memref_squeeze %dma_wait3A_404 : memref<1x512xi32, #tpu.memory_space<vmem>> -> memref<512xi32, #tpu.memory_space<vmem>>
    %dma_wait3A_406 = tpu.memref_slice %arg3[%add3A_45] : memref<425984xi32, #tpu.memory_space<hbm>> -> memref<512xi32, #tpu.memory_space<hbm>>
    %dma_wait3A_407 = tpu.memref_slice %arg5[%dma_wait3A_402] : memref<26x!tpu.dma_semaphore, #tpu.memory_space<semaphore_mem>> -> memref<1x!tpu.dma_semaphore, #tpu.memory_space<semaphore_mem>>
    %dma_wait3A_408 = tpu.memref_squeeze %dma_wait3A_407 : memref<1x!tpu.dma_semaphore, #tpu.memory_space<semaphore_mem>> -> memref<!tpu.dma_semaphore, #tpu.memory_space<semaphore_mem>>
    %dma_wait3A_409 = tpu.memref_slice %arg3[%add3A_45] : memref<425984xi32, #tpu.memory_space<hbm>> -> memref<512xi32, #tpu.memory_space<hbm>>
    %dma_wait3A_410 = arith.constant 0 : i32
    %dma_wait3A_411 = tpu.memref_slice %arg4[%dma_wait3A_401, %dma_wait3A_410] : memref<26x512xi32, #tpu.memory_space<vmem>> -> memref<1x512xi32, #tpu.memory_space<vmem>>
    %dma_wait3A_412 = tpu.memref_squeeze %dma_wait3A_411 : memref<1x512xi32, #tpu.memory_space<vmem>> -> memref<512xi32, #tpu.memory_space<vmem>>
    tpu.wait_dma2 semaphore(%dma_wait3A_408 : memref<!tpu.dma_semaphore, #tpu.memory_space<semaphore_mem>>) src(%dma_wait3A_412 : memref<512xi32, #tpu.memory_space<vmem>>) dst(%dma_wait3A_409 : memref<512xi32, #tpu.memory_space<hbm>>)
    %dma_wait3A_413 = arith.constant 4 : i32
    %dma_wait3A_414 = arith.constant 4 : i32
    %dma_wait3A_415 = arith.constant 0 : i32
    %dma_wait3A_416 = tpu.memref_slice %arg4[%dma_wait3A_413, %dma_wait3A_415] : memref<26x512xi32, #tpu.memory_space<vmem>> -> memref<1x512xi32, #tpu.memory_space<vmem>>
    %dma_wait3A_417 = tpu.memref_squeeze %dma_wait3A_416 : memref<1x512xi32, #tpu.memory_space<vmem>> -> memref<512xi32, #tpu.memory_space<vmem>>
    %dma_wait3A_418 = tpu.memref_slice %arg3[%add3A_59] : memref<425984xi32, #tpu.memory_space<hbm>> -> memref<512xi32, #tpu.memory_space<hbm>>
    %dma_wait3A_419 = tpu.memref_slice %arg5[%dma_wait3A_414] : memref<26x!tpu.dma_semaphore, #tpu.memory_space<semaphore_mem>> -> memref<1x!tpu.dma_semaphore, #tpu.memory_space<semaphore_mem>>
    %dma_wait3A_420 = tpu.memref_squeeze %dma_wait3A_419 : memref<1x!tpu.dma_semaphore, #tpu.memory_space<semaphore_mem>> -> memref<!tpu.dma_semaphore, #tpu.memory_space<semaphore_mem>>
    %dma_wait3A_421 = tpu.memref_slice %arg3[%add3A_59] : memref<425984xi32, #tpu.memory_space<hbm>> -> memref<512xi32, #tpu.memory_space<hbm>>
    %dma_wait3A_422 = arith.constant 0 : i32
    %dma_wait3A_423 = tpu.memref_slice %arg4[%dma_wait3A_413, %dma_wait3A_422] : memref<26x512xi32, #tpu.memory_space<vmem>> -> memref<1x512xi32, #tpu.memory_space<vmem>>
    %dma_wait3A_424 = tpu.memref_squeeze %dma_wait3A_423 : memref<1x512xi32, #tpu.memory_space<vmem>> -> memref<512xi32, #tpu.memory_space<vmem>>
    tpu.wait_dma2 semaphore(%dma_wait3A_420 : memref<!tpu.dma_semaphore, #tpu.memory_space<semaphore_mem>>) src(%dma_wait3A_424 : memref<512xi32, #tpu.memory_space<vmem>>) dst(%dma_wait3A_421 : memref<512xi32, #tpu.memory_space<hbm>>)
    %dma_wait3A_425 = arith.constant 5 : i32
    %dma_wait3A_426 = arith.constant 5 : i32
    %dma_wait3A_427 = arith.constant 0 : i32
    %dma_wait3A_428 = tpu.memref_slice %arg4[%dma_wait3A_425, %dma_wait3A_427] : memref<26x512xi32, #tpu.memory_space<vmem>> -> memref<1x512xi32, #tpu.memory_space<vmem>>
    %dma_wait3A_429 = tpu.memref_squeeze %dma_wait3A_428 : memref<1x512xi32, #tpu.memory_space<vmem>> -> memref<512xi32, #tpu.memory_space<vmem>>
    %dma_wait3A_430 = tpu.memref_slice %arg3[%add3A_73] : memref<425984xi32, #tpu.memory_space<hbm>> -> memref<512xi32, #tpu.memory_space<hbm>>
    %dma_wait3A_431 = tpu.memref_slice %arg5[%dma_wait3A_426] : memref<26x!tpu.dma_semaphore, #tpu.memory_space<semaphore_mem>> -> memref<1x!tpu.dma_semaphore, #tpu.memory_space<semaphore_mem>>
    %dma_wait3A_432 = tpu.memref_squeeze %dma_wait3A_431 : memref<1x!tpu.dma_semaphore, #tpu.memory_space<semaphore_mem>> -> memref<!tpu.dma_semaphore, #tpu.memory_space<semaphore_mem>>
    %dma_wait3A_433 = tpu.memref_slice %arg3[%add3A_73] : memref<425984xi32, #tpu.memory_space<hbm>> -> memref<512xi32, #tpu.memory_space<hbm>>
    %dma_wait3A_434 = arith.constant 0 : i32
    %dma_wait3A_435 = tpu.memref_slice %arg4[%dma_wait3A_425, %dma_wait3A_434] : memref<26x512xi32, #tpu.memory_space<vmem>> -> memref<1x512xi32, #tpu.memory_space<vmem>>
    %dma_wait3A_436 = tpu.memref_squeeze %dma_wait3A_435 : memref<1x512xi32, #tpu.memory_space<vmem>> -> memref<512xi32, #tpu.memory_space<vmem>>
    tpu.wait_dma2 semaphore(%dma_wait3A_432 : memref<!tpu.dma_semaphore, #tpu.memory_space<semaphore_mem>>) src(%dma_wait3A_436 : memref<512xi32, #tpu.memory_space<vmem>>) dst(%dma_wait3A_433 : memref<512xi32, #tpu.memory_space<hbm>>)
    %dma_wait3A_437 = arith.constant 6 : i32
    %dma_wait3A_438 = arith.constant 6 : i32
    %dma_wait3A_439 = arith.constant 0 : i32
    %dma_wait3A_440 = tpu.memref_slice %arg4[%dma_wait3A_437, %dma_wait3A_439] : memref<26x512xi32, #tpu.memory_space<vmem>> -> memref<1x512xi32, #tpu.memory_space<vmem>>
    %dma_wait3A_441 = tpu.memref_squeeze %dma_wait3A_440 : memref<1x512xi32, #tpu.memory_space<vmem>> -> memref<512xi32, #tpu.memory_space<vmem>>
    %dma_wait3A_442 = tpu.memref_slice %arg3[%add3A_87] : memref<425984xi32, #tpu.memory_space<hbm>> -> memref<512xi32, #tpu.memory_space<hbm>>
    %dma_wait3A_443 = tpu.memref_slice %arg5[%dma_wait3A_438] : memref<26x!tpu.dma_semaphore, #tpu.memory_space<semaphore_mem>> -> memref<1x!tpu.dma_semaphore, #tpu.memory_space<semaphore_mem>>
    %dma_wait3A_444 = tpu.memref_squeeze %dma_wait3A_443 : memref<1x!tpu.dma_semaphore, #tpu.memory_space<semaphore_mem>> -> memref<!tpu.dma_semaphore, #tpu.memory_space<semaphore_mem>>
    %dma_wait3A_445 = tpu.memref_slice %arg3[%add3A_87] : memref<425984xi32, #tpu.memory_space<hbm>> -> memref<512xi32, #tpu.memory_space<hbm>>
    %dma_wait3A_446 = arith.constant 0 : i32
    %dma_wait3A_447 = tpu.memref_slice %arg4[%dma_wait3A_437, %dma_wait3A_446] : memref<26x512xi32, #tpu.memory_space<vmem>> -> memref<1x512xi32, #tpu.memory_space<vmem>>
    %dma_wait3A_448 = tpu.memref_squeeze %dma_wait3A_447 : memref<1x512xi32, #tpu.memory_space<vmem>> -> memref<512xi32, #tpu.memory_space<vmem>>
    tpu.wait_dma2 semaphore(%dma_wait3A_444 : memref<!tpu.dma_semaphore, #tpu.memory_space<semaphore_mem>>) src(%dma_wait3A_448 : memref<512xi32, #tpu.memory_space<vmem>>) dst(%dma_wait3A_445 : memref<512xi32, #tpu.memory_space<hbm>>)
    %dma_wait3A_449 = arith.constant 7 : i32
    %dma_wait3A_450 = arith.constant 7 : i32
    %dma_wait3A_451 = arith.constant 0 : i32
    %dma_wait3A_452 = tpu.memref_slice %arg4[%dma_wait3A_449, %dma_wait3A_451] : memref<26x512xi32, #tpu.memory_space<vmem>> -> memref<1x512xi32, #tpu.memory_space<vmem>>
    %dma_wait3A_453 = tpu.memref_squeeze %dma_wait3A_452 : memref<1x512xi32, #tpu.memory_space<vmem>> -> memref<512xi32, #tpu.memory_space<vmem>>
    %dma_wait3A_454 = tpu.memref_slice %arg3[%add3A_101] : memref<425984xi32, #tpu.memory_space<hbm>> -> memref<512xi32, #tpu.memory_space<hbm>>
    %dma_wait3A_455 = tpu.memref_slice %arg5[%dma_wait3A_450] : memref<26x!tpu.dma_semaphore, #tpu.memory_space<semaphore_mem>> -> memref<1x!tpu.dma_semaphore, #tpu.memory_space<semaphore_mem>>
    %dma_wait3A_456 = tpu.memref_squeeze %dma_wait3A_455 : memref<1x!tpu.dma_semaphore, #tpu.memory_space<semaphore_mem>> -> memref<!tpu.dma_semaphore, #tpu.memory_space<semaphore_mem>>
    %dma_wait3A_457 = tpu.memref_slice %arg3[%add3A_101] : memref<425984xi32, #tpu.memory_space<hbm>> -> memref<512xi32, #tpu.memory_space<hbm>>
    %dma_wait3A_458 = arith.constant 0 : i32
    %dma_wait3A_459 = tpu.memref_slice %arg4[%dma_wait3A_449, %dma_wait3A_458] : memref<26x512xi32, #tpu.memory_space<vmem>> -> memref<1x512xi32, #tpu.memory_space<vmem>>
    %dma_wait3A_460 = tpu.memref_squeeze %dma_wait3A_459 : memref<1x512xi32, #tpu.memory_space<vmem>> -> memref<512xi32, #tpu.memory_space<vmem>>
    tpu.wait_dma2 semaphore(%dma_wait3A_456 : memref<!tpu.dma_semaphore, #tpu.memory_space<semaphore_mem>>) src(%dma_wait3A_460 : memref<512xi32, #tpu.memory_space<vmem>>) dst(%dma_wait3A_457 : memref<512xi32, #tpu.memory_space<hbm>>)
    %dma_wait3A_461 = arith.constant 8 : i32
    %dma_wait3A_462 = arith.constant 8 : i32
    %dma_wait3A_463 = arith.constant 0 : i32
    %dma_wait3A_464 = tpu.memref_slice %arg4[%dma_wait3A_461, %dma_wait3A_463] : memref<26x512xi32, #tpu.memory_space<vmem>> -> memref<1x512xi32, #tpu.memory_space<vmem>>
    %dma_wait3A_465 = tpu.memref_squeeze %dma_wait3A_464 : memref<1x512xi32, #tpu.memory_space<vmem>> -> memref<512xi32, #tpu.memory_space<vmem>>
    %dma_wait3A_466 = tpu.memref_slice %arg3[%add3A_115] : memref<425984xi32, #tpu.memory_space<hbm>> -> memref<512xi32, #tpu.memory_space<hbm>>
    %dma_wait3A_467 = tpu.memref_slice %arg5[%dma_wait3A_462] : memref<26x!tpu.dma_semaphore, #tpu.memory_space<semaphore_mem>> -> memref<1x!tpu.dma_semaphore, #tpu.memory_space<semaphore_mem>>
    %dma_wait3A_468 = tpu.memref_squeeze %dma_wait3A_467 : memref<1x!tpu.dma_semaphore, #tpu.memory_space<semaphore_mem>> -> memref<!tpu.dma_semaphore, #tpu.memory_space<semaphore_mem>>
    %dma_wait3A_469 = tpu.memref_slice %arg3[%add3A_115] : memref<425984xi32, #tpu.memory_space<hbm>> -> memref<512xi32, #tpu.memory_space<hbm>>
    %dma_wait3A_470 = arith.constant 0 : i32
    %dma_wait3A_471 = tpu.memref_slice %arg4[%dma_wait3A_461, %dma_wait3A_470] : memref<26x512xi32, #tpu.memory_space<vmem>> -> memref<1x512xi32, #tpu.memory_space<vmem>>
    %dma_wait3A_472 = tpu.memref_squeeze %dma_wait3A_471 : memref<1x512xi32, #tpu.memory_space<vmem>> -> memref<512xi32, #tpu.memory_space<vmem>>
    tpu.wait_dma2 semaphore(%dma_wait3A_468 : memref<!tpu.dma_semaphore, #tpu.memory_space<semaphore_mem>>) src(%dma_wait3A_472 : memref<512xi32, #tpu.memory_space<vmem>>) dst(%dma_wait3A_469 : memref<512xi32, #tpu.memory_space<hbm>>)
    %dma_wait3A_473 = arith.constant 9 : i32
    %dma_wait3A_474 = arith.constant 9 : i32
    %dma_wait3A_475 = arith.constant 0 : i32
    %dma_wait3A_476 = tpu.memref_slice %arg4[%dma_wait3A_473, %dma_wait3A_475] : memref<26x512xi32, #tpu.memory_space<vmem>> -> memref<1x512xi32, #tpu.memory_space<vmem>>
    %dma_wait3A_477 = tpu.memref_squeeze %dma_wait3A_476 : memref<1x512xi32, #tpu.memory_space<vmem>> -> memref<512xi32, #tpu.memory_space<vmem>>
    %dma_wait3A_478 = tpu.memref_slice %arg3[%add3A_129] : memref<425984xi32, #tpu.memory_space<hbm>> -> memref<512xi32, #tpu.memory_space<hbm>>
    %dma_wait3A_479 = tpu.memref_slice %arg5[%dma_wait3A_474] : memref<26x!tpu.dma_semaphore, #tpu.memory_space<semaphore_mem>> -> memref<1x!tpu.dma_semaphore, #tpu.memory_space<semaphore_mem>>
    %dma_wait3A_480 = tpu.memref_squeeze %dma_wait3A_479 : memref<1x!tpu.dma_semaphore, #tpu.memory_space<semaphore_mem>> -> memref<!tpu.dma_semaphore, #tpu.memory_space<semaphore_mem>>
    %dma_wait3A_481 = tpu.memref_slice %arg3[%add3A_129] : memref<425984xi32, #tpu.memory_space<hbm>> -> memref<512xi32, #tpu.memory_space<hbm>>
    %dma_wait3A_482 = arith.constant 0 : i32
    %dma_wait3A_483 = tpu.memref_slice %arg4[%dma_wait3A_473, %dma_wait3A_482] : memref<26x512xi32, #tpu.memory_space<vmem>> -> memref<1x512xi32, #tpu.memory_space<vmem>>
    %dma_wait3A_484 = tpu.memref_squeeze %dma_wait3A_483 : memref<1x512xi32, #tpu.memory_space<vmem>> -> memref<512xi32, #tpu.memory_space<vmem>>
    tpu.wait_dma2 semaphore(%dma_wait3A_480 : memref<!tpu.dma_semaphore, #tpu.memory_space<semaphore_mem>>) src(%dma_wait3A_484 : memref<512xi32, #tpu.memory_space<vmem>>) dst(%dma_wait3A_481 : memref<512xi32, #tpu.memory_space<hbm>>)
    %dma_wait3A_485 = arith.constant 10 : i32
    %dma_wait3A_486 = arith.constant 10 : i32
    %dma_wait3A_487 = arith.constant 0 : i32
    %dma_wait3A_488 = tpu.memref_slice %arg4[%dma_wait3A_485, %dma_wait3A_487] : memref<26x512xi32, #tpu.memory_space<vmem>> -> memref<1x512xi32, #tpu.memory_space<vmem>>
    %dma_wait3A_489 = tpu.memref_squeeze %dma_wait3A_488 : memref<1x512xi32, #tpu.memory_space<vmem>> -> memref<512xi32, #tpu.memory_space<vmem>>
    %dma_wait3A_490 = tpu.memref_slice %arg3[%add3A_143] : memref<425984xi32, #tpu.memory_space<hbm>> -> memref<512xi32, #tpu.memory_space<hbm>>
    %dma_wait3A_491 = tpu.memref_slice %arg5[%dma_wait3A_486] : memref<26x!tpu.dma_semaphore, #tpu.memory_space<semaphore_mem>> -> memref<1x!tpu.dma_semaphore, #tpu.memory_space<semaphore_mem>>
    %dma_wait3A_492 = tpu.memref_squeeze %dma_wait3A_491 : memref<1x!tpu.dma_semaphore, #tpu.memory_space<semaphore_mem>> -> memref<!tpu.dma_semaphore, #tpu.memory_space<semaphore_mem>>
    %dma_wait3A_493 = tpu.memref_slice %arg3[%add3A_143] : memref<425984xi32, #tpu.memory_space<hbm>> -> memref<512xi32, #tpu.memory_space<hbm>>
    %dma_wait3A_494 = arith.constant 0 : i32
    %dma_wait3A_495 = tpu.memref_slice %arg4[%dma_wait3A_485, %dma_wait3A_494] : memref<26x512xi32, #tpu.memory_space<vmem>> -> memref<1x512xi32, #tpu.memory_space<vmem>>
    %dma_wait3A_496 = tpu.memref_squeeze %dma_wait3A_495 : memref<1x512xi32, #tpu.memory_space<vmem>> -> memref<512xi32, #tpu.memory_space<vmem>>
    tpu.wait_dma2 semaphore(%dma_wait3A_492 : memref<!tpu.dma_semaphore, #tpu.memory_space<semaphore_mem>>) src(%dma_wait3A_496 : memref<512xi32, #tpu.memory_space<vmem>>) dst(%dma_wait3A_493 : memref<512xi32, #tpu.memory_space<hbm>>)
    %dma_wait3A_497 = arith.constant 11 : i32
    %dma_wait3A_498 = arith.constant 11 : i32
    %dma_wait3A_499 = arith.constant 0 : i32
    %dma_wait3A_500 = tpu.memref_slice %arg4[%dma_wait3A_497, %dma_wait3A_499] : memref<26x512xi32, #tpu.memory_space<vmem>> -> memref<1x512xi32, #tpu.memory_space<vmem>>
    %dma_wait3A_501 = tpu.memref_squeeze %dma_wait3A_500 : memref<1x512xi32, #tpu.memory_space<vmem>> -> memref<512xi32, #tpu.memory_space<vmem>>
    %dma_wait3A_502 = tpu.memref_slice %arg3[%add3A_157] : memref<425984xi32, #tpu.memory_space<hbm>> -> memref<512xi32, #tpu.memory_space<hbm>>
    %dma_wait3A_503 = tpu.memref_slice %arg5[%dma_wait3A_498] : memref<26x!tpu.dma_semaphore, #tpu.memory_space<semaphore_mem>> -> memref<1x!tpu.dma_semaphore, #tpu.memory_space<semaphore_mem>>
    %dma_wait3A_504 = tpu.memref_squeeze %dma_wait3A_503 : memref<1x!tpu.dma_semaphore, #tpu.memory_space<semaphore_mem>> -> memref<!tpu.dma_semaphore, #tpu.memory_space<semaphore_mem>>
    %dma_wait3A_505 = tpu.memref_slice %arg3[%add3A_157] : memref<425984xi32, #tpu.memory_space<hbm>> -> memref<512xi32, #tpu.memory_space<hbm>>
    %dma_wait3A_506 = arith.constant 0 : i32
    %dma_wait3A_507 = tpu.memref_slice %arg4[%dma_wait3A_497, %dma_wait3A_506] : memref<26x512xi32, #tpu.memory_space<vmem>> -> memref<1x512xi32, #tpu.memory_space<vmem>>
    %dma_wait3A_508 = tpu.memref_squeeze %dma_wait3A_507 : memref<1x512xi32, #tpu.memory_space<vmem>> -> memref<512xi32, #tpu.memory_space<vmem>>
    tpu.wait_dma2 semaphore(%dma_wait3A_504 : memref<!tpu.dma_semaphore, #tpu.memory_space<semaphore_mem>>) src(%dma_wait3A_508 : memref<512xi32, #tpu.memory_space<vmem>>) dst(%dma_wait3A_505 : memref<512xi32, #tpu.memory_space<hbm>>)
    %dma_wait3A_509 = arith.constant 12 : i32
    %dma_wait3A_510 = arith.constant 12 : i32
    %dma_wait3A_511 = arith.constant 0 : i32
    %dma_wait3A_512 = tpu.memref_slice %arg4[%dma_wait3A_509, %dma_wait3A_511] : memref<26x512xi32, #tpu.memory_space<vmem>> -> memref<1x512xi32, #tpu.memory_space<vmem>>
    %dma_wait3A_513 = tpu.memref_squeeze %dma_wait3A_512 : memref<1x512xi32, #tpu.memory_space<vmem>> -> memref<512xi32, #tpu.memory_space<vmem>>
    %dma_wait3A_514 = tpu.memref_slice %arg3[%add3A_171] : memref<425984xi32, #tpu.memory_space<hbm>> -> memref<512xi32, #tpu.memory_space<hbm>>
    %dma_wait3A_515 = tpu.memref_slice %arg5[%dma_wait3A_510] : memref<26x!tpu.dma_semaphore, #tpu.memory_space<semaphore_mem>> -> memref<1x!tpu.dma_semaphore, #tpu.memory_space<semaphore_mem>>
    %dma_wait3A_516 = tpu.memref_squeeze %dma_wait3A_515 : memref<1x!tpu.dma_semaphore, #tpu.memory_space<semaphore_mem>> -> memref<!tpu.dma_semaphore, #tpu.memory_space<semaphore_mem>>
    %dma_wait3A_517 = tpu.memref_slice %arg3[%add3A_171] : memref<425984xi32, #tpu.memory_space<hbm>> -> memref<512xi32, #tpu.memory_space<hbm>>
    %dma_wait3A_518 = arith.constant 0 : i32
    %dma_wait3A_519 = tpu.memref_slice %arg4[%dma_wait3A_509, %dma_wait3A_518] : memref<26x512xi32, #tpu.memory_space<vmem>> -> memref<1x512xi32, #tpu.memory_space<vmem>>
    %dma_wait3A_520 = tpu.memref_squeeze %dma_wait3A_519 : memref<1x512xi32, #tpu.memory_space<vmem>> -> memref<512xi32, #tpu.memory_space<vmem>>
    tpu.wait_dma2 semaphore(%dma_wait3A_516 : memref<!tpu.dma_semaphore, #tpu.memory_space<semaphore_mem>>) src(%dma_wait3A_520 : memref<512xi32, #tpu.memory_space<vmem>>) dst(%dma_wait3A_517 : memref<512xi32, #tpu.memory_space<hbm>>)
    %dma_wait3A_521 = arith.constant 13 : i32
    %dma_wait3A_522 = arith.constant 13 : i32
    %dma_wait3A_523 = arith.constant 0 : i32
    %dma_wait3A_524 = tpu.memref_slice %arg4[%dma_wait3A_521, %dma_wait3A_523] : memref<26x512xi32, #tpu.memory_space<vmem>> -> memref<1x512xi32, #tpu.memory_space<vmem>>
    %dma_wait3A_525 = tpu.memref_squeeze %dma_wait3A_524 : memref<1x512xi32, #tpu.memory_space<vmem>> -> memref<512xi32, #tpu.memory_space<vmem>>
    %dma_wait3A_526 = tpu.memref_slice %arg3[%add3A_185] : memref<425984xi32, #tpu.memory_space<hbm>> -> memref<512xi32, #tpu.memory_space<hbm>>
    %dma_wait3A_527 = tpu.memref_slice %arg5[%dma_wait3A_522] : memref<26x!tpu.dma_semaphore, #tpu.memory_space<semaphore_mem>> -> memref<1x!tpu.dma_semaphore, #tpu.memory_space<semaphore_mem>>
    %dma_wait3A_528 = tpu.memref_squeeze %dma_wait3A_527 : memref<1x!tpu.dma_semaphore, #tpu.memory_space<semaphore_mem>> -> memref<!tpu.dma_semaphore, #tpu.memory_space<semaphore_mem>>
    %dma_wait3A_529 = tpu.memref_slice %arg3[%add3A_185] : memref<425984xi32, #tpu.memory_space<hbm>> -> memref<512xi32, #tpu.memory_space<hbm>>
    %dma_wait3A_530 = arith.constant 0 : i32
    %dma_wait3A_531 = tpu.memref_slice %arg4[%dma_wait3A_521, %dma_wait3A_530] : memref<26x512xi32, #tpu.memory_space<vmem>> -> memref<1x512xi32, #tpu.memory_space<vmem>>
    %dma_wait3A_532 = tpu.memref_squeeze %dma_wait3A_531 : memref<1x512xi32, #tpu.memory_space<vmem>> -> memref<512xi32, #tpu.memory_space<vmem>>
    tpu.wait_dma2 semaphore(%dma_wait3A_528 : memref<!tpu.dma_semaphore, #tpu.memory_space<semaphore_mem>>) src(%dma_wait3A_532 : memref<512xi32, #tpu.memory_space<vmem>>) dst(%dma_wait3A_529 : memref<512xi32, #tpu.memory_space<hbm>>)
    %dma_wait3A_533 = arith.constant 14 : i32
    %dma_wait3A_534 = arith.constant 14 : i32
    %dma_wait3A_535 = arith.constant 0 : i32
    %dma_wait3A_536 = tpu.memref_slice %arg4[%dma_wait3A_533, %dma_wait3A_535] : memref<26x512xi32, #tpu.memory_space<vmem>> -> memref<1x512xi32, #tpu.memory_space<vmem>>
    %dma_wait3A_537 = tpu.memref_squeeze %dma_wait3A_536 : memref<1x512xi32, #tpu.memory_space<vmem>> -> memref<512xi32, #tpu.memory_space<vmem>>
    %dma_wait3A_538 = tpu.memref_slice %arg3[%add3A_199] : memref<425984xi32, #tpu.memory_space<hbm>> -> memref<512xi32, #tpu.memory_space<hbm>>
    %dma_wait3A_539 = tpu.memref_slice %arg5[%dma_wait3A_534] : memref<26x!tpu.dma_semaphore, #tpu.memory_space<semaphore_mem>> -> memref<1x!tpu.dma_semaphore, #tpu.memory_space<semaphore_mem>>
    %dma_wait3A_540 = tpu.memref_squeeze %dma_wait3A_539 : memref<1x!tpu.dma_semaphore, #tpu.memory_space<semaphore_mem>> -> memref<!tpu.dma_semaphore, #tpu.memory_space<semaphore_mem>>
    %dma_wait3A_541 = tpu.memref_slice %arg3[%add3A_199] : memref<425984xi32, #tpu.memory_space<hbm>> -> memref<512xi32, #tpu.memory_space<hbm>>
    %dma_wait3A_542 = arith.constant 0 : i32
    %dma_wait3A_543 = tpu.memref_slice %arg4[%dma_wait3A_533, %dma_wait3A_542] : memref<26x512xi32, #tpu.memory_space<vmem>> -> memref<1x512xi32, #tpu.memory_space<vmem>>
    %dma_wait3A_544 = tpu.memref_squeeze %dma_wait3A_543 : memref<1x512xi32, #tpu.memory_space<vmem>> -> memref<512xi32, #tpu.memory_space<vmem>>
    tpu.wait_dma2 semaphore(%dma_wait3A_540 : memref<!tpu.dma_semaphore, #tpu.memory_space<semaphore_mem>>) src(%dma_wait3A_544 : memref<512xi32, #tpu.memory_space<vmem>>) dst(%dma_wait3A_541 : memref<512xi32, #tpu.memory_space<hbm>>)
    %dma_wait3A_545 = arith.constant 15 : i32
    %dma_wait3A_546 = arith.constant 15 : i32
    %dma_wait3A_547 = arith.constant 0 : i32
    %dma_wait3A_548 = tpu.memref_slice %arg4[%dma_wait3A_545, %dma_wait3A_547] : memref<26x512xi32, #tpu.memory_space<vmem>> -> memref<1x512xi32, #tpu.memory_space<vmem>>
    %dma_wait3A_549 = tpu.memref_squeeze %dma_wait3A_548 : memref<1x512xi32, #tpu.memory_space<vmem>> -> memref<512xi32, #tpu.memory_space<vmem>>
    %dma_wait3A_550 = tpu.memref_slice %arg3[%add3A_213] : memref<425984xi32, #tpu.memory_space<hbm>> -> memref<512xi32, #tpu.memory_space<hbm>>
    %dma_wait3A_551 = tpu.memref_slice %arg5[%dma_wait3A_546] : memref<26x!tpu.dma_semaphore, #tpu.memory_space<semaphore_mem>> -> memref<1x!tpu.dma_semaphore, #tpu.memory_space<semaphore_mem>>
    %dma_wait3A_552 = tpu.memref_squeeze %dma_wait3A_551 : memref<1x!tpu.dma_semaphore, #tpu.memory_space<semaphore_mem>> -> memref<!tpu.dma_semaphore, #tpu.memory_space<semaphore_mem>>
    %dma_wait3A_553 = tpu.memref_slice %arg3[%add3A_213] : memref<425984xi32, #tpu.memory_space<hbm>> -> memref<512xi32, #tpu.memory_space<hbm>>
    %dma_wait3A_554 = arith.constant 0 : i32
    %dma_wait3A_555 = tpu.memref_slice %arg4[%dma_wait3A_545, %dma_wait3A_554] : memref<26x512xi32, #tpu.memory_space<vmem>> -> memref<1x512xi32, #tpu.memory_space<vmem>>
    %dma_wait3A_556 = tpu.memref_squeeze %dma_wait3A_555 : memref<1x512xi32, #tpu.memory_space<vmem>> -> memref<512xi32, #tpu.memory_space<vmem>>
    tpu.wait_dma2 semaphore(%dma_wait3A_552 : memref<!tpu.dma_semaphore, #tpu.memory_space<semaphore_mem>>) src(%dma_wait3A_556 : memref<512xi32, #tpu.memory_space<vmem>>) dst(%dma_wait3A_553 : memref<512xi32, #tpu.memory_space<hbm>>)
    %dma_wait3A_557 = arith.constant 16 : i32
    %dma_wait3A_558 = arith.constant 16 : i32
    %dma_wait3A_559 = arith.constant 0 : i32
    %dma_wait3A_560 = tpu.memref_slice %arg4[%dma_wait3A_557, %dma_wait3A_559] : memref<26x512xi32, #tpu.memory_space<vmem>> -> memref<1x512xi32, #tpu.memory_space<vmem>>
    %dma_wait3A_561 = tpu.memref_squeeze %dma_wait3A_560 : memref<1x512xi32, #tpu.memory_space<vmem>> -> memref<512xi32, #tpu.memory_space<vmem>>
    %dma_wait3A_562 = tpu.memref_slice %arg3[%add3A_227] : memref<425984xi32, #tpu.memory_space<hbm>> -> memref<512xi32, #tpu.memory_space<hbm>>
    %dma_wait3A_563 = tpu.memref_slice %arg5[%dma_wait3A_558] : memref<26x!tpu.dma_semaphore, #tpu.memory_space<semaphore_mem>> -> memref<1x!tpu.dma_semaphore, #tpu.memory_space<semaphore_mem>>
    %dma_wait3A_564 = tpu.memref_squeeze %dma_wait3A_563 : memref<1x!tpu.dma_semaphore, #tpu.memory_space<semaphore_mem>> -> memref<!tpu.dma_semaphore, #tpu.memory_space<semaphore_mem>>
    %dma_wait3A_565 = tpu.memref_slice %arg3[%add3A_227] : memref<425984xi32, #tpu.memory_space<hbm>> -> memref<512xi32, #tpu.memory_space<hbm>>
    %dma_wait3A_566 = arith.constant 0 : i32
    %dma_wait3A_567 = tpu.memref_slice %arg4[%dma_wait3A_557, %dma_wait3A_566] : memref<26x512xi32, #tpu.memory_space<vmem>> -> memref<1x512xi32, #tpu.memory_space<vmem>>
    %dma_wait3A_568 = tpu.memref_squeeze %dma_wait3A_567 : memref<1x512xi32, #tpu.memory_space<vmem>> -> memref<512xi32, #tpu.memory_space<vmem>>
    tpu.wait_dma2 semaphore(%dma_wait3A_564 : memref<!tpu.dma_semaphore, #tpu.memory_space<semaphore_mem>>) src(%dma_wait3A_568 : memref<512xi32, #tpu.memory_space<vmem>>) dst(%dma_wait3A_565 : memref<512xi32, #tpu.memory_space<hbm>>)
    %dma_wait3A_569 = arith.constant 17 : i32
    %dma_wait3A_570 = arith.constant 17 : i32
    %dma_wait3A_571 = arith.constant 0 : i32
    %dma_wait3A_572 = tpu.memref_slice %arg4[%dma_wait3A_569, %dma_wait3A_571] : memref<26x512xi32, #tpu.memory_space<vmem>> -> memref<1x512xi32, #tpu.memory_space<vmem>>
    %dma_wait3A_573 = tpu.memref_squeeze %dma_wait3A_572 : memref<1x512xi32, #tpu.memory_space<vmem>> -> memref<512xi32, #tpu.memory_space<vmem>>
    %dma_wait3A_574 = tpu.memref_slice %arg3[%add3A_241] : memref<425984xi32, #tpu.memory_space<hbm>> -> memref<512xi32, #tpu.memory_space<hbm>>
    %dma_wait3A_575 = tpu.memref_slice %arg5[%dma_wait3A_570] : memref<26x!tpu.dma_semaphore, #tpu.memory_space<semaphore_mem>> -> memref<1x!tpu.dma_semaphore, #tpu.memory_space<semaphore_mem>>
    %dma_wait3A_576 = tpu.memref_squeeze %dma_wait3A_575 : memref<1x!tpu.dma_semaphore, #tpu.memory_space<semaphore_mem>> -> memref<!tpu.dma_semaphore, #tpu.memory_space<semaphore_mem>>
    %dma_wait3A_577 = tpu.memref_slice %arg3[%add3A_241] : memref<425984xi32, #tpu.memory_space<hbm>> -> memref<512xi32, #tpu.memory_space<hbm>>
    %dma_wait3A_578 = arith.constant 0 : i32
    %dma_wait3A_579 = tpu.memref_slice %arg4[%dma_wait3A_569, %dma_wait3A_578] : memref<26x512xi32, #tpu.memory_space<vmem>> -> memref<1x512xi32, #tpu.memory_space<vmem>>
    %dma_wait3A_580 = tpu.memref_squeeze %dma_wait3A_579 : memref<1x512xi32, #tpu.memory_space<vmem>> -> memref<512xi32, #tpu.memory_space<vmem>>
    tpu.wait_dma2 semaphore(%dma_wait3A_576 : memref<!tpu.dma_semaphore, #tpu.memory_space<semaphore_mem>>) src(%dma_wait3A_580 : memref<512xi32, #tpu.memory_space<vmem>>) dst(%dma_wait3A_577 : memref<512xi32, #tpu.memory_space<hbm>>)
    %dma_wait3A_581 = arith.constant 18 : i32
    %dma_wait3A_582 = arith.constant 18 : i32
    %dma_wait3A_583 = arith.constant 0 : i32
    %dma_wait3A_584 = tpu.memref_slice %arg4[%dma_wait3A_581, %dma_wait3A_583] : memref<26x512xi32, #tpu.memory_space<vmem>> -> memref<1x512xi32, #tpu.memory_space<vmem>>
    %dma_wait3A_585 = tpu.memref_squeeze %dma_wait3A_584 : memref<1x512xi32, #tpu.memory_space<vmem>> -> memref<512xi32, #tpu.memory_space<vmem>>
    %dma_wait3A_586 = tpu.memref_slice %arg3[%add3A_255] : memref<425984xi32, #tpu.memory_space<hbm>> -> memref<512xi32, #tpu.memory_space<hbm>>
    %dma_wait3A_587 = tpu.memref_slice %arg5[%dma_wait3A_582] : memref<26x!tpu.dma_semaphore, #tpu.memory_space<semaphore_mem>> -> memref<1x!tpu.dma_semaphore, #tpu.memory_space<semaphore_mem>>
    %dma_wait3A_588 = tpu.memref_squeeze %dma_wait3A_587 : memref<1x!tpu.dma_semaphore, #tpu.memory_space<semaphore_mem>> -> memref<!tpu.dma_semaphore, #tpu.memory_space<semaphore_mem>>
    %dma_wait3A_589 = tpu.memref_slice %arg3[%add3A_255] : memref<425984xi32, #tpu.memory_space<hbm>> -> memref<512xi32, #tpu.memory_space<hbm>>
    %dma_wait3A_590 = arith.constant 0 : i32
    %dma_wait3A_591 = tpu.memref_slice %arg4[%dma_wait3A_581, %dma_wait3A_590] : memref<26x512xi32, #tpu.memory_space<vmem>> -> memref<1x512xi32, #tpu.memory_space<vmem>>
    %dma_wait3A_592 = tpu.memref_squeeze %dma_wait3A_591 : memref<1x512xi32, #tpu.memory_space<vmem>> -> memref<512xi32, #tpu.memory_space<vmem>>
    tpu.wait_dma2 semaphore(%dma_wait3A_588 : memref<!tpu.dma_semaphore, #tpu.memory_space<semaphore_mem>>) src(%dma_wait3A_592 : memref<512xi32, #tpu.memory_space<vmem>>) dst(%dma_wait3A_589 : memref<512xi32, #tpu.memory_space<hbm>>)
    %dma_wait3A_593 = arith.constant 19 : i32
    %dma_wait3A_594 = arith.constant 19 : i32
    %dma_wait3A_595 = arith.constant 0 : i32
    %dma_wait3A_596 = tpu.memref_slice %arg4[%dma_wait3A_593, %dma_wait3A_595] : memref<26x512xi32, #tpu.memory_space<vmem>> -> memref<1x512xi32, #tpu.memory_space<vmem>>
    %dma_wait3A_597 = tpu.memref_squeeze %dma_wait3A_596 : memref<1x512xi32, #tpu.memory_space<vmem>> -> memref<512xi32, #tpu.memory_space<vmem>>
    %dma_wait3A_598 = tpu.memref_slice %arg3[%add3A_269] : memref<425984xi32, #tpu.memory_space<hbm>> -> memref<512xi32, #tpu.memory_space<hbm>>
    %dma_wait3A_599 = tpu.memref_slice %arg5[%dma_wait3A_594] : memref<26x!tpu.dma_semaphore, #tpu.memory_space<semaphore_mem>> -> memref<1x!tpu.dma_semaphore, #tpu.memory_space<semaphore_mem>>
    %dma_wait3A_600 = tpu.memref_squeeze %dma_wait3A_599 : memref<1x!tpu.dma_semaphore, #tpu.memory_space<semaphore_mem>> -> memref<!tpu.dma_semaphore, #tpu.memory_space<semaphore_mem>>
    %dma_wait3A_601 = tpu.memref_slice %arg3[%add3A_269] : memref<425984xi32, #tpu.memory_space<hbm>> -> memref<512xi32, #tpu.memory_space<hbm>>
    %dma_wait3A_602 = arith.constant 0 : i32
    %dma_wait3A_603 = tpu.memref_slice %arg4[%dma_wait3A_593, %dma_wait3A_602] : memref<26x512xi32, #tpu.memory_space<vmem>> -> memref<1x512xi32, #tpu.memory_space<vmem>>
    %dma_wait3A_604 = tpu.memref_squeeze %dma_wait3A_603 : memref<1x512xi32, #tpu.memory_space<vmem>> -> memref<512xi32, #tpu.memory_space<vmem>>
    tpu.wait_dma2 semaphore(%dma_wait3A_600 : memref<!tpu.dma_semaphore, #tpu.memory_space<semaphore_mem>>) src(%dma_wait3A_604 : memref<512xi32, #tpu.memory_space<vmem>>) dst(%dma_wait3A_601 : memref<512xi32, #tpu.memory_space<hbm>>)
    %dma_wait3A_605 = arith.constant 20 : i32
    %dma_wait3A_606 = arith.constant 20 : i32
    %dma_wait3A_607 = arith.constant 0 : i32
    %dma_wait3A_608 = tpu.memref_slice %arg4[%dma_wait3A_605, %dma_wait3A_607] : memref<26x512xi32, #tpu.memory_space<vmem>> -> memref<1x512xi32, #tpu.memory_space<vmem>>
    %dma_wait3A_609 = tpu.memref_squeeze %dma_wait3A_608 : memref<1x512xi32, #tpu.memory_space<vmem>> -> memref<512xi32, #tpu.memory_space<vmem>>
    %dma_wait3A_610 = tpu.memref_slice %arg3[%add3A_283] : memref<425984xi32, #tpu.memory_space<hbm>> -> memref<512xi32, #tpu.memory_space<hbm>>
    %dma_wait3A_611 = tpu.memref_slice %arg5[%dma_wait3A_606] : memref<26x!tpu.dma_semaphore, #tpu.memory_space<semaphore_mem>> -> memref<1x!tpu.dma_semaphore, #tpu.memory_space<semaphore_mem>>
    %dma_wait3A_612 = tpu.memref_squeeze %dma_wait3A_611 : memref<1x!tpu.dma_semaphore, #tpu.memory_space<semaphore_mem>> -> memref<!tpu.dma_semaphore, #tpu.memory_space<semaphore_mem>>
    %dma_wait3A_613 = tpu.memref_slice %arg3[%add3A_283] : memref<425984xi32, #tpu.memory_space<hbm>> -> memref<512xi32, #tpu.memory_space<hbm>>
    %dma_wait3A_614 = arith.constant 0 : i32
    %dma_wait3A_615 = tpu.memref_slice %arg4[%dma_wait3A_605, %dma_wait3A_614] : memref<26x512xi32, #tpu.memory_space<vmem>> -> memref<1x512xi32, #tpu.memory_space<vmem>>
    %dma_wait3A_616 = tpu.memref_squeeze %dma_wait3A_615 : memref<1x512xi32, #tpu.memory_space<vmem>> -> memref<512xi32, #tpu.memory_space<vmem>>
    tpu.wait_dma2 semaphore(%dma_wait3A_612 : memref<!tpu.dma_semaphore, #tpu.memory_space<semaphore_mem>>) src(%dma_wait3A_616 : memref<512xi32, #tpu.memory_space<vmem>>) dst(%dma_wait3A_613 : memref<512xi32, #tpu.memory_space<hbm>>)
    %dma_wait3A_617 = arith.constant 21 : i32
    %dma_wait3A_618 = arith.constant 21 : i32
    %dma_wait3A_619 = arith.constant 0 : i32
    %dma_wait3A_620 = tpu.memref_slice %arg4[%dma_wait3A_617, %dma_wait3A_619] : memref<26x512xi32, #tpu.memory_space<vmem>> -> memref<1x512xi32, #tpu.memory_space<vmem>>
    %dma_wait3A_621 = tpu.memref_squeeze %dma_wait3A_620 : memref<1x512xi32, #tpu.memory_space<vmem>> -> memref<512xi32, #tpu.memory_space<vmem>>
    %dma_wait3A_622 = tpu.memref_slice %arg3[%add3A_297] : memref<425984xi32, #tpu.memory_space<hbm>> -> memref<512xi32, #tpu.memory_space<hbm>>
    %dma_wait3A_623 = tpu.memref_slice %arg5[%dma_wait3A_618] : memref<26x!tpu.dma_semaphore, #tpu.memory_space<semaphore_mem>> -> memref<1x!tpu.dma_semaphore, #tpu.memory_space<semaphore_mem>>
    %dma_wait3A_624 = tpu.memref_squeeze %dma_wait3A_623 : memref<1x!tpu.dma_semaphore, #tpu.memory_space<semaphore_mem>> -> memref<!tpu.dma_semaphore, #tpu.memory_space<semaphore_mem>>
    %dma_wait3A_625 = tpu.memref_slice %arg3[%add3A_297] : memref<425984xi32, #tpu.memory_space<hbm>> -> memref<512xi32, #tpu.memory_space<hbm>>
    %dma_wait3A_626 = arith.constant 0 : i32
    %dma_wait3A_627 = tpu.memref_slice %arg4[%dma_wait3A_617, %dma_wait3A_626] : memref<26x512xi32, #tpu.memory_space<vmem>> -> memref<1x512xi32, #tpu.memory_space<vmem>>
    %dma_wait3A_628 = tpu.memref_squeeze %dma_wait3A_627 : memref<1x512xi32, #tpu.memory_space<vmem>> -> memref<512xi32, #tpu.memory_space<vmem>>
    tpu.wait_dma2 semaphore(%dma_wait3A_624 : memref<!tpu.dma_semaphore, #tpu.memory_space<semaphore_mem>>) src(%dma_wait3A_628 : memref<512xi32, #tpu.memory_space<vmem>>) dst(%dma_wait3A_625 : memref<512xi32, #tpu.memory_space<hbm>>)
    %dma_wait3A_629 = arith.constant 22 : i32
    %dma_wait3A_630 = arith.constant 22 : i32
    %dma_wait3A_631 = arith.constant 0 : i32
    %dma_wait3A_632 = tpu.memref_slice %arg4[%dma_wait3A_629, %dma_wait3A_631] : memref<26x512xi32, #tpu.memory_space<vmem>> -> memref<1x512xi32, #tpu.memory_space<vmem>>
    %dma_wait3A_633 = tpu.memref_squeeze %dma_wait3A_632 : memref<1x512xi32, #tpu.memory_space<vmem>> -> memref<512xi32, #tpu.memory_space<vmem>>
    %dma_wait3A_634 = tpu.memref_slice %arg3[%add3A_311] : memref<425984xi32, #tpu.memory_space<hbm>> -> memref<512xi32, #tpu.memory_space<hbm>>
    %dma_wait3A_635 = tpu.memref_slice %arg5[%dma_wait3A_630] : memref<26x!tpu.dma_semaphore, #tpu.memory_space<semaphore_mem>> -> memref<1x!tpu.dma_semaphore, #tpu.memory_space<semaphore_mem>>
    %dma_wait3A_636 = tpu.memref_squeeze %dma_wait3A_635 : memref<1x!tpu.dma_semaphore, #tpu.memory_space<semaphore_mem>> -> memref<!tpu.dma_semaphore, #tpu.memory_space<semaphore_mem>>
    %dma_wait3A_637 = tpu.memref_slice %arg3[%add3A_311] : memref<425984xi32, #tpu.memory_space<hbm>> -> memref<512xi32, #tpu.memory_space<hbm>>
    %dma_wait3A_638 = arith.constant 0 : i32
    %dma_wait3A_639 = tpu.memref_slice %arg4[%dma_wait3A_629, %dma_wait3A_638] : memref<26x512xi32, #tpu.memory_space<vmem>> -> memref<1x512xi32, #tpu.memory_space<vmem>>
    %dma_wait3A_640 = tpu.memref_squeeze %dma_wait3A_639 : memref<1x512xi32, #tpu.memory_space<vmem>> -> memref<512xi32, #tpu.memory_space<vmem>>
    tpu.wait_dma2 semaphore(%dma_wait3A_636 : memref<!tpu.dma_semaphore, #tpu.memory_space<semaphore_mem>>) src(%dma_wait3A_640 : memref<512xi32, #tpu.memory_space<vmem>>) dst(%dma_wait3A_637 : memref<512xi32, #tpu.memory_space<hbm>>)
    %dma_wait3A_641 = arith.constant 23 : i32
    %dma_wait3A_642 = arith.constant 23 : i32
    %dma_wait3A_643 = arith.constant 0 : i32
    %dma_wait3A_644 = tpu.memref_slice %arg4[%dma_wait3A_641, %dma_wait3A_643] : memref<26x512xi32, #tpu.memory_space<vmem>> -> memref<1x512xi32, #tpu.memory_space<vmem>>
    %dma_wait3A_645 = tpu.memref_squeeze %dma_wait3A_644 : memref<1x512xi32, #tpu.memory_space<vmem>> -> memref<512xi32, #tpu.memory_space<vmem>>
    %dma_wait3A_646 = tpu.memref_slice %arg3[%add3A_325] : memref<425984xi32, #tpu.memory_space<hbm>> -> memref<512xi32, #tpu.memory_space<hbm>>
    %dma_wait3A_647 = tpu.memref_slice %arg5[%dma_wait3A_642] : memref<26x!tpu.dma_semaphore, #tpu.memory_space<semaphore_mem>> -> memref<1x!tpu.dma_semaphore, #tpu.memory_space<semaphore_mem>>
    %dma_wait3A_648 = tpu.memref_squeeze %dma_wait3A_647 : memref<1x!tpu.dma_semaphore, #tpu.memory_space<semaphore_mem>> -> memref<!tpu.dma_semaphore, #tpu.memory_space<semaphore_mem>>
    %dma_wait3A_649 = tpu.memref_slice %arg3[%add3A_325] : memref<425984xi32, #tpu.memory_space<hbm>> -> memref<512xi32, #tpu.memory_space<hbm>>
    %dma_wait3A_650 = arith.constant 0 : i32
    %dma_wait3A_651 = tpu.memref_slice %arg4[%dma_wait3A_641, %dma_wait3A_650] : memref<26x512xi32, #tpu.memory_space<vmem>> -> memref<1x512xi32, #tpu.memory_space<vmem>>
    %dma_wait3A_652 = tpu.memref_squeeze %dma_wait3A_651 : memref<1x512xi32, #tpu.memory_space<vmem>> -> memref<512xi32, #tpu.memory_space<vmem>>
    tpu.wait_dma2 semaphore(%dma_wait3A_648 : memref<!tpu.dma_semaphore, #tpu.memory_space<semaphore_mem>>) src(%dma_wait3A_652 : memref<512xi32, #tpu.memory_space<vmem>>) dst(%dma_wait3A_649 : memref<512xi32, #tpu.memory_space<hbm>>)
    %dma_wait3A_653 = arith.constant 24 : i32
    %dma_wait3A_654 = arith.constant 24 : i32
    %dma_wait3A_655 = arith.constant 0 : i32
    %dma_wait3A_656 = tpu.memref_slice %arg4[%dma_wait3A_653, %dma_wait3A_655] : memref<26x512xi32, #tpu.memory_space<vmem>> -> memref<1x512xi32, #tpu.memory_space<vmem>>
    %dma_wait3A_657 = tpu.memref_squeeze %dma_wait3A_656 : memref<1x512xi32, #tpu.memory_space<vmem>> -> memref<512xi32, #tpu.memory_space<vmem>>
    %dma_wait3A_658 = tpu.memref_slice %arg3[%add3A_339] : memref<425984xi32, #tpu.memory_space<hbm>> -> memref<512xi32, #tpu.memory_space<hbm>>
    %dma_wait3A_659 = tpu.memref_slice %arg5[%dma_wait3A_654] : memref<26x!tpu.dma_semaphore, #tpu.memory_space<semaphore_mem>> -> memref<1x!tpu.dma_semaphore, #tpu.memory_space<semaphore_mem>>
    %dma_wait3A_660 = tpu.memref_squeeze %dma_wait3A_659 : memref<1x!tpu.dma_semaphore, #tpu.memory_space<semaphore_mem>> -> memref<!tpu.dma_semaphore, #tpu.memory_space<semaphore_mem>>
    %dma_wait3A_661 = tpu.memref_slice %arg3[%add3A_339] : memref<425984xi32, #tpu.memory_space<hbm>> -> memref<512xi32, #tpu.memory_space<hbm>>
    %dma_wait3A_662 = arith.constant 0 : i32
    %dma_wait3A_663 = tpu.memref_slice %arg4[%dma_wait3A_653, %dma_wait3A_662] : memref<26x512xi32, #tpu.memory_space<vmem>> -> memref<1x512xi32, #tpu.memory_space<vmem>>
    %dma_wait3A_664 = tpu.memref_squeeze %dma_wait3A_663 : memref<1x512xi32, #tpu.memory_space<vmem>> -> memref<512xi32, #tpu.memory_space<vmem>>
    tpu.wait_dma2 semaphore(%dma_wait3A_660 : memref<!tpu.dma_semaphore, #tpu.memory_space<semaphore_mem>>) src(%dma_wait3A_664 : memref<512xi32, #tpu.memory_space<vmem>>) dst(%dma_wait3A_661 : memref<512xi32, #tpu.memory_space<hbm>>)
    %dma_wait3A_665 = arith.constant 25 : i32
    %dma_wait3A_666 = arith.constant 25 : i32
    %dma_wait3A_667 = arith.constant 0 : i32
    %dma_wait3A_668 = tpu.memref_slice %arg4[%dma_wait3A_665, %dma_wait3A_667] : memref<26x512xi32, #tpu.memory_space<vmem>> -> memref<1x512xi32, #tpu.memory_space<vmem>>
    %dma_wait3A_669 = tpu.memref_squeeze %dma_wait3A_668 : memref<1x512xi32, #tpu.memory_space<vmem>> -> memref<512xi32, #tpu.memory_space<vmem>>
    %dma_wait3A_670 = tpu.memref_slice %arg3[%add3A_353] : memref<425984xi32, #tpu.memory_space<hbm>> -> memref<512xi32, #tpu.memory_space<hbm>>
    %dma_wait3A_671 = tpu.memref_slice %arg5[%dma_wait3A_666] : memref<26x!tpu.dma_semaphore, #tpu.memory_space<semaphore_mem>> -> memref<1x!tpu.dma_semaphore, #tpu.memory_space<semaphore_mem>>
    %dma_wait3A_672 = tpu.memref_squeeze %dma_wait3A_671 : memref<1x!tpu.dma_semaphore, #tpu.memory_space<semaphore_mem>> -> memref<!tpu.dma_semaphore, #tpu.memory_space<semaphore_mem>>
    %dma_wait3A_673 = tpu.memref_slice %arg3[%add3A_353] : memref<425984xi32, #tpu.memory_space<hbm>> -> memref<512xi32, #tpu.memory_space<hbm>>
    %dma_wait3A_674 = arith.constant 0 : i32
    %dma_wait3A_675 = tpu.memref_slice %arg4[%dma_wait3A_665, %dma_wait3A_674] : memref<26x512xi32, #tpu.memory_space<vmem>> -> memref<1x512xi32, #tpu.memory_space<vmem>>
    %dma_wait3A_676 = tpu.memref_squeeze %dma_wait3A_675 : memref<1x512xi32, #tpu.memory_space<vmem>> -> memref<512xi32, #tpu.memory_space<vmem>>
    tpu.wait_dma2 semaphore(%dma_wait3A_672 : memref<!tpu.dma_semaphore, #tpu.memory_space<semaphore_mem>>) src(%dma_wait3A_676 : memref<512xi32, #tpu.memory_space<vmem>>) dst(%dma_wait3A_673 : memref<512xi32, #tpu.memory_space<hbm>>)
    return
  }
}

</mosaic_0001>

<sc_bundles>
// kernel: _format.3.cloned.1.call-start
scs
__scs_entry_jumppad:
0x0: {  	(pc) =	sbr.rel $0x88, $3  }
0x1: {  	(tag) =	ssettag $0x0;
	lr =	simm.s32 $0x1  }
0x2: {  	[smem:$0x3FA0] =	sst lr;
	_ =	strace $0xD0000000  }
0x3: {  	_ = 	snop  }
0x4: {  	_ = 	snop  }
0x5: {  	_ = 	snop  }
0x6: {  	_ = 	snop  }
0x7: {  	_ = 	snop  }
__scs_overlays_trampoline_lowered:
0x8: {  	[smem:$0x3FAF] =	sst s0  }
0x9: {  	[smem:$0x3FB0] =	sst s1  }
0xa: {  	[smem:$0x3FB1] =	sst s2  }
0xb: {  	[smem:$0x3FB2] =	sst s3  }
0xc: {  	[smem:$0x3FB3] =	sst s4  }
0xd: {  	[smem:$0x3FB4] =	sst s5  }
0xe: {  	[smem:$0x3FB5] =	sst s6  }
0xf: {  	[smem:$0x3FB6] =	sst s7  }
0x10: {  	[smem:$0x3FB7] =	sst s8  }
0x11: {  	[smem:$0x3FB8] =	sst s9;
	s0 =	simm.s32 @!p0 $0x0  }
0x12: {  	s1 =	sld [smem:$0x3F9E];
	s0 =	simm.s32 @p0 $0x1  }
0x13: {  	[smem:$0x3FB9] =	sst s0;
	s0 =	simm.s32 @!p1 $0x0  }
0x14: {  	s2 =	sld [smem:$0x3F9D];
	s0 =	simm.s32 @p1 $0x1  }
0x15: {  	[smem:$0x3FBA] =	sst s0;
	s0 =	simm.s32 @!p2 $0x0  }
0x16: {  	s3 =	sld [smem:$0x3FDB];
	s0 =	simm.s32 @p2 $0x1  }
0x17: {  	s4 =	simm.s32 $0x1BF5;
	[smem:$0x3FBC] =	sst s0  }
0x18: {  	s0 =	sld [smem:$0x3F9F];
	_ =	swait.ge [sflag:s4], $0x0  }
0x19: {  	s7 =	sld [smem:$0x3FA0]  }
0x1a: {  	s8 =	sadd.s32 $0xFFFFE003, lr  }
0x1b: {  	s9 =	sadd.s32 $0xFFFFFEF7, lr;
	s5 =	simm.s32 $0xFFFFFFFF;
	p2 =	slt.u32 s8, $0xFFFFF086  }
0x1c: {  	p1 =	slt.u32 s9, $0xF7A;
	s5 =	simm.s32 @!p2 $0x0  }
0x1d: {  	s5 =	simm.s32 @p1 $0x1;
	p0 =	seq.s32 s7, s2  }
0x1e: {  	s7 =	smul.u32 @!p0 $0xF7A, s2;
	p2 =	seq.s32 @!p0 s5, $0x0  }
0x1f: {  	s9 =	smul.u32 $0xF7A, s1;
	s8 =	simm.s32 @!p0 $0x1BF5;
	p2 =	por !p2, p0  }
0x20: {  	[sflag:s8] =	ssyncset.s32 @!p0 $0xFFFFF086;
	s6 =	sadd.s32 @!p0 s3, s7;
	s7 =	simm.s32 @!p0 $0x108  }
0x21: {  	s3 =	sadd.s32 s3, s9;
	s6 =	sadd.s32 @!p0 $0x88, s6;
	s7 =	simm.s32 @p2 $0x1082  }
0x22: {  	[simem:s7], [sflag:s8] =	dma.local @!p0 [hbm:s6], $0xF7A  }
0x23: {  	s9 =	sor.u32 $0xD0000000, s2;
	s6 =	simm.s32 $0x108;
	_ =	swait.ge @!p0 [sflag:s8], $0x0  }
0x24: {  	s3 =	sadd.s32 $0x88, s3;
	s6 =	simm.s32 @!p1 $0x1082;
	[sflag:s4] =	ssyncset.s32 $0xFFFFF086  }
0x25: {  	[simem:s6], [sflag:s4] =	dma.local [hbm:s3], $0xF7A  }
0x26: {  	[smem:$0x3FA0] =	sst s1;
	(tag) =	ssettag s2;
	_ =	strace s9  }
0x27: {  	s1 =	sld [smem:$0x3FB0]  }
0x28: {  	s2 =	sld [smem:$0x3FB1]  }
0x29: {  	s4 =	sld [smem:$0x3FB3]  }
0x2a: {  	p0 =	seq.s32 s5, $0x0;
	s5 =	sld [smem:$0x3FB4]  }
0x2b: {  	s6 =	sld [smem:$0x3FB5]  }
0x2c: {  	s7 =	sld [smem:$0x3FB6]  }
0x2d: {  	s3 =	simm.s32 $0x108;
	s8 =	sld [smem:$0x3FB7]  }
0x2e: {  	s3 =	simm.s32 @!p0 $0x1082;
	s9 =	sld [smem:$0x3FB8]  }
0x2f: {  	lr =	sadd.s32 s0, s3;
	s0 =	sld [smem:$0x3FAF]  }
0x30: {  	s3 =	sld [smem:$0x3FB2]  }
0x31: {  	[smem:$0x3FBB] =	sst s10  }
0x32: {  	s10 =	sld [smem:$0x3FB9];
	_ =	sdelay $0x3  }
0x33: {  	p0 =	seq.s32 s10, $0x1;
	s10 =	sld [smem:$0x3FBB];
	_ =	sdelay $0x3  }
0x34: {  	[smem:$0x3FBB] =	sst s10  }
0x35: {  	s10 =	sld [smem:$0x3FBA];
	_ =	sdelay $0x3  }
0x36: {  	p1 =	seq.s32 s10, $0x1;
	s10 =	sld [smem:$0x3FBB];
	_ =	sdelay $0x3  }
0x37: {  	[smem:$0x3FBB] =	sst s10  }
0x38: {  	s10 =	sld [smem:$0x3FBC]  }
0x39: {  	_ = 	snop;
	(pc) =	sbr.ind lr, $3  }
0x3a: {  	_ = 	snop  }
0x3b: {  	_ = 	snop  }
0x3c: {  	p2 =	seq.s32 s10, $0x1;
	s10 =	sld [smem:$0x3FBB]  }
0x3d: {  	_ =	shalt  }
0x3e: {  	_ =	shalt  }
0x3f: {  	_ =	shalt  }
0x40: {  	_ =	shalt  }
0x41: {  	_ =	shalt  }
0x42: {  	_ =	shalt  }
0x43: {  	_ =	shalt  }
0x44: {  	_ =	shalt  }
0x45: {  	_ =	shalt  }
0x46: {  	_ =	shalt  }
0x47: {  	_ =	shalt  }
0x48: {  	_ =	shalt  }
0x49: {  	_ =	shalt  }
0x4a: {  	_ =	shalt  }
0x4b: {  	_ =	shalt  }
0x4c: {  	_ =	shalt  }
0x4d: {  	_ =	shalt  }
0x4e: {  	_ =	shalt  }
0x4f: {  	_ =	shalt  }
0x50: {  	_ =	shalt  }
0x51: {  	_ =	shalt  }
0x52: {  	_ =	shalt  }
0x53: {  	_ =	shalt  }
0x54: {  	_ =	shalt  }
0x55: {  	_ =	shalt  }
0x56: {  	_ =	shalt  }
0x57: {  	_ =	shalt  }
0x58: {  	_ =	shalt  }
0x59: {  	_ =	shalt  }
0x5a: {  	_ =	shalt  }
0x5b: {  	_ =	shalt  }
0x5c: {  	_ =	shalt  }
0x5d: {  	_ =	shalt  }
0x5e: {  	_ =	shalt  }
0x5f: {  	_ =	shalt  }
0x60: {  	_ =	shalt  }
0x61: {  	_ =	shalt  }
0x62: {  	_ =	shalt  }
0x63: {  	_ =	shalt  }
0x64: {  	_ =	shalt  }
0x65: {  	_ =	shalt  }
0x66: {  	_ =	shalt  }
0x67: {  	_ =	shalt  }
0x68: {  	_ =	shalt  }
0x69: {  	_ =	shalt  }
0x6a: {  	_ =	shalt  }
0x6b: {  	_ =	shalt  }
0x6c: {  	_ =	shalt  }
0x6d: {  	_ =	shalt  }
0x6e: {  	_ =	shalt  }
0x6f: {  	_ =	shalt  }
0x70: {  	_ =	shalt  }
0x71: {  	_ =	shalt  }
0x72: {  	_ =	shalt  }
0x73: {  	_ =	shalt  }
0x74: {  	_ =	shalt  }
0x75: {  	_ =	shalt  }
0x76: {  	_ =	shalt  }
0x77: {  	_ =	shalt  }
0x78: {  	_ =	shalt  }
0x79: {  	_ =	shalt  }
0x7a: {  	_ =	shalt  }
0x7b: {  	_ =	shalt  }
0x7c: {  	_ =	shalt  }
0x7d: {  	_ =	shalt  }
0x7e: {  	_ =	shalt  }
0x7f: {  	_ =	shalt  }
0x80: {  	_ =	shalt  }
0x81: {  	_ =	shalt  }
0x82: {  	_ =	shalt  }
0x83: {  	_ =	shalt  }
0x84: {  	_ =	shalt  }
0x85: {  	_ =	shalt  }
0x86: {  	_ =	shalt  }
0x87: {  	_ =	shalt  }
.Lfunc_end0:
.L_simem_size_0:
called_computation_lowered:
.L_overlay_start_0:
0x88: {  	s2 =	sld [smem:$0x3FD9]  }
0x89: {  	s3 =	sld [smem:$0x3FFE];
	_ =	sdelay $0x1  }
0x8a: {  	s1 =	srdreg.scid  }
0x8b: {  	s0 =	sand.u32 $0x1, s1  }
0x8c: {  	s18 =	sshll.u32 s0, $0xA;
	s2 =	sadd.s32 s3, s2  }
0x8d: {  	s2 =	sadd.s32 s2, s18  }
0x8e: {  	[smem:$0x3FC7] =	sst s2  }
0x8f: {  	_ = 	snop  }
0x90: {  	s2 =	sld [smem:$0x3FC9]  }
0x91: {  	s19 =	sld [smem:$0x3FD0];
	(tm) =	ssettm $0x1  }
0x92: {  	s4 =	sld [smem:$0x3FFB];
	_ =	sdelay $0x3  }
0x93: {  	_ =	strace s4  }
0x94: {  	s4 =	sld [smem:$0x3FFC];
	_ =	sdelay $0x3  }
0x95: {  	_ =	strace s4  }
0x96: {  	s4 =	sld [smem:$0x3FFD];
	_ =	sdelay $0x3  }
0x97: {  	_ =	strace s4  }
0x98: {  	_ =	strace $0x8FFFFFFF  }
0x99: {  	s20 =	sld [smem:$0x3FDB];
	_ =	sdelay $0x1  }
0x9a: {  	s5 =	simm.s32 $_scs_section_size  }
0x9b: {  	s6 =	simm.s32 $_size__tile_overlayer_lowered;
	s7 =	simm.s32 $_tile_overlayer_lowered  }
0x9c: {  	s23 =	simm.s32 $0x1BFF;
	s22 =	sshll.u32 s7, $0x1;
	s4 =	sadd.s32 s5, s20  }
0x9d: {  	s8 =	simm.s32 $0x0;
	s21 =	sshll.u32 s6, $0x1;
	s6 =	sadd.s32 s22, s4  }
0x9e: {  	[timem:s8], [sflag:s23] =	dma.local [hbm:s6], s21  }
0x9f: {  	_ =	swait.ge [sflag:s23], s21  }
0xa0: {  	s5 =	ssub.s32 $0x0, s21;
	[sflag:s23] =	ssyncset.done $0x0  }
0xa1: {  	[sflag:s23] =	ssyncadd.s32 s5;
	_ =	sdelay $0x1  }
0xa2: {  	s24 =	simm.s32 $0x1B8B  }
0xa3: {  	_ =	swait.ge [sflag:s24], $0x1  }
0xa4: {  	[sflag:s24] =	ssyncset.done $0x0  }
0xa5: {  	s25 =	simm.s32 $0x1B8E;
	[sflag:s24] =	ssyncadd.s32 $0xFFFFFFFF  }
0xa6: {  	s26 =	simm.s32 $execute0_lowered;
	[smem:$0x3FD2] =	sst s25  }
0xa7: {  	s5 =	sshll.u32 s26, $0x1;
	_ =	strace $0x80000046;
	[dreg:$0x1] =	wrdreg $0xFFFFFFFF  }
0xa8: {  	s28 =	simm.s32 $_size_execute0_lowered;
	s4 =	sadd.s32 s4, s5;
	[dreg:$0x0] =	wrdreg $0x0  }
0xa9: {  	s5 =	sshll.u32 s28, $0x1;
	[dreg:$0x2] =	wrdreg s4  }
0xaa: {  	[dreg:$0x3] =	wrdreg s5  }
0xab: {  	[dreg:$0x4] =	wrdreg $0xC0  }
0xac: {  	_ =	task [dreg:s8], $0x5FFFF  }
0xad: {  	[dreg:$0x1] =	wrdreg $0xFFFFFFFF  }
0xae: {  	[dreg:$0x0] =	wrdreg $0x60  }
0xaf: {  	[dreg:$0x2] =	wrdreg s2  }
0xb0: {  	[dreg:$0x3] =	wrdreg s19  }
0xb1: {  	[dreg:$0x4] =	wrdreg $0x9  }
0xb2: {  	_ =	task.clear_ibuf [dreg:s8], $0x5FFFF;
	_ =	strace $0x90000046  }
0xb3: {  	s29 =	simm.s32 $0x9;
	_ =	strace $0x80000048  }
0xb4: {  	_ =	swait.ge [sflag:s29], $0x1  }
0xb5: {  	[sflag:s29] =	ssyncadd.s32 $0xFFFFFFFF  }
0xb6: {  	_ =	strace $0x90000048  }
0xb7: {  	_ =	sfence  }
0xb8: {  	s30 =	sld [smem:$0x0];
	_ =	sdelay $0x2  }
0xb9: {  	s31 =	sshll.u32 s1, $0xD;
	s1 =	sshrl.u32 s1, $0x2  }
0xba: {  	s3 =	sand.u32 $0x4000, s31;
	s1 =	sadd.s32 s1, s30  }
0xbb: {  	s0 =	sor.u32 s3, s0;
	s1 =	sshll.u32 s1, $0x11  }
0xbc: {  	s0 =	sor.u32 s1, s0  }
0xbd: {  	s0 =	sadd.s32 $0x8F2B, s0  }
0xbe: {  	[sflag:s0] =	ssyncadd.remote.s32 $0x1  }
0xbf: {  	_ =	sfence.sel $0xFFFF  }
0xc0: {  	[dreg:$0x0] =	wrdreg $0xFFFFFFFF;
	(pc) =	sbr.abs _section_cstart, $3  }
0xc1: {  	[dreg:$0x1] =	wrdreg $0xFFFFFFFF  }
0xc2: {  	_ =	task.clear_ibuf [dreg:s8], $0x2FFFF;
	_ =	strace $0x9FFFFFFF  }
0xc3: {  	(tm) =	ssettm $0x7FFFFFFF  }
tec
execute0_lowered:
.L_overlay_start_1:
0x0: {  	(tag) =	ssettag $0x1  }
0x1: {  	s4 =	rddreg [dreg:$0x0]  }
0x2: {  	s0 =	rddreg [dreg:$0x1];
	s2 =	simm.s32 $0x0  }
0x3: {  	s23 =	simm.s32 $0x20000;
	[smem:$0x7FF] =	sst s2  }
0x4: {  	s24 =	simm.s32 $0x400;
	_ =	strace $0x80000047;
	[dreg:$0x4] =	wrdreg s23  }
0x5: {  	s25 =	simm.s32 $0x800;
	[dreg:$0x5] =	wrdreg s24  }
0x6: {  	s5 =	stileid.u32;
	s26 =	simm.s32 $0xC00;
	[dreg:$0x6] =	wrdreg s25  }
0x7: {  	s21 =	sshll.u32 s5, $0xA;
	s5 =	simm.s32 $0x80;
	[dreg:$0x7] =	wrdreg s26  }
0x8: {  	s6 =	simm.s32 $0x480;
	[dreg:$0x8] =	wrdreg s5  }
0x9: {  	s7 =	simm.s32 $0x880;
	[dreg:$0x9] =	wrdreg s6  }
0xa: {  	s8 =	simm.s32 $0xC80;
	[dreg:$0xa] =	wrdreg s7  }
0xb: {  	s9 =	simm.s32 $0x100;
	[dreg:$0xb] =	wrdreg s8  }
0xc: {  	s10 =	simm.s32 $0x500;
	[dreg:$0xc] =	wrdreg s9  }
0xd: {  	s11 =	simm.s32 $0x900;
	[dreg:$0xd] =	wrdreg s10  }
0xe: {  	s12 =	simm.s32 $0xD00;
	[dreg:$0xe] =	wrdreg s11  }
0xf: {  	s13 =	simm.s32 $0x180;
	[dreg:$0xf] =	wrdreg s12  }
0x10: {  	s14 =	simm.s32 $0x580;
	[dreg:$0x10] =	wrdreg s13  }
0x11: {  	s15 =	simm.s32 $0x980;
	[dreg:$0x11] =	wrdreg s14  }
0x12: {  	s16 =	simm.s32 $0xD80;
	[dreg:$0x12] =	wrdreg s15  }
0x13: {  	s17 =	simm.s32 $0x200;
	[dreg:$0x13] =	wrdreg s16  }
0x14: {  	s18 =	simm.s32 $0x600;
	[dreg:$0x14] =	wrdreg s17  }
0x15: {  	s19 =	simm.s32 $0xA00;
	[dreg:$0x15] =	wrdreg s18  }
0x16: {  	s20 =	simm.s32 $0xE00;
	[dreg:$0x16] =	wrdreg s19  }
0x17: {  	[dreg:$0x17] =	wrdreg s20;
	s23 =	simm.s32 $0xA80  }
0x18: {  	s24 =	simm.s32 $0xE80;
	[dreg:$0x1a] =	wrdreg s23  }
0x19: {  	s25 =	simm.s32 $0x300;
	[dreg:$0x1b] =	wrdreg s24  }
0x1a: {  	s26 =	simm.s32 $0x700;
	[dreg:$0x1c] =	wrdreg s25  }
0x1b: {  	s5 =	simm.s32 $0xB00;
	[dreg:$0x1d] =	wrdreg s26  }
0x1c: {  	s6 =	simm.s32 $0xF00;
	[dreg:$0x1e] =	wrdreg s5  }
0x1d: {  	s7 =	simm.s32 $0x380;
	[dreg:$0x1f] =	wrdreg s6  }
0x1e: {  	s8 =	simm.s32 $0x780;
	[smem:$0x79F] =	sst s7  }
0x1f: {  	s9 =	simm.s32 $0xB80;
	[smem:$0x7A0] =	sst s8  }
0x20: {  	s10 =	simm.s32 $0xF80;
	[smem:$0x7A1] =	sst s9  }
0x21: {  	s11 =	simm.s32 $0x1400;
	[smem:$0x7A2] =	sst s10  }
0x22: {  	s12 =	simm.s32 $0x1800;
	[smem:$0x7A3] =	sst s11  }
0x23: {  	s13 =	simm.s32 $0x1C00;
	[smem:$0x7A4] =	sst s12  }
0x24: {  	s14 =	simm.s32 $0x1080;
	[smem:$0x7A5] =	sst s13  }
0x25: {  	s15 =	simm.s32 $0x1480;
	[smem:$0x7A6] =	sst s14  }
0x26: {  	s16 =	simm.s32 $0x1880;
	[smem:$0x7A7] =	sst s15  }
0x27: {  	s17 =	simm.s32 $0x1C80;
	[smem:$0x7A8] =	sst s16  }
0x28: {  	s1 =	srdreg.scid;
	s18 =	simm.s32 $0x1100;
	[smem:$0x7A9] =	sst s17  }
0x29: {  	s3 =	sand.u32 $0x1, s1;
	s19 =	simm.s32 $0x1500;
	[smem:$0x7AA] =	sst s18  }
0x2a: {  	s22 =	sshll.u32 s3, $0x9;
	s20 =	simm.s32 $0x1900;
	[smem:$0x7AB] =	sst s19  }
0x2b: {  	s1 =	sor.u32 s22, s21;
	s21 =	simm.s32 $0x280;
	[smem:$0x7AC] =	sst s20  }
0x2c: {  	s22 =	simm.s32 $0x680;
	[dreg:$0x18] =	wrdreg s21  }
0x2d: {  	s23 =	simm.s32 $0x1580;
	[dreg:$0x19] =	wrdreg s22  }
0x2e: {  	s24 =	simm.s32 $0x1980;
	[smem:$0x7AF] =	sst s23  }
0x2f: {  	s25 =	simm.s32 $0x1D80;
	[smem:$0x7B0] =	sst s24  }
0x30: {  	s26 =	simm.s32 $0x1200;
	[smem:$0x7B1] =	sst s25  }
0x31: {  	s5 =	simm.s32 $0x1600;
	[smem:$0x7B2] =	sst s26  }
0x32: {  	s6 =	simm.s32 $0x1A00;
	[smem:$0x7B3] =	sst s5  }
0x33: {  	s7 =	simm.s32 $0x1E00;
	[smem:$0x7B4] =	sst s6  }
0x34: {  	s8 =	simm.s32 $0x1280;
	[smem:$0x7B5] =	sst s7  }
0x35: {  	s9 =	simm.s32 $0x1680;
	[smem:$0x7B6] =	sst s8  }
0x36: {  	s10 =	simm.s32 $0x1A80;
	[smem:$0x7B7] =	sst s9  }
0x37: {  	s11 =	simm.s32 $0x1E80;
	[smem:$0x7B8] =	sst s10  }
0x38: {  	s12 =	simm.s32 $0x1300;
	[smem:$0x7B9] =	sst s11  }
0x39: {  	s13 =	simm.s32 $0x1700;
	[smem:$0x7BA] =	sst s12  }
0x3a: {  	s14 =	simm.s32 $0x1B00;
	[smem:$0x7BB] =	sst s13  }
0x3b: {  	s15 =	simm.s32 $0x1F00;
	[smem:$0x7BC] =	sst s14  }
0x3c: {  	s16 =	simm.s32 $0x1380;
	[smem:$0x7BD] =	sst s15  }
0x3d: {  	s17 =	simm.s32 $0x1780;
	[smem:$0x7BE] =	sst s16  }
0x3e: {  	s18 =	simm.s32 $0x1B80;
	[smem:$0x7BF] =	sst s17  }
0x3f: {  	s19 =	simm.s32 $0x1F80;
	[smem:$0x7C0] =	sst s18  }
0x40: {  	s20 =	simm.s32 $0x2000;
	[smem:$0x7C1] =	sst s19  }
0x41: {  	s4 =	sadd.s32 s4, s1;
	[smem:$0x7C2] =	sst s20  }
0x42: {  	s21 =	simm.s32 $0x1D00;
	[dreg:$0x3] =	wrdreg s4  }
0x43: {  	s22 =	simm.s32 $0x1180;
	[smem:$0x7AD] =	sst s21  }
0x44: {  	s23 =	simm.s32 $0x2C00;
	[smem:$0x7AE] =	sst s22  }
0x45: {  	s24 =	simm.s32 $0x2080;
	[smem:$0x7C5] =	sst s23  }
0x46: {  	s25 =	simm.s32 $0x2480;
	[smem:$0x7C6] =	sst s24  }
0x47: {  	s26 =	simm.s32 $0x2880;
	[smem:$0x7C7] =	sst s25  }
0x48: {  	s5 =	simm.s32 $0x2C80;
	[smem:$0x7C8] =	sst s26  }
0x49: {  	s6 =	simm.s32 $0x2100;
	[smem:$0x7C9] =	sst s5  }
0x4a: {  	s7 =	simm.s32 $0x2500;
	[smem:$0x7CA] =	sst s6  }
0x4b: {  	s8 =	simm.s32 $0x2900;
	[smem:$0x7CB] =	sst s7  }
0x4c: {  	s9 =	simm.s32 $0x2D00;
	[smem:$0x7CC] =	sst s8  }
0x4d: {  	s10 =	simm.s32 $0x2180;
	[smem:$0x7CD] =	sst s9  }
0x4e: {  	s11 =	simm.s32 $0x2580;
	[smem:$0x7CE] =	sst s10  }
0x4f: {  	s12 =	simm.s32 $0x2980;
	[smem:$0x7CF] =	sst s11  }
0x50: {  	s13 =	simm.s32 $0x2D80;
	[smem:$0x7D0] =	sst s12  }
0x51: {  	s15 =	simm.s32 $0x2200;
	[smem:$0x7D1] =	sst s13  }
0x52: {  	s16 =	simm.s32 $0x2600;
	[smem:$0x7D2] =	sst s15  }
0x53: {  	s17 =	simm.s32 $0x2A00;
	[smem:$0x7D3] =	sst s16  }
0x54: {  	s18 =	simm.s32 $0x2E00;
	[smem:$0x7D4] =	sst s17  }
0x55: {  	s20 =	simm.s32 $0x2280;
	[smem:$0x7D6] =	sst s18  }
0x56: {  	s21 =	simm.s32 $0x2400;
	[smem:$0x7D7] =	sst s20  }
0x57: {  	s22 =	simm.s32 $0x2800;
	[smem:$0x7C3] =	sst s21  }
0x58: {  	s23 =	simm.s32 $0x2E80;
	[smem:$0x7C4] =	sst s22  }
0x59: {  	s24 =	simm.s32 $0x2300;
	[smem:$0x7DA] =	sst s23  }
0x5a: {  	s25 =	simm.s32 $0x2700;
	[smem:$0x7DB] =	sst s24  }
0x5b: {  	s3 =	ssub.s32 $0x2, s3;
	s26 =	simm.s32 $0x2B00;
	[smem:$0x7DC] =	sst s25  }
0x5c: {  	s14 =	sshrl.u32 s3, $0x1;
	s7 =	simm.s32 $0x2F00;
	[smem:$0x7DE] =	sst s26  }
0x5d: {  	s3 =	ssub.s32 s3, s14;
	s14 =	simm.s32 $0x2380;
	[smem:$0x7E0] =	sst s7  }
0x5e: {  	s16 =	simm.s32 $0x2780;
	[smem:$0x7E2] =	sst s14  }
0x5f: {  	s18 =	simm.s32 $0x2B80;
	[smem:$0x7E4] =	sst s16  }
0x60: {  	s1 =	sshrl.u32 s1, $0x3;
	s20 =	simm.s32 $0x2F80;
	[smem:$0x7E6] =	sst s18  }
0x61: {  	s1 =	sadd.s32 s0, s1;
	[smem:$0x7E8] =	sst s20  }
0x62: {  	s19 =	sadd.s32 $0x800, s1;
	[smem:$0x7FC] =	sst s1  }
0x63: {  	s21 =	simm.s32 $0x2680;
	[smem:$0x7D5] =	sst s19  }
0x64: {  	s22 =	simm.s32 $0x2A80;
	[smem:$0x7D8] =	sst s21  }
0x65: {  	s6 =	sadd.s32 $0x4000, s1;
	[smem:$0x7D9] =	sst s22  }
0x66: {  	s13 =	sadd.s32 $0x4800, s1;
	[smem:$0x7DD] =	sst s6  }
0x67: {  	s15 =	sadd.s32 $0x5000, s1;
	[smem:$0x7DF] =	sst s13  }
0x68: {  	s17 =	sadd.s32 $0x5800, s1;
	[smem:$0x7E1] =	sst s15  }
0x69: {  	s23 =	sadd.s32 $0x7000, s1;
	[smem:$0x7E3] =	sst s17  }
0x6a: {  	p0 =	por $0x0, $0x0;
	s25 =	sadd.s32 $0x7800, s1;
	[smem:$0x7E9] =	sst s23  }
0x6b: {  	s31 =	simm.s32 $0x3;
	s24 =	simm.s32 $0x3400;
	[smem:$0x7EB] =	sst s25  }
0x6c: {  	s30 =	simm.s32 $0x4;
	s26 =	simm.s32 $0x3800;
	[smem:$0x7EC] =	sst s24  }
0x6d: {  	s29 =	simm.s32 $0x5;
	s7 =	simm.s32 $0x3C00;
	[smem:$0x7EE] =	sst s26  }
0x6e: {  	s28 =	simm.s32 $0x6;
	s14 =	simm.s32 $0x3080;
	[smem:$0x7F0] =	sst s7  }
0x6f: {  	s4 =	simm.s32 $0x1A;
	s16 =	simm.s32 $0x3480;
	[smem:$0x7F2] =	sst s14  }
0x70: {  	s12 =	sadd.s32 $0x1000, s1;
	s18 =	simm.s32 $0x3880;
	[smem:$0x7F4] =	sst s16  }
0x71: {  	s11 =	sadd.s32 $0x1800, s1;
	s20 =	simm.s32 $0x3C80;
	[smem:$0x7F6] =	sst s18  }
0x72: {  	s10 =	sadd.s32 $0x2000, s1;
	s19 =	sadd.s32 $0x6000, s1;
	[smem:$0x7F7] =	sst s20  }
0x73: {  	s9 =	sadd.s32 $0x2800, s1;
	s21 =	sadd.s32 $0x6800, s1;
	[smem:$0x7E5] =	sst s19  }
0x74: {  	s8 =	sadd.s32 $0x3000, s1;
	s22 =	simm.s32 $0x3000;
	[smem:$0x7E7] =	sst s21  }
0x75: {  	s5 =	sadd.s32 $0x3800, s1;
	s6 =	sadd.s32 $0x8000, s1;
	[smem:$0x7EA] =	sst s22  }
0x76: {  	s13 =	sadd.s32 $0x8800, s1;
	s15 =	sadd.s32 $0x9000, s1;
	[smem:$0x7ED] =	sst s6  }
0x77: {  	s17 =	sadd.s32 $0x9800, s1;
	s23 =	sadd.s32 $0xB000, s1;
	[smem:$0x7EF] =	sst s13  }
0x78: {  	s24 =	sadd.s32 $0xB800, s1;
	s25 =	sadd.s32 $0xC000, s1;
	[smem:$0x7F1] =	sst s15  }
0x79: {  	s26 =	sadd.s32 $0xC800, s1;
	s7 =	simm.s32 $0xB;
	[smem:$0x7F3] =	sst s17  }
0x7a: {  	s18 =	simm.s32 $0xD;
	s16 =	simm.s32 $0xF;
	[smem:$0x7F9] =	sst s23  }
0x7b: {  	s14 =	simm.s32 $0x11;
	s19 =	sadd.s32 $0xA000, s1;
	[smem:$0x7FA] =	sst s24  }
0x7c: {  	s21 =	sadd.s32 $0xA800, s1;
	s22 =	smax.u32 s3, $0x1;
	[smem:$0x7FB] =	sst s25  }
0x7d: {  	[smem:$0x7FD] =	sst s26;
	s3 =	simm.s32 $0x1000;
	p1 =	sne.s32 s22, $0x1  }
.Ltmp0:
0x7e: {  	s1 =	simm.s32 $0x1B;
	s26 =	simm.s32 $0x7;
	(pc) =	sbr.rel @!p1 .LBB2_1-.Ltmp0, $4  }
0x7f: {  	s25 =	simm.s32 $0x8;
	s6 =	simm.s32 $0xA;
	s23 =	rddreg [dreg:$0x3]  }
0x80: {  	s17 =	simm.s32 $0xE;
	s15 =	simm.s32 $0x10;
	[smem:$0x7F5] =	sst s19  }
0x81: {  	s13 =	simm.s32 $0x12;
	s24 =	simm.s32 $0x19;
	[smem:$0x7F8] =	sst s21  }
0x82: {  	s20 =	sadd.s32 $0xFFFFFFFF, s22;
	s22 =	simm.s32 $0x9;
	s19 =	simm.s32 $0xC  }
0x83: {  	s0 =	rddreg [dreg:$0x4]  }
0x84: {  	[tilespmem:s2], [sflag:$0x1B] =	stream.strided.gather [hbm4b:s23+s3], $0x4000, s0, s3, $0x38;
	[tilespmem:$0x4000] =	vst v63  }
0x85: {  	_ =	swait.ge [sflag:s1], $0x4000  }
0x86: {  	s17 =	rddreg [dreg:$0x5]  }
0x87: {  	s4 =	sld [smem:$0x7FC]  }
0x88: {  	s18 =	rddreg [dreg:$0x6]  }
0x89: {  	s22 =	rddreg [dreg:$0x7]  }
0x8a: {  	s23 =	rddreg [dreg:$0x8]  }
0x8b: {  	s25 =	rddreg [dreg:$0x9]  }
0x8c: {  	s26 =	sld [smem:$0x7D5]  }
0x8d: {  	s13 =	rddreg [dreg:$0xa]  }
0x8e: {  	s15 =	rddreg [dreg:$0xb]  }
0x8f: {  	s16 =	rddreg [dreg:$0xc]  }
0x90: {  	[smem:$0x78C] =	sst s8  }
0x91: {  	[smem:$0x78E] =	sst s9  }
0x92: {  	[smem:$0x792] =	sst s10  }
0x93: {  	[sflag:s1] =	ssyncset.done $0x0;
	[smem:$0x794] =	sst s12  }
0x94: {  	[smem:$0x795] =	sst s11;
	[sflag:s1] =	ssyncadd.s32 $0xFFFFC000  }
0x95: {  	[hbm4b:s4+s2] =	stream.linear.scatter [tilespmem:s2], [sflag:$0x1], $0x80, $0x38;
	[tilespmem:$0x4000] =	vst v63  }
0x96: {  	[smem:$0x796] =	sst s5;
	s6 =	sadd.s32 $0x10, s4  }
0x97: {  	s19 =	sadd.s32 $0x20, s4;
	[smem:$0x74C] =	sst s6  }
0x98: {  	s4 =	sadd.s32 $0x30, s4;
	[smem:$0x74D] =	sst s19  }
0x99: {  	s7 =	sadd.s32 $0x10, s26;
	[smem:$0x74E] =	sst s4  }
0x9a: {  	s14 =	sadd.s32 $0x20, s26;
	[smem:$0x74F] =	sst s7  }
0x9b: {  	[smem:$0x750] =	sst s14  }
0x9c: {  	[hbm4b:s6+s2] =	stream.linear.scatter [tilespmem:s17], [sflag:$0x1], $0x80, $0x38;
	[tilespmem:$0x4000] =	vst v63  }
0x9d: {  	s17 =	rddreg [dreg:$0xd];
	s6 =	sadd.s32 $0x10, s11  }
0x9e: {  	[smem:$0x755] =	sst s6  }
0x9f: {  	[hbm4b:s19+s2] =	stream.linear.scatter [tilespmem:s18], [sflag:$0x1], $0x80, $0x38;
	[tilespmem:$0x4000] =	vst v63  }
0xa0: {  	s18 =	sadd.s32 $0x10, s12;
	s19 =	rddreg [dreg:$0xe]  }
0xa1: {  	[hbm4b:s4+s2] =	stream.linear.scatter [tilespmem:s22], [sflag:$0x1], $0x80, $0x38;
	[tilespmem:$0x4000] =	vst v63  }
0xa2: {  	[smem:$0x752] =	sst s18;
	s4 =	sadd.s32 $0x30, s26  }
0xa3: {  	s22 =	sadd.s32 $0x20, s12;
	[smem:$0x751] =	sst s4  }
0xa4: {  	[smem:$0x753] =	sst s22  }
0xa5: {  	[hbm4b:s26+s2] =	stream.linear.scatter [tilespmem:s23], [sflag:$0x2], $0x80, $0x38;
	[tilespmem:$0x4000] =	vst v63  }
0xa6: {  	s23 =	rddreg [dreg:$0xf]  }
0xa7: {  	s26 =	rddreg [dreg:$0x10]  }
0xa8: {  	[hbm4b:s7+s2] =	stream.linear.scatter [tilespmem:s25], [sflag:$0x2], $0x80, $0x38;
	[tilespmem:$0x4000] =	vst v63  }
0xa9: {  	s25 =	sadd.s32 $0x30, s12;
	s7 =	rddreg [dreg:$0x12]  }
0xaa: {  	[smem:$0x754] =	sst s25  }
0xab: {  	[hbm4b:s14+s2] =	stream.linear.scatter [tilespmem:s13], [sflag:$0x2], $0x80, $0x38;
	[tilespmem:$0x4000] =	vst v63  }
0xac: {  	s13 =	sadd.s32 $0x20, s11;
	s14 =	rddreg [dreg:$0x13]  }
0xad: {  	[smem:$0x756] =	sst s13  }
0xae: {  	[hbm4b:s4+s2] =	stream.linear.scatter [tilespmem:s15], [sflag:$0x2], $0x80, $0x38;
	[tilespmem:$0x4000] =	vst v63  }
0xaf: {  	s4 =	rddreg [dreg:$0x11];
	s15 =	sadd.s32 $0x30, s11  }
0xb0: {  	[smem:$0x757] =	sst s15  }
0xb1: {  	[hbm4b:s12+s2] =	stream.linear.scatter [tilespmem:s16], [sflag:$0x3], $0x80, $0x38;
	[tilespmem:$0x4000] =	vst v63  }
0xb2: {  	s16 =	rddreg [dreg:$0x14]  }
0xb3: {  	[hbm4b:s18+s2] =	stream.linear.scatter [tilespmem:s17], [sflag:$0x3], $0x80, $0x38;
	[tilespmem:$0x4000] =	vst v63  }
0xb4: {  	s17 =	rddreg [dreg:$0x15];
	s18 =	sadd.s32 $0x10, s10  }
0xb5: {  	[smem:$0x758] =	sst s18  }
0xb6: {  	[hbm4b:s22+s2] =	stream.linear.scatter [tilespmem:s19], [sflag:$0x3], $0x80, $0x38;
	[tilespmem:$0x4000] =	vst v63  }
0xb7: {  	s19 =	rddreg [dreg:$0x16];
	s22 =	sadd.s32 $0x20, s10  }
0xb8: {  	[smem:$0x759] =	sst s22  }
0xb9: {  	[hbm4b:s25+s2] =	stream.linear.scatter [tilespmem:s23], [sflag:$0x3], $0x80, $0x38;
	[tilespmem:$0x4000] =	vst v63  }
0xba: {  	s23 =	rddreg [dreg:$0x17];
	s25 =	sadd.s32 $0x30, s10  }
0xbb: {  	[smem:$0x75A] =	sst s25  }
0xbc: {  	[hbm4b:s11+s2] =	stream.linear.scatter [tilespmem:s26], [sflag:$0x4], $0x80, $0x38;
	[tilespmem:$0x4000] =	vst v63  }
0xbd: {  	s26 =	rddreg [dreg:$0x18]  }
0xbe: {  	[hbm4b:s6+s2] =	stream.linear.scatter [tilespmem:s4], [sflag:$0x4], $0x80, $0x38;
	[tilespmem:$0x4000] =	vst v63  }
0xbf: {  	s4 =	rddreg [dreg:$0x19];
	s6 =	sadd.s32 $0x10, s9  }
0xc0: {  	[smem:$0x75B] =	sst s6  }
0xc1: {  	[hbm4b:s13+s2] =	stream.linear.scatter [tilespmem:s7], [sflag:$0x4], $0x80, $0x38;
	[tilespmem:$0x4000] =	vst v63  }
0xc2: {  	s7 =	rddreg [dreg:$0x1a];
	s13 =	sadd.s32 $0x20, s9  }
0xc3: {  	[smem:$0x75C] =	sst s13  }
0xc4: {  	[hbm4b:s15+s2] =	stream.linear.scatter [tilespmem:s14], [sflag:$0x4], $0x80, $0x38;
	[tilespmem:$0x4000] =	vst v63  }
0xc5: {  	s14 =	rddreg [dreg:$0x1b];
	s15 =	sadd.s32 $0x30, s9  }
0xc6: {  	[smem:$0x75D] =	sst s15  }
0xc7: {  	[hbm4b:s10+s2] =	stream.linear.scatter [tilespmem:s16], [sflag:$0x5], $0x80, $0x38;
	[tilespmem:$0x4000] =	vst v63  }
0xc8: {  	s16 =	rddreg [dreg:$0x1c]  }
0xc9: {  	[hbm4b:s18+s2] =	stream.linear.scatter [tilespmem:s17], [sflag:$0x5], $0x80, $0x38;
	[tilespmem:$0x4000] =	vst v63  }
0xca: {  	s17 =	rddreg [dreg:$0x1d];
	s18 =	sadd.s32 $0x10, s8  }
0xcb: {  	[smem:$0x75E] =	sst s18  }
0xcc: {  	[hbm4b:s22+s2] =	stream.linear.scatter [tilespmem:s19], [sflag:$0x5], $0x80, $0x38;
	[tilespmem:$0x4000] =	vst v63  }
0xcd: {  	s19 =	rddreg [dreg:$0x1e];
	s22 =	sadd.s32 $0x20, s8  }
0xce: {  	[smem:$0x75F] =	sst s22  }
0xcf: {  	[hbm4b:s25+s2] =	stream.linear.scatter [tilespmem:s23], [sflag:$0x5], $0x80, $0x38;
	[tilespmem:$0x4000] =	vst v63  }
0xd0: {  	s23 =	rddreg [dreg:$0x1f];
	s25 =	sadd.s32 $0x30, s8  }
0xd1: {  	[smem:$0x760] =	sst s25  }
0xd2: {  	[hbm4b:s9+s2] =	stream.linear.scatter [tilespmem:s26], [sflag:$0x6], $0x80, $0x38;
	[tilespmem:$0x4000] =	vst v63  }
0xd3: {  	s26 =	sld [smem:$0x79F]  }
0xd4: {  	[hbm4b:s6+s2] =	stream.linear.scatter [tilespmem:s4], [sflag:$0x6], $0x80, $0x38;
	[tilespmem:$0x4000] =	vst v63  }
0xd5: {  	s4 =	sld [smem:$0x7A0];
	s6 =	sadd.s32 $0x10, s5  }
0xd6: {  	[smem:$0x761] =	sst s6  }
0xd7: {  	[hbm4b:s13+s2] =	stream.linear.scatter [tilespmem:s7], [sflag:$0x6], $0x80, $0x38;
	[tilespmem:$0x4000] =	vst v63  }
0xd8: {  	s7 =	sld [smem:$0x7A1];
	s13 =	sadd.s32 $0x20, s5  }
0xd9: {  	[smem:$0x762] =	sst s13  }
0xda: {  	[hbm4b:s15+s2] =	stream.linear.scatter [tilespmem:s14], [sflag:$0x6], $0x80, $0x38;
	[tilespmem:$0x4000] =	vst v63  }
0xdb: {  	s14 =	sld [smem:$0x7A2];
	s15 =	sadd.s32 $0x30, s5  }
0xdc: {  	[hbm4b:s8+s2] =	stream.linear.scatter [tilespmem:s16], [sflag:$0x7], $0x80, $0x38;
	[tilespmem:$0x4000] =	vst v63  }
0xdd: {  	[smem:$0x763] =	sst s15  }
0xde: {  	[hbm4b:s18+s2] =	stream.linear.scatter [tilespmem:s17], [sflag:$0x7], $0x80, $0x38;
	[tilespmem:$0x4000] =	vst v63  }
0xdf: {  	s17 =	sld [smem:$0x7DD]  }
0xe0: {  	s16 =	sld [smem:$0x7A3]  }
0xe1: {  	[hbm4b:s22+s2] =	stream.linear.scatter [tilespmem:s19], [sflag:$0x7], $0x80, $0x38;
	[tilespmem:$0x4000] =	vst v63  }
0xe2: {  	s19 =	sld [smem:$0x7A4];
	s18 =	sadd.s32 $0x10, s17  }
0xe3: {  	[hbm4b:s25+s2] =	stream.linear.scatter [tilespmem:s23], [sflag:$0x7], $0x80, $0x38;
	[tilespmem:$0x4000] =	vst v63  }
0xe4: {  	[smem:$0x764] =	sst s18  }
0xe5: {  	s22 =	sadd.s32 $0x20, s17;
	s23 =	sld [smem:$0x7A5]  }
0xe6: {  	[smem:$0x765] =	sst s22;
	s25 =	sadd.s32 $0x30, s17  }
0xe7: {  	[smem:$0x766] =	sst s25  }
0xe8: {  	[hbm4b:s5+s2] =	stream.linear.scatter [tilespmem:s26], [sflag:$0x8], $0x80, $0x38;
	[tilespmem:$0x4000] =	vst v63  }
0xe9: {  	s26 =	sld [smem:$0x7A6]  }
0xea: {  	[hbm4b:s6+s2] =	stream.linear.scatter [tilespmem:s4], [sflag:$0x8], $0x80, $0x38;
	[tilespmem:$0x4000] =	vst v63  }
0xeb: {  	s6 =	sld [smem:$0x7DF]  }
0xec: {  	s4 =	sld [smem:$0x7A7]  }
0xed: {  	[hbm4b:s13+s2] =	stream.linear.scatter [tilespmem:s7], [sflag:$0x8], $0x80, $0x38;
	[tilespmem:$0x4000] =	vst v63  }
0xee: {  	s13 =	sld [smem:$0x7A8];
	s7 =	sadd.s32 $0x10, s6  }
0xef: {  	[hbm4b:s15+s2] =	stream.linear.scatter [tilespmem:s14], [sflag:$0x8], $0x80, $0x38;
	[tilespmem:$0x4000] =	vst v63  }
0xf0: {  	[smem:$0x767] =	sst s7  }
0xf1: {  	s14 =	sadd.s32 $0x20, s6;
	s15 =	sld [smem:$0x7A9]  }
0xf2: {  	s1 =	simm.s32 $0x1000;
	[smem:$0x768] =	sst s14  }
0xf3: {  	[hbm4b:s17+s2] =	stream.linear.scatter [tilespmem:s1], [sflag:$0x9], $0x80, $0x38;
	[tilespmem:$0x4000] =	vst v63  }
0xf4: {  	s17 =	sld [smem:$0x7AA]  }
0xf5: {  	s1 =	sld [smem:$0x7F4]  }
0xf6: {  	[hbm4b:s18+s2] =	stream.linear.scatter [tilespmem:s16], [sflag:$0x9], $0x80, $0x38;
	[tilespmem:$0x4000] =	vst v63  }
0xf7: {  	s18 =	sld [smem:$0x7AB]  }
0xf8: {  	[hbm4b:s22+s2] =	stream.linear.scatter [tilespmem:s19], [sflag:$0x9], $0x80, $0x38;
	[tilespmem:$0x4000] =	vst v63  }
0xf9: {  	s16 =	sadd.s32 $0x30, s6;
	s19 =	sld [smem:$0x7E1]  }
0xfa: {  	[smem:$0x769] =	sst s16  }
0xfb: {  	[hbm4b:s25+s2] =	stream.linear.scatter [tilespmem:s23], [sflag:$0x9], $0x80, $0x38;
	[tilespmem:$0x4000] =	vst v63  }
0xfc: {  	s23 =	sld [smem:$0x7AC];
	s22 =	sadd.s32 $0x10, s19  }
0xfd: {  	[hbm4b:s6+s2] =	stream.linear.scatter [tilespmem:s26], [sflag:$0xA], $0x80, $0x38;
	[tilespmem:$0x4000] =	vst v63  }
0xfe: {  	[smem:$0x76A] =	sst s22  }
0xff: {  	s25 =	sadd.s32 $0x20, s19;
	s26 =	sld [smem:$0x7AD]  }
0x100: {  	[smem:$0x76B] =	sst s25  }
0x101: {  	s6 =	sld [smem:$0x7AE]  }
0x102: {  	[hbm4b:s7+s2] =	stream.linear.scatter [tilespmem:s4], [sflag:$0xA], $0x80, $0x38;
	[tilespmem:$0x4000] =	vst v63  }
0x103: {  	s7 =	sld [smem:$0x7AF]  }
0x104: {  	[hbm4b:s14+s2] =	stream.linear.scatter [tilespmem:s13], [sflag:$0xA], $0x80, $0x38;
	[tilespmem:$0x4000] =	vst v63  }
0x105: {  	s4 =	sadd.s32 $0x30, s19;
	s13 =	sld [smem:$0x7E3]  }
0x106: {  	[smem:$0x76C] =	sst s4  }
0x107: {  	[hbm4b:s16+s2] =	stream.linear.scatter [tilespmem:s15], [sflag:$0xA], $0x80, $0x38;
	[tilespmem:$0x4000] =	vst v63  }
0x108: {  	s15 =	sld [smem:$0x7B0];
	s14 =	sadd.s32 $0x10, s13  }
0x109: {  	[hbm4b:s19+s2] =	stream.linear.scatter [tilespmem:s17], [sflag:$0xB], $0x80, $0x38;
	[tilespmem:$0x4000] =	vst v63  }
0x10a: {  	[smem:$0x76D] =	sst s14  }
0x10b: {  	s16 =	sadd.s32 $0x20, s13;
	s17 =	sld [smem:$0x7B1]  }
0x10c: {  	[smem:$0x76E] =	sst s16  }
0x10d: {  	s19 =	sld [smem:$0x7B2]  }
0x10e: {  	[hbm4b:s22+s2] =	stream.linear.scatter [tilespmem:s18], [sflag:$0xB], $0x80, $0x38;
	[tilespmem:$0x4000] =	vst v63  }
0x10f: {  	s18 =	sadd.s32 $0x30, s13;
	s22 =	sld [smem:$0x7B3]  }
0x110: {  	[smem:$0x76F] =	sst s18  }
0x111: {  	[hbm4b:s25+s2] =	stream.linear.scatter [tilespmem:s23], [sflag:$0xB], $0x80, $0x38;
	[tilespmem:$0x4000] =	vst v63  }
0x112: {  	s23 =	sld [smem:$0x7E5]  }
0x113: {  	[hbm4b:s4+s2] =	stream.linear.scatter [tilespmem:s26], [sflag:$0xB], $0x80, $0x38;
	[tilespmem:$0x4000] =	vst v63  }
0x114: {  	s26 =	sld [smem:$0x7B4]  }
0x115: {  	s4 =	sld [smem:$0x7C3];
	s25 =	sadd.s32 $0x10, s23  }
0x116: {  	[hbm4b:s13+s2] =	stream.linear.scatter [tilespmem:s6], [sflag:$0xC], $0x80, $0x38;
	[tilespmem:$0x4000] =	vst v63  }
0x117: {  	[smem:$0x770] =	sst s25  }
0x118: {  	s0 =	sadd.s32 $0x20, s23;
	s6 =	sld [smem:$0x7B5]  }
0x119: {  	[smem:$0x771] =	sst s0  }
0x11a: {  	s13 =	sld [smem:$0x7B6]  }
0x11b: {  	[hbm4b:s14+s2] =	stream.linear.scatter [tilespmem:s7], [sflag:$0xC], $0x80, $0x38;
	[tilespmem:$0x4000] =	vst v63  }
0x11c: {  	s14 =	sld [smem:$0x7B7]  }
0x11d: {  	[hbm4b:s16+s2] =	stream.linear.scatter [tilespmem:s15], [sflag:$0xC], $0x80, $0x38;
	[tilespmem:$0x4000] =	vst v63  }
0x11e: {  	s7 =	sadd.s32 $0x30, s23;
	s15 =	sld [smem:$0x7E7]  }
0x11f: {  	[smem:$0x772] =	sst s7  }
0x120: {  	[hbm4b:s18+s2] =	stream.linear.scatter [tilespmem:s17], [sflag:$0xC], $0x80, $0x38;
	[tilespmem:$0x4000] =	vst v63  }
0x121: {  	s17 =	sld [smem:$0x7B8];
	s16 =	sadd.s32 $0x10, s15  }
0x122: {  	[hbm4b:s23+s2] =	stream.linear.scatter [tilespmem:s19], [sflag:$0xD], $0x80, $0x38;
	[tilespmem:$0x4000] =	vst v63  }
0x123: {  	[smem:$0x773] =	sst s16  }
0x124: {  	s18 =	sadd.s32 $0x20, s15;
	s19 =	sld [smem:$0x7B9]  }
0x125: {  	[smem:$0x774] =	sst s18  }
0x126: {  	s23 =	sld [smem:$0x7BA]  }
0x127: {  	[hbm4b:s25+s2] =	stream.linear.scatter [tilespmem:s22], [sflag:$0xD], $0x80, $0x38;
	[tilespmem:$0x4000] =	vst v63  }
0x128: {  	s25 =	sld [smem:$0x7BB]  }
0x129: {  	[hbm4b:s0+s2] =	stream.linear.scatter [tilespmem:s26], [sflag:$0xD], $0x80, $0x38;
	[tilespmem:$0x4000] =	vst v63  }
0x12a: {  	s22 =	sadd.s32 $0x30, s15;
	s26 =	sld [smem:$0x7E9]  }
0x12b: {  	[smem:$0x775] =	sst s22  }
0x12c: {  	[hbm4b:s7+s2] =	stream.linear.scatter [tilespmem:s6], [sflag:$0xD], $0x80, $0x38;
	[tilespmem:$0x4000] =	vst v63  }
0x12d: {  	s6 =	sld [smem:$0x7BC];
	s3 =	sadd.s32 $0x10, s26  }
0x12e: {  	[hbm4b:s15+s2] =	stream.linear.scatter [tilespmem:s13], [sflag:$0xE], $0x80, $0x38;
	[tilespmem:$0x4000] =	vst v63  }
0x12f: {  	[smem:$0x776] =	sst s3  }
0x130: {  	s7 =	sadd.s32 $0x20, s26;
	s13 =	sld [smem:$0x7BD]  }
0x131: {  	[smem:$0x777] =	sst s7  }
0x132: {  	s15 =	sld [smem:$0x7BE]  }
0x133: {  	[hbm4b:s16+s2] =	stream.linear.scatter [tilespmem:s14], [sflag:$0xE], $0x80, $0x38;
	[tilespmem:$0x4000] =	vst v63  }
0x134: {  	s16 =	sld [smem:$0x7BF]  }
0x135: {  	[hbm4b:s18+s2] =	stream.linear.scatter [tilespmem:s17], [sflag:$0xE], $0x80, $0x38;
	[tilespmem:$0x4000] =	vst v63  }
0x136: {  	s14 =	sadd.s32 $0x30, s26;
	s17 =	sld [smem:$0x7EB]  }
0x137: {  	[smem:$0x778] =	sst s14  }
0x138: {  	[hbm4b:s22+s2] =	stream.linear.scatter [tilespmem:s19], [sflag:$0xE], $0x80, $0x38;
	[tilespmem:$0x4000] =	vst v63  }
0x139: {  	s19 =	sld [smem:$0x7C0];
	s18 =	sadd.s32 $0x10, s17  }
0x13a: {  	[hbm4b:s26+s2] =	stream.linear.scatter [tilespmem:s23], [sflag:$0xF], $0x80, $0x38;
	[tilespmem:$0x4000] =	vst v63  }
0x13b: {  	[smem:$0x779] =	sst s18  }
0x13c: {  	s22 =	sadd.s32 $0x20, s17;
	s23 =	sld [smem:$0x7C1]  }
0x13d: {  	[smem:$0x77A] =	sst s22  }
0x13e: {  	s26 =	sld [smem:$0x7C2]  }
0x13f: {  	[hbm4b:s3+s2] =	stream.linear.scatter [tilespmem:s25], [sflag:$0xF], $0x80, $0x38;
	[tilespmem:$0x4000] =	vst v63  }
0x140: {  	s3 =	sld [smem:$0x7E6]  }
0x141: {  	[hbm4b:s7+s2] =	stream.linear.scatter [tilespmem:s6], [sflag:$0xF], $0x80, $0x38;
	[tilespmem:$0x4000] =	vst v63  }
0x142: {  	s25 =	sadd.s32 $0x30, s17;
	s6 =	sld [smem:$0x7ED]  }
0x143: {  	[smem:$0x77B] =	sst s25  }
0x144: {  	[hbm4b:s14+s2] =	stream.linear.scatter [tilespmem:s13], [sflag:$0xF], $0x80, $0x38;
	[tilespmem:$0x4000] =	vst v63  }
0x145: {  	s13 =	sld [smem:$0x7C4];
	s7 =	sadd.s32 $0x10, s6  }
0x146: {  	[hbm4b:s17+s2] =	stream.linear.scatter [tilespmem:s15], [sflag:$0x10], $0x80, $0x38;
	[tilespmem:$0x4000] =	vst v63  }
0x147: {  	[smem:$0x77C] =	sst s7  }
0x148: {  	s14 =	sadd.s32 $0x20, s6;
	s15 =	sld [smem:$0x7C5]  }
0x149: {  	[smem:$0x77D] =	sst s14  }
0x14a: {  	s17 =	sld [smem:$0x7C6]  }
0x14b: {  	[hbm4b:s18+s2] =	stream.linear.scatter [tilespmem:s16], [sflag:$0x10], $0x80, $0x38;
	[tilespmem:$0x4000] =	vst v63  }
0x14c: {  	s18 =	sld [smem:$0x7C7]  }
0x14d: {  	[hbm4b:s22+s2] =	stream.linear.scatter [tilespmem:s19], [sflag:$0x10], $0x80, $0x38;
	[tilespmem:$0x4000] =	vst v63  }
0x14e: {  	s16 =	sadd.s32 $0x30, s6;
	s19 =	sld [smem:$0x7EF]  }
0x14f: {  	[smem:$0x77E] =	sst s16  }
0x150: {  	[hbm4b:s25+s2] =	stream.linear.scatter [tilespmem:s23], [sflag:$0x10], $0x80, $0x38;
	[tilespmem:$0x4000] =	vst v63  }
0x151: {  	s23 =	sld [smem:$0x7C8];
	s22 =	sadd.s32 $0x10, s19  }
0x152: {  	[hbm4b:s6+s2] =	stream.linear.scatter [tilespmem:s26], [sflag:$0x11], $0x80, $0x38;
	[tilespmem:$0x4000] =	vst v63  }
0x153: {  	[smem:$0x77F] =	sst s22  }
0x154: {  	s25 =	sadd.s32 $0x20, s19;
	s26 =	sld [smem:$0x7C9]  }
0x155: {  	[smem:$0x780] =	sst s25;
	s6 =	sadd.s32 $0x30, s19  }
0x156: {  	[smem:$0x781] =	sst s6  }
0x157: {  	[hbm4b:s7+s2] =	stream.linear.scatter [tilespmem:s4], [sflag:$0x11], $0x80, $0x38;
	[tilespmem:$0x4000] =	vst v63  }
0x158: {  	s7 =	sld [smem:$0x7CA]  }
0x159: {  	[hbm4b:s14+s2] =	stream.linear.scatter [tilespmem:s13], [sflag:$0x11], $0x80, $0x38;
	[tilespmem:$0x4000] =	vst v63  }
0x15a: {  	s14 =	sld [smem:$0x7F1]  }
0x15b: {  	s13 =	sld [smem:$0x7CB]  }
0x15c: {  	[hbm4b:s16+s2] =	stream.linear.scatter [tilespmem:s15], [sflag:$0x11], $0x80, $0x38;
	[tilespmem:$0x4000] =	vst v63  }
0x15d: {  	s16 =	sld [smem:$0x7CC];
	s15 =	sadd.s32 $0x10, s14  }
0x15e: {  	[hbm4b:s19+s2] =	stream.linear.scatter [tilespmem:s17], [sflag:$0x12], $0x80, $0x38;
	[tilespmem:$0x4000] =	vst v63  }
0x15f: {  	[smem:$0x782] =	sst s15;
	s17 =	sadd.s32 $0x20, s14  }
0x160: {  	s19 =	sadd.s32 $0x30, s14;
	[smem:$0x783] =	sst s17  }
0x161: {  	[smem:$0x784] =	sst s19  }
0x162: {  	[hbm4b:s22+s2] =	stream.linear.scatter [tilespmem:s18], [sflag:$0x12], $0x80, $0x38;
	[tilespmem:$0x4000] =	vst v63  }
0x163: {  	s18 =	sld [smem:$0x7CD]  }
0x164: {  	[hbm4b:s25+s2] =	stream.linear.scatter [tilespmem:s23], [sflag:$0x12], $0x80, $0x38;
	[tilespmem:$0x4000] =	vst v63  }
0x165: {  	s25 =	sld [smem:$0x7F3]  }
0x166: {  	[hbm4b:s6+s2] =	stream.linear.scatter [tilespmem:s26], [sflag:$0x12], $0x80, $0x38;
	[tilespmem:$0x4000] =	vst v63  }
0x167: {  	s22 =	sld [smem:$0x7CE]  }
0x168: {  	[hbm4b:s14+s2] =	stream.linear.scatter [tilespmem:s7], [sflag:$0x13], $0x80, $0x38;
	[tilespmem:$0x4000] =	vst v63  }
0x169: {  	s23 =	sld [smem:$0x7CF];
	s7 =	sadd.s32 $0x10, s25  }
0x16a: {  	s14 =	sadd.s32 $0x20, s25;
	[smem:$0x785] =	sst s7  }
0x16b: {  	[smem:$0x786] =	sst s14  }
0x16c: {  	[hbm4b:s15+s2] =	stream.linear.scatter [tilespmem:s13], [sflag:$0x13], $0x80, $0x38;
	[tilespmem:$0x4000] =	vst v63  }
0x16d: {  	s13 =	sld [smem:$0x7D0]  }
0x16e: {  	[hbm4b:s17+s2] =	stream.linear.scatter [tilespmem:s16], [sflag:$0x13], $0x80, $0x38;
	[tilespmem:$0x4000] =	vst v63  }
0x16f: {  	s15 =	sld [smem:$0x7D1];
	s16 =	sadd.s32 $0x30, s25  }
0x170: {  	[smem:$0x787] =	sst s16  }
0x171: {  	[hbm4b:s19+s2] =	stream.linear.scatter [tilespmem:s18], [sflag:$0x13], $0x80, $0x38;
	[tilespmem:$0x4000] =	vst v63  }
0x172: {  	s18 =	sld [smem:$0x7D2]  }
0x173: {  	[hbm4b:s25+s2] =	stream.linear.scatter [tilespmem:s22], [sflag:$0x14], $0x80, $0x38;
	[tilespmem:$0x4000] =	vst v63  }
0x174: {  	s22 =	sld [smem:$0x7F5]  }
0x175: {  	s19 =	sld [smem:$0x7D3]  }
0x176: {  	[hbm4b:s7+s2] =	stream.linear.scatter [tilespmem:s23], [sflag:$0x14], $0x80, $0x38;
	[tilespmem:$0x4000] =	vst v63  }
0x177: {  	s25 =	sld [smem:$0x7D4];
	s23 =	sadd.s32 $0x10, s22  }
0x178: {  	[hbm4b:s14+s2] =	stream.linear.scatter [tilespmem:s13], [sflag:$0x14], $0x80, $0x38;
	[tilespmem:$0x4000] =	vst v63  }
0x179: {  	[smem:$0x788] =	sst s23  }
0x17a: {  	s0 =	sadd.s32 $0x20, s22;
	s13 =	sld [smem:$0x7D6]  }
0x17b: {  	[smem:$0x789] =	sst s0;
	s14 =	sadd.s32 $0x30, s22  }
0x17c: {  	[hbm4b:s16+s2] =	stream.linear.scatter [tilespmem:s15], [sflag:$0x14], $0x80, $0x38;
	[tilespmem:$0x4000] =	vst v63  }
0x17d: {  	[smem:$0x78A] =	sst s14  }
0x17e: {  	[hbm4b:s22+s2] =	stream.linear.scatter [tilespmem:s18], [sflag:$0x15], $0x80, $0x38;
	[tilespmem:$0x4000] =	vst v63  }
0x17f: {  	s15 =	sld [smem:$0x7D7]  }
0x180: {  	[hbm4b:s23+s2] =	stream.linear.scatter [tilespmem:s19], [sflag:$0x15], $0x80, $0x38;
	[tilespmem:$0x4000] =	vst v63  }
0x181: {  	s16 =	sld [smem:$0x7D8]  }
0x182: {  	[hbm4b:s0+s2] =	stream.linear.scatter [tilespmem:s25], [sflag:$0x15], $0x80, $0x38;
	[tilespmem:$0x4000] =	vst v63  }
0x183: {  	s22 =	sld [smem:$0x7D9]  }
0x184: {  	[hbm4b:s14+s2] =	stream.linear.scatter [tilespmem:s13], [sflag:$0x15], $0x80, $0x38;
	[tilespmem:$0x4000] =	vst v63  }
0x185: {  	s13 =	sld [smem:$0x7F8]  }
0x186: {  	s25 =	sld [smem:$0x7DA]  }
0x187: {  	s14 =	sld [smem:$0x7DB]  }
0x188: {  	[hbm4b:s13+s2] =	stream.linear.scatter [tilespmem:s15], [sflag:$0x16], $0x80, $0x38;
	[tilespmem:$0x4000] =	vst v63  }
0x189: {  	s19 =	sadd.s32 $0x10, s13;
	s15 =	sld [smem:$0x7DC]  }
0x18a: {  	s23 =	sadd.s32 $0x20, s13;
	[smem:$0x78B] =	sst s19  }
0x18b: {  	[smem:$0x78D] =	sst s23  }
0x18c: {  	[hbm4b:s19+s2] =	stream.linear.scatter [tilespmem:s16], [sflag:$0x16], $0x80, $0x38;
	[tilespmem:$0x4000] =	vst v63  }
0x18d: {  	s13 =	sadd.s32 $0x30, s13;
	s16 =	sld [smem:$0x7F9]  }
0x18e: {  	[smem:$0x78F] =	sst s13  }
0x18f: {  	[hbm4b:s23+s2] =	stream.linear.scatter [tilespmem:s22], [sflag:$0x16], $0x80, $0x38;
	[tilespmem:$0x4000] =	vst v63  }
0x190: {  	s22 =	sld [smem:$0x7DE];
	s19 =	sadd.s32 $0x10, s16  }
0x191: {  	[hbm4b:s13+s2] =	stream.linear.scatter [tilespmem:s25], [sflag:$0x16], $0x80, $0x38;
	[tilespmem:$0x4000] =	vst v63  }
0x192: {  	[smem:$0x790] =	sst s19  }
0x193: {  	s23 =	sadd.s32 $0x20, s16;
	s25 =	sld [smem:$0x7E0]  }
0x194: {  	[hbm4b:s16+s2] =	stream.linear.scatter [tilespmem:s14], [sflag:$0x17], $0x80, $0x38;
	[tilespmem:$0x4000] =	vst v63  }
0x195: {  	[smem:$0x791] =	sst s23;
	s13 =	sadd.s32 $0x30, s16  }
0x196: {  	[hbm4b:s19+s2] =	stream.linear.scatter [tilespmem:s15], [sflag:$0x17], $0x80, $0x38;
	[tilespmem:$0x4000] =	vst v63  }
0x197: {  	[smem:$0x793] =	sst s13  }
0x198: {  	[hbm4b:s23+s2] =	stream.linear.scatter [tilespmem:s22], [sflag:$0x17], $0x80, $0x38;
	[tilespmem:$0x4000] =	vst v63  }
0x199: {  	s22 =	sld [smem:$0x7FA]  }
0x19a: {  	s14 =	sld [smem:$0x7E2]  }
0x19b: {  	[hbm4b:s13+s2] =	stream.linear.scatter [tilespmem:s25], [sflag:$0x17], $0x80, $0x38;
	[tilespmem:$0x4000] =	vst v63  }
0x19c: {  	s15 =	sld [smem:$0x7E4];
	s23 =	sadd.s32 $0x10, s22  }
0x19d: {  	[hbm4b:s22+s2] =	stream.linear.scatter [tilespmem:s14], [sflag:$0x18], $0x80, $0x38;
	[tilespmem:$0x4000] =	vst v63  }
0x19e: {  	[smem:$0x797] =	sst s23  }
0x19f: {  	s0 =	sadd.s32 $0x30, s22;
	s14 =	sld [smem:$0x7E8]  }
0x1a0: {  	[hbm4b:s23+s2] =	stream.linear.scatter [tilespmem:s15], [sflag:$0x18], $0x80, $0x38;
	[tilespmem:$0x4000] =	vst v63  }
0x1a1: {  	s13 =	sadd.s32 $0x20, s22;
	[smem:$0x799] =	sst s0  }
0x1a2: {  	[hbm4b:s13+s2] =	stream.linear.scatter [tilespmem:s3], [sflag:$0x18], $0x80, $0x38;
	[tilespmem:$0x4000] =	vst v63  }
0x1a3: {  	s15 =	sld [smem:$0x7EA]  }
0x1a4: {  	[hbm4b:s0+s2] =	stream.linear.scatter [tilespmem:s14], [sflag:$0x18], $0x80, $0x38;
	[tilespmem:$0x4000] =	vst v63  }
0x1a5: {  	s0 =	sld [smem:$0x7FB]  }
0x1a6: {  	s23 =	sld [smem:$0x7EE]  }
0x1a7: {  	s14 =	sld [smem:$0x7EC]  }
0x1a8: {  	[hbm4b:s0+s2] =	stream.linear.scatter [tilespmem:s15], [sflag:$0x19], $0x80, $0x38;
	[tilespmem:$0x4000] =	vst v63  }
0x1a9: {  	s22 =	sadd.s32 $0x10, s0;
	s15 =	sld [smem:$0x7F0]  }
0x1aa: {  	[hbm4b:s22+s2] =	stream.linear.scatter [tilespmem:s14], [sflag:$0x19], $0x80, $0x38;
	[tilespmem:$0x4000] =	vst v63  }
0x1ab: {  	[smem:$0x79A] =	sst s22;
	s22 =	sadd.s32 $0x20, s0;
	s0 =	sadd.s32 $0x30, s0  }
0x1ac: {  	[smem:$0x79C] =	sst s0  }
0x1ad: {  	[hbm4b:s22+s2] =	stream.linear.scatter [tilespmem:s23], [sflag:$0x19], $0x80, $0x38;
	[tilespmem:$0x4000] =	vst v63  }
0x1ae: {  	s23 =	sld [smem:$0x7F2]  }
0x1af: {  	[hbm4b:s0+s2] =	stream.linear.scatter [tilespmem:s15], [sflag:$0x19], $0x80, $0x38;
	[tilespmem:$0x4000] =	vst v63  }
0x1b0: {  	s0 =	sld [smem:$0x7FD]  }
0x1b1: {  	[smem:$0x798] =	sst s13  }
0x1b2: {  	[smem:$0x79B] =	sst s22  }
0x1b3: {  	[hbm4b:s0+s2] =	stream.linear.scatter [tilespmem:s23], [sflag:$0x1A], $0x80, $0x38;
	[tilespmem:$0x4000] =	vst v63  }
0x1b4: {  	s14 =	sadd.s32 $0x10, s0;
	s23 =	sld [smem:$0x7F6]  }
0x1b5: {  	[hbm4b:s14+s2] =	stream.linear.scatter [tilespmem:s1], [sflag:$0x1A], $0x80, $0x38;
	[tilespmem:$0x4000] =	vst v63  }
0x1b6: {  	s22 =	sld [smem:$0x7F7];
	s1 =	sadd.s32 $0x20, s0  }
0x1b7: {  	[hbm4b:s1+s2] =	stream.linear.scatter [tilespmem:s23], [sflag:$0x1A], $0x80, $0x38;
	[tilespmem:$0x4000] =	vst v63  }
0x1b8: {  	[smem:$0x79D] =	sst s14;
	s0 =	sadd.s32 $0x30, s0  }
0x1b9: {  	[hbm4b:s0+s2] =	stream.linear.scatter [tilespmem:s22], [sflag:$0x1A], $0x80, $0x38;
	[tilespmem:$0x4000] =	vst v63  }
0x1ba: {  	[smem:$0x79E] =	sst s1;
	s22 =	simm.s32 $0x1  }
0x1bb: {  	_ =	swait.ge [sflag:s22], $0x200  }
0x1bc: {  	[sflag:s22] =	ssyncset.done $0x0  }
0x1bd: {  	s23 =	simm.s32 $0x2;
	[sflag:s22] =	ssyncadd.s32 $0xFFFFFE00  }
0x1be: {  	_ =	swait.ge [sflag:s23], $0x200  }
0x1bf: {  	[sflag:s23] =	ssyncset.done $0x0  }
0x1c0: {  	s19 =	simm.s32 $0x3;
	[sflag:s23] =	ssyncadd.s32 $0xFFFFFE00  }
0x1c1: {  	_ =	swait.ge [sflag:s19], $0x200  }
0x1c2: {  	[sflag:s19] =	ssyncset.done $0x0  }
0x1c3: {  	s5 =	simm.s32 $0x4;
	[sflag:s19] =	ssyncadd.s32 $0xFFFFFE00  }
0x1c4: {  	_ =	swait.ge [sflag:s5], $0x200  }
0x1c5: {  	[sflag:s5] =	ssyncset.done $0x0  }
0x1c6: {  	s18 =	simm.s32 $0x5;
	[sflag:s5] =	ssyncadd.s32 $0xFFFFFE00  }
0x1c7: {  	_ =	swait.ge [sflag:s18], $0x200  }
0x1c8: {  	[sflag:s18] =	ssyncset.done $0x0  }
0x1c9: {  	s17 =	simm.s32 $0x6;
	[sflag:s18] =	ssyncadd.s32 $0xFFFFFE00  }
0x1ca: {  	_ =	swait.ge [sflag:s17], $0x200  }
0x1cb: {  	[sflag:s17] =	ssyncset.done $0x0  }
0x1cc: {  	s4 =	simm.s32 $0x7;
	[sflag:s17] =	ssyncadd.s32 $0xFFFFFE00  }
0x1cd: {  	_ =	swait.ge [sflag:s4], $0x200  }
0x1ce: {  	[sflag:s4] =	ssyncset.done $0x0  }
0x1cf: {  	s16 =	simm.s32 $0x8;
	[sflag:s4] =	ssyncadd.s32 $0xFFFFFE00  }
0x1d0: {  	_ =	swait.ge [sflag:s16], $0x200  }
0x1d1: {  	[sflag:s16] =	ssyncset.done $0x0  }
0x1d2: {  	s15 =	simm.s32 $0x9;
	[sflag:s16] =	ssyncadd.s32 $0xFFFFFE00  }
0x1d3: {  	_ =	swait.ge [sflag:s15], $0x200  }
0x1d4: {  	[sflag:s15] =	ssyncset.done $0x0  }
0x1d5: {  	s14 =	simm.s32 $0xA;
	[sflag:s15] =	ssyncadd.s32 $0xFFFFFE00  }
0x1d6: {  	_ =	swait.ge [sflag:s14], $0x200  }
0x1d7: {  	[sflag:s14] =	ssyncset.done $0x0  }
0x1d8: {  	s30 =	simm.s32 $0xB;
	[sflag:s14] =	ssyncadd.s32 $0xFFFFFE00  }
0x1d9: {  	_ =	swait.ge [sflag:s30], $0x200  }
0x1da: {  	[sflag:s30] =	ssyncset.done $0x0  }
0x1db: {  	s13 =	simm.s32 $0xC;
	[sflag:s30] =	ssyncadd.s32 $0xFFFFFE00  }
0x1dc: {  	_ =	swait.ge [sflag:s13], $0x200  }
0x1dd: {  	[sflag:s13] =	ssyncset.done $0x0  }
0x1de: {  	s12 =	simm.s32 $0xD;
	[sflag:s13] =	ssyncadd.s32 $0xFFFFFE00  }
0x1df: {  	_ =	swait.ge [sflag:s12], $0x200  }
0x1e0: {  	[sflag:s12] =	ssyncset.done $0x0  }
0x1e1: {  	s3 =	simm.s32 $0xE;
	[sflag:s12] =	ssyncadd.s32 $0xFFFFFE00  }
0x1e2: {  	_ =	swait.ge [sflag:s3], $0x200  }
0x1e3: {  	[sflag:s3] =	ssyncset.done $0x0  }
0x1e4: {  	s11 =	simm.s32 $0xF;
	[sflag:s3] =	ssyncadd.s32 $0xFFFFFE00  }
0x1e5: {  	_ =	swait.ge [sflag:s11], $0x200  }
0x1e6: {  	[sflag:s11] =	ssyncset.done $0x0  }
0x1e7: {  	s10 =	simm.s32 $0x10;
	[sflag:s11] =	ssyncadd.s32 $0xFFFFFE00  }
0x1e8: {  	_ =	swait.ge [sflag:s10], $0x200  }
0x1e9: {  	[sflag:s10] =	ssyncset.done $0x0  }
0x1ea: {  	s31 =	simm.s32 $0x11;
	[sflag:s10] =	ssyncadd.s32 $0xFFFFFE00  }
0x1eb: {  	_ =	swait.ge [sflag:s31], $0x200  }
0x1ec: {  	[sflag:s31] =	ssyncset.done $0x0  }
0x1ed: {  	s9 =	simm.s32 $0x12;
	[sflag:s31] =	ssyncadd.s32 $0xFFFFFE00  }
0x1ee: {  	_ =	swait.ge [sflag:s9], $0x200  }
0x1ef: {  	[sflag:s9] =	ssyncset.done $0x0  }
0x1f0: {  	s8 =	simm.s32 $0x13;
	[sflag:s9] =	ssyncadd.s32 $0xFFFFFE00  }
0x1f1: {  	_ =	swait.ge [sflag:s8], $0x200  }
0x1f2: {  	[sflag:s8] =	ssyncset.done $0x0  }
0x1f3: {  	s29 =	simm.s32 $0x14;
	[sflag:s8] =	ssyncadd.s32 $0xFFFFFE00  }
0x1f4: {  	_ =	swait.ge [sflag:s29], $0x200  }
0x1f5: {  	[sflag:s29] =	ssyncset.done $0x0  }
0x1f6: {  	s7 =	simm.s32 $0x15;
	[sflag:s29] =	ssyncadd.s32 $0xFFFFFE00  }
0x1f7: {  	_ =	swait.ge [sflag:s7], $0x200  }
0x1f8: {  	[sflag:s7] =	ssyncset.done $0x0  }
0x1f9: {  	s28 =	simm.s32 $0x16;
	[sflag:s7] =	ssyncadd.s32 $0xFFFFFE00  }
0x1fa: {  	_ =	swait.ge [sflag:s28], $0x200  }
0x1fb: {  	[sflag:s28] =	ssyncset.done $0x0  }
0x1fc: {  	s26 =	simm.s32 $0x17;
	[sflag:s28] =	ssyncadd.s32 $0xFFFFFE00  }
0x1fd: {  	_ =	swait.ge [sflag:s26], $0x200  }
0x1fe: {  	[sflag:s26] =	ssyncset.done $0x0  }
0x1ff: {  	s25 =	simm.s32 $0x18;
	[sflag:s26] =	ssyncadd.s32 $0xFFFFFE00  }
0x200: {  	_ =	swait.ge [sflag:s25], $0x200  }
0x201: {  	s1 =	smov.u32 s20;
	[sflag:s25] =	ssyncset.done $0x0  }
0x202: {  	p1 =	sne.s32 s1, $0x1;
	[sflag:s25] =	ssyncadd.s32 $0xFFFFFE00  }
.Ltmp1:
0x203: {  	_ =	swait.ge [sflag:s24], $0x200;
	(pc) =	sbr.rel @!p1 .LBB2_7-.Ltmp1, $4  }
0x204: {  	[sflag:s24] =	ssyncset.done $0x0  }
0x205: {  	s21 =	simm.s32 $0x1B;
	s6 =	simm.s32 $0x1A;
	[sflag:s24] =	ssyncadd.s32 $0xFFFFFE00  }
0x206: {  	p0 =	por $0x1, $0x1;
	s20 =	smov.u32 s0;
	_ =	swait.ge [sflag:s6], $0x200  }
0x207: {  	s22 =	sadd.s32 $0xFFFFFFFF, s1;
	[sflag:s6] =	ssyncset.done $0x0;
	s23 =	rddreg [dreg:$0x3]  }
0x208: {  	s1 =	simm.s32 $0x1000  }
.LBB2_4:
0x209: {  	s24 =	rddreg [dreg:$0x4];
	[sflag:s6] =	ssyncadd.s32 $0xFFFFFE00  }
0x20a: {  	[tilespmem:s2], [sflag:$0x1B] =	stream.strided.gather [hbm4b:s23+s1], $0x4000, s24, s1, $0x38;
	[tilespmem:$0x4000] =	vst v63  }
0x20b: {  	_ =	swait.ge [sflag:s21], $0x4000  }
0x20c: {  	s0 =	sld [smem:$0x7FC]  }
0x20d: {  	[sflag:s21] =	ssyncset.done $0x0  }
0x20e: {  	[sflag:s21] =	ssyncadd.s32 $0xFFFFC000  }
0x20f: {  	[hbm4b:s0+s2] =	stream.linear.scatter [tilespmem:s2], [sflag:$0x1], $0x80, $0x38;
	[tilespmem:$0x4000] =	vst v63  }
0x210: {  	s0 =	sld [smem:$0x74C];
	_ =	sdelay $0x1  }
0x211: {  	s23 =	rddreg [dreg:$0x5]  }
0x212: {  	[hbm4b:s0+s2] =	stream.linear.scatter [tilespmem:s23], [sflag:$0x1], $0x80, $0x38;
	[tilespmem:$0x4000] =	vst v63  }
0x213: {  	s0 =	sld [smem:$0x74D];
	_ =	sdelay $0x1  }
0x214: {  	s24 =	rddreg [dreg:$0x6]  }
0x215: {  	[hbm4b:s0+s2] =	stream.linear.scatter [tilespmem:s24], [sflag:$0x1], $0x80, $0x38;
	[tilespmem:$0x4000] =	vst v63  }
0x216: {  	s0 =	sld [smem:$0x74E];
	_ =	sdelay $0x1  }
0x217: {  	s23 =	rddreg [dreg:$0x7]  }
0x218: {  	[hbm4b:s0+s2] =	stream.linear.scatter [tilespmem:s23], [sflag:$0x1], $0x80, $0x38;
	[tilespmem:$0x4000] =	vst v63  }
0x219: {  	s0 =	sld [smem:$0x7D5];
	_ =	sdelay $0x1  }
0x21a: {  	s24 =	rddreg [dreg:$0x8]  }
0x21b: {  	[hbm4b:s0+s2] =	stream.linear.scatter [tilespmem:s24], [sflag:$0x2], $0x80, $0x38;
	[tilespmem:$0x4000] =	vst v63  }
0x21c: {  	s0 =	sld [smem:$0x74F];
	_ =	sdelay $0x1  }
0x21d: {  	s23 =	rddreg [dreg:$0x9]  }
0x21e: {  	[hbm4b:s0+s2] =	stream.linear.scatter [tilespmem:s23], [sflag:$0x2], $0x80, $0x38;
	[tilespmem:$0x4000] =	vst v63  }
0x21f: {  	s0 =	sld [smem:$0x750];
	_ =	sdelay $0x1  }
0x220: {  	s24 =	rddreg [dreg:$0xa]  }
0x221: {  	[hbm4b:s0+s2] =	stream.linear.scatter [tilespmem:s24], [sflag:$0x2], $0x80, $0x38;
	[tilespmem:$0x4000] =	vst v63  }
0x222: {  	s0 =	sld [smem:$0x751];
	_ =	sdelay $0x1  }
0x223: {  	s23 =	rddreg [dreg:$0xb]  }
0x224: {  	[hbm4b:s0+s2] =	stream.linear.scatter [tilespmem:s23], [sflag:$0x2], $0x80, $0x38;
	[tilespmem:$0x4000] =	vst v63  }
0x225: {  	s0 =	sld [smem:$0x794];
	_ =	sdelay $0x1  }
0x226: {  	s24 =	rddreg [dreg:$0xc]  }
0x227: {  	[hbm4b:s0+s2] =	stream.linear.scatter [tilespmem:s24], [sflag:$0x3], $0x80, $0x38;
	[tilespmem:$0x4000] =	vst v63  }
0x228: {  	s0 =	sld [smem:$0x752];
	_ =	sdelay $0x1  }
0x229: {  	s23 =	rddreg [dreg:$0xd]  }
0x22a: {  	[hbm4b:s0+s2] =	stream.linear.scatter [tilespmem:s23], [sflag:$0x3], $0x80, $0x38;
	[tilespmem:$0x4000] =	vst v63  }
0x22b: {  	s0 =	sld [smem:$0x753];
	_ =	sdelay $0x1  }
0x22c: {  	s24 =	rddreg [dreg:$0xe]  }
0x22d: {  	[hbm4b:s0+s2] =	stream.linear.scatter [tilespmem:s24], [sflag:$0x3], $0x80, $0x38;
	[tilespmem:$0x4000] =	vst v63  }
0x22e: {  	s0 =	sld [smem:$0x754];
	_ =	sdelay $0x1  }
0x22f: {  	s23 =	rddreg [dreg:$0xf]  }
0x230: {  	[hbm4b:s0+s2] =	stream.linear.scatter [tilespmem:s23], [sflag:$0x3], $0x80, $0x38;
	[tilespmem:$0x4000] =	vst v63  }
0x231: {  	s0 =	sld [smem:$0x795];
	_ =	sdelay $0x1  }
0x232: {  	s24 =	rddreg [dreg:$0x10]  }
0x233: {  	[hbm4b:s0+s2] =	stream.linear.scatter [tilespmem:s24], [sflag:$0x4], $0x80, $0x38;
	[tilespmem:$0x4000] =	vst v63  }
0x234: {  	s0 =	sld [smem:$0x755];
	_ =	sdelay $0x1  }
0x235: {  	s23 =	rddreg [dreg:$0x11]  }
0x236: {  	[hbm4b:s0+s2] =	stream.linear.scatter [tilespmem:s23], [sflag:$0x4], $0x80, $0x38;
	[tilespmem:$0x4000] =	vst v63  }
0x237: {  	s0 =	sld [smem:$0x756];
	_ =	sdelay $0x1  }
0x238: {  	s24 =	rddreg [dreg:$0x12]  }
0x239: {  	[hbm4b:s0+s2] =	stream.linear.scatter [tilespmem:s24], [sflag:$0x4], $0x80, $0x38;
	[tilespmem:$0x4000] =	vst v63  }
0x23a: {  	s0 =	sld [smem:$0x757];
	_ =	sdelay $0x1  }
0x23b: {  	s23 =	rddreg [dreg:$0x13]  }
0x23c: {  	[hbm4b:s0+s2] =	stream.linear.scatter [tilespmem:s23], [sflag:$0x4], $0x80, $0x38;
	[tilespmem:$0x4000] =	vst v63  }
0x23d: {  	s0 =	sld [smem:$0x792];
	_ =	sdelay $0x1  }
0x23e: {  	s24 =	rddreg [dreg:$0x14]  }
0x23f: {  	[hbm4b:s0+s2] =	stream.linear.scatter [tilespmem:s24], [sflag:$0x5], $0x80, $0x38;
	[tilespmem:$0x4000] =	vst v63  }
0x240: {  	s0 =	sld [smem:$0x758];
	_ =	sdelay $0x1  }
0x241: {  	s23 =	rddreg [dreg:$0x15]  }
0x242: {  	[hbm4b:s0+s2] =	stream.linear.scatter [tilespmem:s23], [sflag:$0x5], $0x80, $0x38;
	[tilespmem:$0x4000] =	vst v63  }
0x243: {  	s0 =	sld [smem:$0x759];
	_ =	sdelay $0x1  }
0x244: {  	s24 =	rddreg [dreg:$0x16]  }
0x245: {  	[hbm4b:s0+s2] =	stream.linear.scatter [tilespmem:s24], [sflag:$0x5], $0x80, $0x38;
	[tilespmem:$0x4000] =	vst v63  }
0x246: {  	s0 =	sld [smem:$0x75A];
	_ =	sdelay $0x1  }
0x247: {  	s23 =	rddreg [dreg:$0x17]  }
0x248: {  	[hbm4b:s0+s2] =	stream.linear.scatter [tilespmem:s23], [sflag:$0x5], $0x80, $0x38;
	[tilespmem:$0x4000] =	vst v63  }
0x249: {  	s0 =	sld [smem:$0x78E];
	_ =	sdelay $0x1  }
0x24a: {  	s24 =	rddreg [dreg:$0x18]  }
0x24b: {  	[hbm4b:s0+s2] =	stream.linear.scatter [tilespmem:s24], [sflag:$0x6], $0x80, $0x38;
	[tilespmem:$0x4000] =	vst v63  }
0x24c: {  	s0 =	sld [smem:$0x75B];
	_ =	sdelay $0x1  }
0x24d: {  	s23 =	rddreg [dreg:$0x19]  }
0x24e: {  	[hbm4b:s0+s2] =	stream.linear.scatter [tilespmem:s23], [sflag:$0x6], $0x80, $0x38;
	[tilespmem:$0x4000] =	vst v63  }
0x24f: {  	s0 =	sld [smem:$0x75C];
	_ =	sdelay $0x1  }
0x250: {  	s24 =	rddreg [dreg:$0x1a]  }
0x251: {  	[hbm4b:s0+s2] =	stream.linear.scatter [tilespmem:s24], [sflag:$0x6], $0x80, $0x38;
	[tilespmem:$0x4000] =	vst v63  }
0x252: {  	s0 =	sld [smem:$0x75D];
	_ =	sdelay $0x1  }
0x253: {  	s23 =	rddreg [dreg:$0x1b]  }
0x254: {  	[hbm4b:s0+s2] =	stream.linear.scatter [tilespmem:s23], [sflag:$0x6], $0x80, $0x38;
	[tilespmem:$0x4000] =	vst v63  }
0x255: {  	s0 =	sld [smem:$0x78C];
	_ =	sdelay $0x1  }
0x256: {  	s24 =	rddreg [dreg:$0x1c]  }
0x257: {  	[hbm4b:s0+s2] =	stream.linear.scatter [tilespmem:s24], [sflag:$0x7], $0x80, $0x38;
	[tilespmem:$0x4000] =	vst v63  }
0x258: {  	s0 =	sld [smem:$0x75E];
	_ =	sdelay $0x1  }
0x259: {  	s23 =	rddreg [dreg:$0x1d]  }
0x25a: {  	[hbm4b:s0+s2] =	stream.linear.scatter [tilespmem:s23], [sflag:$0x7], $0x80, $0x38;
	[tilespmem:$0x4000] =	vst v63  }
0x25b: {  	s0 =	sld [smem:$0x75F];
	_ =	sdelay $0x1  }
0x25c: {  	s24 =	rddreg [dreg:$0x1e]  }
0x25d: {  	[hbm4b:s0+s2] =	stream.linear.scatter [tilespmem:s24], [sflag:$0x7], $0x80, $0x38;
	[tilespmem:$0x4000] =	vst v63  }
0x25e: {  	s0 =	sld [smem:$0x760]  }
0x25f: {  	s23 =	rddreg [dreg:$0x1f]  }
0x260: {  	s24 =	sld [smem:$0x79F]  }
0x261: {  	[hbm4b:s0+s2] =	stream.linear.scatter [tilespmem:s23], [sflag:$0x7], $0x80, $0x38;
	[tilespmem:$0x4000] =	vst v63  }
0x262: {  	s0 =	sld [smem:$0x796];
	_ =	sdelay $0x1  }
0x263: {  	s23 =	sld [smem:$0x7A0]  }
0x264: {  	[hbm4b:s0+s2] =	stream.linear.scatter [tilespmem:s24], [sflag:$0x8], $0x80, $0x38;
	[tilespmem:$0x4000] =	vst v63  }
0x265: {  	s0 =	sld [smem:$0x761];
	_ =	sdelay $0x1  }
0x266: {  	s24 =	sld [smem:$0x7A1]  }
0x267: {  	[hbm4b:s0+s2] =	stream.linear.scatter [tilespmem:s23], [sflag:$0x8], $0x80, $0x38;
	[tilespmem:$0x4000] =	vst v63  }
0x268: {  	s0 =	sld [smem:$0x762];
	_ =	sdelay $0x1  }
0x269: {  	s23 =	sld [smem:$0x7A2]  }
0x26a: {  	[hbm4b:s0+s2] =	stream.linear.scatter [tilespmem:s24], [sflag:$0x8], $0x80, $0x38;
	[tilespmem:$0x4000] =	vst v63  }
0x26b: {  	s24 =	sld [smem:$0x763];
	_ =	sdelay $0x2  }
0x26c: {  	[hbm4b:s24+s2] =	stream.linear.scatter [tilespmem:s23], [sflag:$0x8], $0x80, $0x38;
	[tilespmem:$0x4000] =	vst v63  }
0x26d: {  	s24 =	sld [smem:$0x7DD]  }
0x26e: {  	s0 =	sld [smem:$0x764]  }
0x26f: {  	s23 =	sld [smem:$0x7A3]  }
0x270: {  	[hbm4b:s24+s2] =	stream.linear.scatter [tilespmem:s1], [sflag:$0x9], $0x80, $0x38;
	[tilespmem:$0x4000] =	vst v63  }
0x271: {  	s24 =	sld [smem:$0x7A4]  }
0x272: {  	[hbm4b:s0+s2] =	stream.linear.scatter [tilespmem:s23], [sflag:$0x9], $0x80, $0x38;
	[tilespmem:$0x4000] =	vst v63  }
0x273: {  	s0 =	sld [smem:$0x765];
	_ =	sdelay $0x1  }
0x274: {  	s23 =	sld [smem:$0x7A5]  }
0x275: {  	[hbm4b:s0+s2] =	stream.linear.scatter [tilespmem:s24], [sflag:$0x9], $0x80, $0x38;
	[tilespmem:$0x4000] =	vst v63  }
0x276: {  	s0 =	sld [smem:$0x766];
	_ =	sdelay $0x1  }
0x277: {  	s24 =	sld [smem:$0x7A6]  }
0x278: {  	[hbm4b:s0+s2] =	stream.linear.scatter [tilespmem:s23], [sflag:$0x9], $0x80, $0x38;
	[tilespmem:$0x4000] =	vst v63  }
0x279: {  	s0 =	sld [smem:$0x7DF];
	_ =	sdelay $0x1  }
0x27a: {  	s23 =	sld [smem:$0x7A7]  }
0x27b: {  	[hbm4b:s0+s2] =	stream.linear.scatter [tilespmem:s24], [sflag:$0xA], $0x80, $0x38;
	[tilespmem:$0x4000] =	vst v63  }
0x27c: {  	s0 =	sld [smem:$0x767];
	_ =	sdelay $0x1  }
0x27d: {  	s24 =	sld [smem:$0x7A8]  }
0x27e: {  	[hbm4b:s0+s2] =	stream.linear.scatter [tilespmem:s23], [sflag:$0xA], $0x80, $0x38;
	[tilespmem:$0x4000] =	vst v63  }
0x27f: {  	s0 =	sld [smem:$0x768];
	_ =	sdelay $0x1  }
0x280: {  	s23 =	sld [smem:$0x7A9]  }
0x281: {  	[hbm4b:s0+s2] =	stream.linear.scatter [tilespmem:s24], [sflag:$0xA], $0x80, $0x38;
	[tilespmem:$0x4000] =	vst v63  }
0x282: {  	s0 =	sld [smem:$0x769];
	_ =	sdelay $0x1  }
0x283: {  	s24 =	sld [smem:$0x7AA]  }
0x284: {  	[hbm4b:s0+s2] =	stream.linear.scatter [tilespmem:s23], [sflag:$0xA], $0x80, $0x38;
	[tilespmem:$0x4000] =	vst v63  }
0x285: {  	s0 =	sld [smem:$0x7E1];
	_ =	sdelay $0x1  }
0x286: {  	s23 =	sld [smem:$0x7AB]  }
0x287: {  	[hbm4b:s0+s2] =	stream.linear.scatter [tilespmem:s24], [sflag:$0xB], $0x80, $0x38;
	[tilespmem:$0x4000] =	vst v63  }
0x288: {  	s0 =	sld [smem:$0x76A];
	_ =	sdelay $0x1  }
0x289: {  	s24 =	sld [smem:$0x7AC]  }
0x28a: {  	[hbm4b:s0+s2] =	stream.linear.scatter [tilespmem:s23], [sflag:$0xB], $0x80, $0x38;
	[tilespmem:$0x4000] =	vst v63  }
0x28b: {  	s0 =	sld [smem:$0x76B];
	_ =	sdelay $0x1  }
0x28c: {  	s23 =	sld [smem:$0x7AD]  }
0x28d: {  	[hbm4b:s0+s2] =	stream.linear.scatter [tilespmem:s24], [sflag:$0xB], $0x80, $0x38;
	[tilespmem:$0x4000] =	vst v63  }
0x28e: {  	s0 =	sld [smem:$0x76C];
	_ =	sdelay $0x1  }
0x28f: {  	s24 =	sld [smem:$0x7AE]  }
0x290: {  	[hbm4b:s0+s2] =	stream.linear.scatter [tilespmem:s23], [sflag:$0xB], $0x80, $0x38;
	[tilespmem:$0x4000] =	vst v63  }
0x291: {  	s0 =	sld [smem:$0x7E3];
	_ =	sdelay $0x1  }
0x292: {  	s23 =	sld [smem:$0x7AF]  }
0x293: {  	[hbm4b:s0+s2] =	stream.linear.scatter [tilespmem:s24], [sflag:$0xC], $0x80, $0x38;
	[tilespmem:$0x4000] =	vst v63  }
0x294: {  	s0 =	sld [smem:$0x76D];
	_ =	sdelay $0x1  }
0x295: {  	s24 =	sld [smem:$0x7B0]  }
0x296: {  	[hbm4b:s0+s2] =	stream.linear.scatter [tilespmem:s23], [sflag:$0xC], $0x80, $0x38;
	[tilespmem:$0x4000] =	vst v63  }
0x297: {  	s0 =	sld [smem:$0x76E];
	_ =	sdelay $0x1  }
0x298: {  	s23 =	sld [smem:$0x7B1]  }
0x299: {  	[hbm4b:s0+s2] =	stream.linear.scatter [tilespmem:s24], [sflag:$0xC], $0x80, $0x38;
	[tilespmem:$0x4000] =	vst v63  }
0x29a: {  	s0 =	sld [smem:$0x76F];
	_ =	sdelay $0x1  }
0x29b: {  	s24 =	sld [smem:$0x7B2]  }
0x29c: {  	[hbm4b:s0+s2] =	stream.linear.scatter [tilespmem:s23], [sflag:$0xC], $0x80, $0x38;
	[tilespmem:$0x4000] =	vst v63  }
0x29d: {  	s0 =	sld [smem:$0x7E5];
	_ =	sdelay $0x1  }
0x29e: {  	s23 =	sld [smem:$0x7B3]  }
0x29f: {  	[hbm4b:s0+s2] =	stream.linear.scatter [tilespmem:s24], [sflag:$0xD], $0x80, $0x38;
	[tilespmem:$0x4000] =	vst v63  }
0x2a0: {  	s0 =	sld [smem:$0x770];
	_ =	sdelay $0x1  }
0x2a1: {  	s24 =	sld [smem:$0x7B4]  }
0x2a2: {  	[hbm4b:s0+s2] =	stream.linear.scatter [tilespmem:s23], [sflag:$0xD], $0x80, $0x38;
	[tilespmem:$0x4000] =	vst v63  }
0x2a3: {  	s0 =	sld [smem:$0x771];
	_ =	sdelay $0x1  }
0x2a4: {  	s23 =	sld [smem:$0x7B5]  }
0x2a5: {  	[hbm4b:s0+s2] =	stream.linear.scatter [tilespmem:s24], [sflag:$0xD], $0x80, $0x38;
	[tilespmem:$0x4000] =	vst v63  }
0x2a6: {  	s0 =	sld [smem:$0x772];
	_ =	sdelay $0x1  }
0x2a7: {  	s24 =	sld [smem:$0x7B6]  }
0x2a8: {  	[hbm4b:s0+s2] =	stream.linear.scatter [tilespmem:s23], [sflag:$0xD], $0x80, $0x38;
	[tilespmem:$0x4000] =	vst v63  }
0x2a9: {  	s0 =	sld [smem:$0x7E7];
	_ =	sdelay $0x1  }
0x2aa: {  	s23 =	sld [smem:$0x7B7]  }
0x2ab: {  	[hbm4b:s0+s2] =	stream.linear.scatter [tilespmem:s24], [sflag:$0xE], $0x80, $0x38;
	[tilespmem:$0x4000] =	vst v63  }
0x2ac: {  	s0 =	sld [smem:$0x773];
	_ =	sdelay $0x1  }
0x2ad: {  	s24 =	sld [smem:$0x7B8]  }
0x2ae: {  	[hbm4b:s0+s2] =	stream.linear.scatter [tilespmem:s23], [sflag:$0xE], $0x80, $0x38;
	[tilespmem:$0x4000] =	vst v63  }
0x2af: {  	s0 =	sld [smem:$0x774];
	_ =	sdelay $0x1  }
0x2b0: {  	s23 =	sld [smem:$0x7B9]  }
0x2b1: {  	[hbm4b:s0+s2] =	stream.linear.scatter [tilespmem:s24], [sflag:$0xE], $0x80, $0x38;
	[tilespmem:$0x4000] =	vst v63  }
0x2b2: {  	s0 =	sld [smem:$0x775];
	_ =	sdelay $0x1  }
0x2b3: {  	s24 =	sld [smem:$0x7BA]  }
0x2b4: {  	[hbm4b:s0+s2] =	stream.linear.scatter [tilespmem:s23], [sflag:$0xE], $0x80, $0x38;
	[tilespmem:$0x4000] =	vst v63  }
0x2b5: {  	s0 =	sld [smem:$0x7E9];
	_ =	sdelay $0x1  }
0x2b6: {  	s23 =	sld [smem:$0x7BB]  }
0x2b7: {  	[hbm4b:s0+s2] =	stream.linear.scatter [tilespmem:s24], [sflag:$0xF], $0x80, $0x38;
	[tilespmem:$0x4000] =	vst v63  }
0x2b8: {  	s0 =	sld [smem:$0x776];
	_ =	sdelay $0x1  }
0x2b9: {  	s24 =	sld [smem:$0x7BC]  }
0x2ba: {  	[hbm4b:s0+s2] =	stream.linear.scatter [tilespmem:s23], [sflag:$0xF], $0x80, $0x38;
	[tilespmem:$0x4000] =	vst v63  }
0x2bb: {  	s0 =	sld [smem:$0x777];
	_ =	sdelay $0x1  }
0x2bc: {  	s23 =	sld [smem:$0x7BD]  }
0x2bd: {  	[hbm4b:s0+s2] =	stream.linear.scatter [tilespmem:s24], [sflag:$0xF], $0x80, $0x38;
	[tilespmem:$0x4000] =	vst v63  }
0x2be: {  	s0 =	sld [smem:$0x778];
	_ =	sdelay $0x1  }
0x2bf: {  	s24 =	sld [smem:$0x7BE]  }
0x2c0: {  	[hbm4b:s0+s2] =	stream.linear.scatter [tilespmem:s23], [sflag:$0xF], $0x80, $0x38;
	[tilespmem:$0x4000] =	vst v63  }
0x2c1: {  	s0 =	sld [smem:$0x7EB];
	_ =	sdelay $0x1  }
0x2c2: {  	s23 =	sld [smem:$0x7BF]  }
0x2c3: {  	[hbm4b:s0+s2] =	stream.linear.scatter [tilespmem:s24], [sflag:$0x10], $0x80, $0x38;
	[tilespmem:$0x4000] =	vst v63  }
0x2c4: {  	s0 =	sld [smem:$0x779];
	_ =	sdelay $0x1  }
0x2c5: {  	s24 =	sld [smem:$0x7C0]  }
0x2c6: {  	[hbm4b:s0+s2] =	stream.linear.scatter [tilespmem:s23], [sflag:$0x10], $0x80, $0x38;
	[tilespmem:$0x4000] =	vst v63  }
0x2c7: {  	s0 =	sld [smem:$0x77A];
	_ =	sdelay $0x1  }
0x2c8: {  	s23 =	sld [smem:$0x7C1]  }
0x2c9: {  	[hbm4b:s0+s2] =	stream.linear.scatter [tilespmem:s24], [sflag:$0x10], $0x80, $0x38;
	[tilespmem:$0x4000] =	vst v63  }
0x2ca: {  	s0 =	sld [smem:$0x77B];
	_ =	sdelay $0x1  }
0x2cb: {  	s24 =	sld [smem:$0x7C2]  }
0x2cc: {  	[hbm4b:s0+s2] =	stream.linear.scatter [tilespmem:s23], [sflag:$0x10], $0x80, $0x38;
	[tilespmem:$0x4000] =	vst v63  }
0x2cd: {  	s0 =	sld [smem:$0x7ED];
	_ =	sdelay $0x1  }
0x2ce: {  	s23 =	sld [smem:$0x7C3]  }
0x2cf: {  	[hbm4b:s0+s2] =	stream.linear.scatter [tilespmem:s24], [sflag:$0x11], $0x80, $0x38;
	[tilespmem:$0x4000] =	vst v63  }
0x2d0: {  	s0 =	sld [smem:$0x77C];
	_ =	sdelay $0x1  }
0x2d1: {  	s24 =	sld [smem:$0x7C4]  }
0x2d2: {  	[hbm4b:s0+s2] =	stream.linear.scatter [tilespmem:s23], [sflag:$0x11], $0x80, $0x38;
	[tilespmem:$0x4000] =	vst v63  }
0x2d3: {  	s0 =	sld [smem:$0x77D];
	_ =	sdelay $0x1  }
0x2d4: {  	s23 =	sld [smem:$0x7C5]  }
0x2d5: {  	[hbm4b:s0+s2] =	stream.linear.scatter [tilespmem:s24], [sflag:$0x11], $0x80, $0x38;
	[tilespmem:$0x4000] =	vst v63  }
0x2d6: {  	s0 =	sld [smem:$0x77E];
	_ =	sdelay $0x1  }
0x2d7: {  	s24 =	sld [smem:$0x7C6]  }
0x2d8: {  	[hbm4b:s0+s2] =	stream.linear.scatter [tilespmem:s23], [sflag:$0x11], $0x80, $0x38;
	[tilespmem:$0x4000] =	vst v63  }
0x2d9: {  	s0 =	sld [smem:$0x7EF];
	_ =	sdelay $0x1  }
0x2da: {  	s23 =	sld [smem:$0x7C7]  }
0x2db: {  	[hbm4b:s0+s2] =	stream.linear.scatter [tilespmem:s24], [sflag:$0x12], $0x80, $0x38;
	[tilespmem:$0x4000] =	vst v63  }
0x2dc: {  	s0 =	sld [smem:$0x77F];
	_ =	sdelay $0x1  }
0x2dd: {  	s24 =	sld [smem:$0x7C8]  }
0x2de: {  	[hbm4b:s0+s2] =	stream.linear.scatter [tilespmem:s23], [sflag:$0x12], $0x80, $0x38;
	[tilespmem:$0x4000] =	vst v63  }
0x2df: {  	s0 =	sld [smem:$0x780];
	_ =	sdelay $0x1  }
0x2e0: {  	s23 =	sld [smem:$0x7C9]  }
0x2e1: {  	[hbm4b:s0+s2] =	stream.linear.scatter [tilespmem:s24], [sflag:$0x12], $0x80, $0x38;
	[tilespmem:$0x4000] =	vst v63  }
0x2e2: {  	s0 =	sld [smem:$0x781];
	_ =	sdelay $0x1  }
0x2e3: {  	s24 =	sld [smem:$0x7CA]  }
0x2e4: {  	[hbm4b:s0+s2] =	stream.linear.scatter [tilespmem:s23], [sflag:$0x12], $0x80, $0x38;
	[tilespmem:$0x4000] =	vst v63  }
0x2e5: {  	s0 =	sld [smem:$0x7F1];
	_ =	sdelay $0x1  }
0x2e6: {  	s23 =	sld [smem:$0x7CB]  }
0x2e7: {  	[hbm4b:s0+s2] =	stream.linear.scatter [tilespmem:s24], [sflag:$0x13], $0x80, $0x38;
	[tilespmem:$0x4000] =	vst v63  }
0x2e8: {  	s0 =	sld [smem:$0x782];
	_ =	sdelay $0x1  }
0x2e9: {  	s24 =	sld [smem:$0x7CC]  }
0x2ea: {  	[hbm4b:s0+s2] =	stream.linear.scatter [tilespmem:s23], [sflag:$0x13], $0x80, $0x38;
	[tilespmem:$0x4000] =	vst v63  }
0x2eb: {  	s0 =	sld [smem:$0x783];
	_ =	sdelay $0x1  }
0x2ec: {  	s23 =	sld [smem:$0x7CD]  }
0x2ed: {  	[hbm4b:s0+s2] =	stream.linear.scatter [tilespmem:s24], [sflag:$0x13], $0x80, $0x38;
	[tilespmem:$0x4000] =	vst v63  }
0x2ee: {  	s0 =	sld [smem:$0x784];
	_ =	sdelay $0x1  }
0x2ef: {  	s24 =	sld [smem:$0x7CE]  }
0x2f0: {  	[hbm4b:s0+s2] =	stream.linear.scatter [tilespmem:s23], [sflag:$0x13], $0x80, $0x38;
	[tilespmem:$0x4000] =	vst v63  }
0x2f1: {  	s0 =	sld [smem:$0x7F3];
	_ =	sdelay $0x1  }
0x2f2: {  	s23 =	sld [smem:$0x7CF]  }
0x2f3: {  	[hbm4b:s0+s2] =	stream.linear.scatter [tilespmem:s24], [sflag:$0x14], $0x80, $0x38;
	[tilespmem:$0x4000] =	vst v63  }
0x2f4: {  	s0 =	sld [smem:$0x785];
	_ =	sdelay $0x1  }
0x2f5: {  	s24 =	sld [smem:$0x7D0]  }
0x2f6: {  	[hbm4b:s0+s2] =	stream.linear.scatter [tilespmem:s23], [sflag:$0x14], $0x80, $0x38;
	[tilespmem:$0x4000] =	vst v63  }
0x2f7: {  	s0 =	sld [smem:$0x786];
	_ =	sdelay $0x1  }
0x2f8: {  	s23 =	sld [smem:$0x7D1]  }
0x2f9: {  	[hbm4b:s0+s2] =	stream.linear.scatter [tilespmem:s24], [sflag:$0x14], $0x80, $0x38;
	[tilespmem:$0x4000] =	vst v63  }
0x2fa: {  	s0 =	sld [smem:$0x787];
	_ =	sdelay $0x1  }
0x2fb: {  	s24 =	sld [smem:$0x7D2]  }
0x2fc: {  	[hbm4b:s0+s2] =	stream.linear.scatter [tilespmem:s23], [sflag:$0x14], $0x80, $0x38;
	[tilespmem:$0x4000] =	vst v63  }
0x2fd: {  	s0 =	sld [smem:$0x7F5];
	_ =	sdelay $0x1  }
0x2fe: {  	s23 =	sld [smem:$0x7D3]  }
0x2ff: {  	[hbm4b:s0+s2] =	stream.linear.scatter [tilespmem:s24], [sflag:$0x15], $0x80, $0x38;
	[tilespmem:$0x4000] =	vst v63  }
0x300: {  	s0 =	sld [smem:$0x788];
	_ =	sdelay $0x1  }
0x301: {  	s24 =	sld [smem:$0x7D4]  }
0x302: {  	[hbm4b:s0+s2] =	stream.linear.scatter [tilespmem:s23], [sflag:$0x15], $0x80, $0x38;
	[tilespmem:$0x4000] =	vst v63  }
0x303: {  	s0 =	sld [smem:$0x789];
	_ =	sdelay $0x1  }
0x304: {  	s23 =	sld [smem:$0x7D6]  }
0x305: {  	[hbm4b:s0+s2] =	stream.linear.scatter [tilespmem:s24], [sflag:$0x15], $0x80, $0x38;
	[tilespmem:$0x4000] =	vst v63  }
0x306: {  	s0 =	sld [smem:$0x78A];
	_ =	sdelay $0x1  }
0x307: {  	s24 =	sld [smem:$0x7D7]  }
0x308: {  	[hbm4b:s0+s2] =	stream.linear.scatter [tilespmem:s23], [sflag:$0x15], $0x80, $0x38;
	[tilespmem:$0x4000] =	vst v63  }
0x309: {  	s0 =	sld [smem:$0x7F8];
	_ =	sdelay $0x1  }
0x30a: {  	s23 =	sld [smem:$0x7D8]  }
0x30b: {  	[hbm4b:s0+s2] =	stream.linear.scatter [tilespmem:s24], [sflag:$0x16], $0x80, $0x38;
	[tilespmem:$0x4000] =	vst v63  }
0x30c: {  	s0 =	sld [smem:$0x78B];
	_ =	sdelay $0x1  }
0x30d: {  	s24 =	sld [smem:$0x7D9]  }
0x30e: {  	[hbm4b:s0+s2] =	stream.linear.scatter [tilespmem:s23], [sflag:$0x16], $0x80, $0x38;
	[tilespmem:$0x4000] =	vst v63  }
0x30f: {  	s0 =	sld [smem:$0x78D];
	_ =	sdelay $0x1  }
0x310: {  	s23 =	sld [smem:$0x7DA]  }
0x311: {  	[hbm4b:s0+s2] =	stream.linear.scatter [tilespmem:s24], [sflag:$0x16], $0x80, $0x38;
	[tilespmem:$0x4000] =	vst v63  }
0x312: {  	s0 =	sld [smem:$0x78F];
	_ =	sdelay $0x1  }
0x313: {  	s24 =	sld [smem:$0x7DB]  }
0x314: {  	[hbm4b:s0+s2] =	stream.linear.scatter [tilespmem:s23], [sflag:$0x16], $0x80, $0x38;
	[tilespmem:$0x4000] =	vst v63  }
0x315: {  	s0 =	sld [smem:$0x7F9];
	_ =	sdelay $0x1  }
0x316: {  	s23 =	sld [smem:$0x7DC]  }
0x317: {  	[hbm4b:s0+s2] =	stream.linear.scatter [tilespmem:s24], [sflag:$0x17], $0x80, $0x38;
	[tilespmem:$0x4000] =	vst v63  }
0x318: {  	s0 =	sld [smem:$0x790];
	_ =	sdelay $0x1  }
0x319: {  	s24 =	sld [smem:$0x7DE]  }
0x31a: {  	[hbm4b:s0+s2] =	stream.linear.scatter [tilespmem:s23], [sflag:$0x17], $0x80, $0x38;
	[tilespmem:$0x4000] =	vst v63  }
0x31b: {  	s0 =	sld [smem:$0x791];
	_ =	sdelay $0x1  }
0x31c: {  	s23 =	sld [smem:$0x7E0]  }
0x31d: {  	[hbm4b:s0+s2] =	stream.linear.scatter [tilespmem:s24], [sflag:$0x17], $0x80, $0x38;
	[tilespmem:$0x4000] =	vst v63  }
0x31e: {  	s0 =	sld [smem:$0x793];
	_ =	sdelay $0x1  }
0x31f: {  	s24 =	sld [smem:$0x7E2]  }
0x320: {  	[hbm4b:s0+s2] =	stream.linear.scatter [tilespmem:s23], [sflag:$0x17], $0x80, $0x38;
	[tilespmem:$0x4000] =	vst v63  }
0x321: {  	s0 =	sld [smem:$0x7FA];
	_ =	sdelay $0x1  }
0x322: {  	s23 =	sld [smem:$0x7E4]  }
0x323: {  	[hbm4b:s0+s2] =	stream.linear.scatter [tilespmem:s24], [sflag:$0x18], $0x80, $0x38;
	[tilespmem:$0x4000] =	vst v63  }
0x324: {  	s0 =	sld [smem:$0x797];
	_ =	sdelay $0x1  }
0x325: {  	s24 =	sld [smem:$0x7E6]  }
0x326: {  	[hbm4b:s0+s2] =	stream.linear.scatter [tilespmem:s23], [sflag:$0x18], $0x80, $0x38;
	[tilespmem:$0x4000] =	vst v63  }
0x327: {  	s0 =	sld [smem:$0x798];
	_ =	sdelay $0x1  }
0x328: {  	s23 =	sld [smem:$0x7E8]  }
0x329: {  	[hbm4b:s0+s2] =	stream.linear.scatter [tilespmem:s24], [sflag:$0x18], $0x80, $0x38;
	[tilespmem:$0x4000] =	vst v63  }
0x32a: {  	s0 =	sld [smem:$0x799];
	_ =	sdelay $0x1  }
0x32b: {  	s24 =	sld [smem:$0x7EA]  }
0x32c: {  	[hbm4b:s0+s2] =	stream.linear.scatter [tilespmem:s23], [sflag:$0x18], $0x80, $0x38;
	[tilespmem:$0x4000] =	vst v63  }
0x32d: {  	s0 =	sld [smem:$0x7FB];
	_ =	sdelay $0x1  }
0x32e: {  	s23 =	sld [smem:$0x7EC]  }
0x32f: {  	[hbm4b:s0+s2] =	stream.linear.scatter [tilespmem:s24], [sflag:$0x19], $0x80, $0x38;
	[tilespmem:$0x4000] =	vst v63  }
0x330: {  	s0 =	sld [smem:$0x79A];
	_ =	sdelay $0x1  }
0x331: {  	s24 =	sld [smem:$0x7EE]  }
0x332: {  	[hbm4b:s0+s2] =	stream.linear.scatter [tilespmem:s23], [sflag:$0x19], $0x80, $0x38;
	[tilespmem:$0x4000] =	vst v63  }
0x333: {  	s0 =	sld [smem:$0x79B];
	_ =	sdelay $0x1  }
0x334: {  	s23 =	sld [smem:$0x7F0]  }
0x335: {  	[hbm4b:s0+s2] =	stream.linear.scatter [tilespmem:s24], [sflag:$0x19], $0x80, $0x38;
	[tilespmem:$0x4000] =	vst v63  }
0x336: {  	s0 =	sld [smem:$0x79C];
	_ =	sdelay $0x1  }
0x337: {  	s24 =	sld [smem:$0x7F2]  }
0x338: {  	[hbm4b:s0+s2] =	stream.linear.scatter [tilespmem:s23], [sflag:$0x19], $0x80, $0x38;
	[tilespmem:$0x4000] =	vst v63  }
0x339: {  	s0 =	sld [smem:$0x7FD];
	_ =	sdelay $0x1  }
0x33a: {  	s23 =	sld [smem:$0x7F4]  }
0x33b: {  	[hbm4b:s0+s2] =	stream.linear.scatter [tilespmem:s24], [sflag:$0x1A], $0x80, $0x38;
	[tilespmem:$0x4000] =	vst v63  }
0x33c: {  	s0 =	sld [smem:$0x79D];
	_ =	sdelay $0x1  }
0x33d: {  	s24 =	sld [smem:$0x7F6]  }
0x33e: {  	[hbm4b:s0+s2] =	stream.linear.scatter [tilespmem:s23], [sflag:$0x1A], $0x80, $0x38;
	[tilespmem:$0x4000] =	vst v63  }
0x33f: {  	s0 =	sld [smem:$0x79E];
	_ =	sdelay $0x1  }
0x340: {  	s23 =	sld [smem:$0x7F7]  }
0x341: {  	[hbm4b:s0+s2] =	stream.linear.scatter [tilespmem:s24], [sflag:$0x1A], $0x80, $0x38;
	[tilespmem:$0x4000] =	vst v63  }
0x342: {  	_ = 	snop  }
0x343: {  	[hbm4b:s20+s2] =	stream.linear.scatter [tilespmem:s23], [sflag:$0x1A], $0x80, $0x38;
	[tilespmem:$0x4000] =	vst v63  }
0x344: {  	s23 =	simm.s32 $0x1  }
0x345: {  	_ =	swait.ge [sflag:s23], $0x200  }
0x346: {  	[sflag:s23] =	ssyncset.done $0x0  }
0x347: {  	[sflag:s23] =	ssyncadd.s32 $0xFFFFFE00;
	s23 =	simm.s32 $0x2  }
0x348: {  	_ =	swait.ge [sflag:s23], $0x200  }
0x349: {  	[sflag:s23] =	ssyncset.done $0x0  }
0x34a: {  	[sflag:s23] =	ssyncadd.s32 $0xFFFFFE00  }
0x34b: {  	_ =	swait.ge [sflag:s19], $0x200  }
0x34c: {  	[sflag:s19] =	ssyncset.done $0x0  }
0x34d: {  	[sflag:s19] =	ssyncadd.s32 $0xFFFFFE00  }
0x34e: {  	_ =	swait.ge [sflag:s5], $0x200  }
0x34f: {  	[sflag:s5] =	ssyncset.done $0x0  }
0x350: {  	[sflag:s5] =	ssyncadd.s32 $0xFFFFFE00  }
0x351: {  	_ =	swait.ge [sflag:s18], $0x200  }
0x352: {  	[sflag:s18] =	ssyncset.done $0x0  }
0x353: {  	[sflag:s18] =	ssyncadd.s32 $0xFFFFFE00  }
0x354: {  	_ =	swait.ge [sflag:s17], $0x200  }
0x355: {  	[sflag:s17] =	ssyncset.done $0x0  }
0x356: {  	[sflag:s17] =	ssyncadd.s32 $0xFFFFFE00  }
0x357: {  	_ =	swait.ge [sflag:s4], $0x200  }
0x358: {  	[sflag:s4] =	ssyncset.done $0x0  }
0x359: {  	[sflag:s4] =	ssyncadd.s32 $0xFFFFFE00  }
0x35a: {  	_ =	swait.ge [sflag:s16], $0x200  }
0x35b: {  	[sflag:s16] =	ssyncset.done $0x0  }
0x35c: {  	[sflag:s16] =	ssyncadd.s32 $0xFFFFFE00  }
0x35d: {  	_ =	swait.ge [sflag:s15], $0x200  }
0x35e: {  	[sflag:s15] =	ssyncset.done $0x0  }
0x35f: {  	[sflag:s15] =	ssyncadd.s32 $0xFFFFFE00  }
0x360: {  	_ =	swait.ge [sflag:s14], $0x200  }
0x361: {  	[sflag:s14] =	ssyncset.done $0x0  }
0x362: {  	[sflag:s14] =	ssyncadd.s32 $0xFFFFFE00  }
0x363: {  	_ =	swait.ge [sflag:s30], $0x200  }
0x364: {  	[sflag:s30] =	ssyncset.done $0x0  }
0x365: {  	[sflag:s30] =	ssyncadd.s32 $0xFFFFFE00  }
0x366: {  	_ =	swait.ge [sflag:s13], $0x200  }
0x367: {  	[sflag:s13] =	ssyncset.done $0x0  }
0x368: {  	[sflag:s13] =	ssyncadd.s32 $0xFFFFFE00  }
0x369: {  	_ =	swait.ge [sflag:s12], $0x200  }
0x36a: {  	[sflag:s12] =	ssyncset.done $0x0  }
0x36b: {  	[sflag:s12] =	ssyncadd.s32 $0xFFFFFE00  }
0x36c: {  	_ =	swait.ge [sflag:s3], $0x200  }
0x36d: {  	[sflag:s3] =	ssyncset.done $0x0  }
0x36e: {  	[sflag:s3] =	ssyncadd.s32 $0xFFFFFE00  }
0x36f: {  	_ =	swait.ge [sflag:s11], $0x200  }
0x370: {  	[sflag:s11] =	ssyncset.done $0x0  }
0x371: {  	[sflag:s11] =	ssyncadd.s32 $0xFFFFFE00  }
0x372: {  	_ =	swait.ge [sflag:s10], $0x200  }
0x373: {  	[sflag:s10] =	ssyncset.done $0x0  }
0x374: {  	[sflag:s10] =	ssyncadd.s32 $0xFFFFFE00  }
0x375: {  	_ =	swait.ge [sflag:s31], $0x200  }
0x376: {  	[sflag:s31] =	ssyncset.done $0x0  }
0x377: {  	[sflag:s31] =	ssyncadd.s32 $0xFFFFFE00  }
0x378: {  	_ =	swait.ge [sflag:s9], $0x200  }
0x379: {  	[sflag:s9] =	ssyncset.done $0x0  }
0x37a: {  	[sflag:s9] =	ssyncadd.s32 $0xFFFFFE00  }
0x37b: {  	_ =	swait.ge [sflag:s8], $0x200  }
0x37c: {  	[sflag:s8] =	ssyncset.done $0x0  }
0x37d: {  	[sflag:s8] =	ssyncadd.s32 $0xFFFFFE00  }
0x37e: {  	_ =	swait.ge [sflag:s29], $0x200  }
0x37f: {  	[sflag:s29] =	ssyncset.done $0x0  }
0x380: {  	[sflag:s29] =	ssyncadd.s32 $0xFFFFFE00  }
0x381: {  	_ =	swait.ge [sflag:s7], $0x200  }
0x382: {  	[sflag:s7] =	ssyncset.done $0x0  }
0x383: {  	[sflag:s7] =	ssyncadd.s32 $0xFFFFFE00  }
0x384: {  	_ =	swait.ge [sflag:s28], $0x200  }
0x385: {  	[sflag:s28] =	ssyncset.done $0x0  }
0x386: {  	[sflag:s28] =	ssyncadd.s32 $0xFFFFFE00  }
0x387: {  	_ =	swait.ge [sflag:s26], $0x200  }
0x388: {  	[sflag:s26] =	ssyncset.done $0x0  }
0x389: {  	[sflag:s26] =	ssyncadd.s32 $0xFFFFFE00  }
0x38a: {  	_ =	swait.ge [sflag:s25], $0x200  }
0x38b: {  	[sflag:s25] =	ssyncset.done $0x0  }
0x38c: {  	p1 =	sne.s32 s22, $0x1;
	s24 =	simm.s32 $0x19;
	[sflag:s25] =	ssyncadd.s32 $0xFFFFFE00  }
.Ltmp2:
0x38d: {  	_ =	swait.ge [sflag:s24], $0x200;
	(pc) =	sbr.rel @p1 .LBB2_4-.Ltmp2, $4  }
0x38e: {  	[sflag:s24] =	ssyncset.done $0x0  }
0x38f: {  	[sflag:s24] =	ssyncadd.s32 $0xFFFFFE00  }
0x390: {  	_ =	swait.ge [sflag:s6], $0x200  }
0x391: {  	s22 =	sadd.s32 $0xFFFFFFFF, s22;
	s23 =	rddreg [dreg:$0x3];
	[sflag:s6] =	ssyncset.done $0x0  }
0x392: {  	s20 =	sld [smem:$0x7FC]  }
0x393: {  	s21 =	sld [smem:$0x7D5]  }
0x394: {  	s12 =	sld [smem:$0x794]  }
0x395: {  	s11 =	sld [smem:$0x795]  }
0x396: {  	s10 =	sld [smem:$0x792]  }
0x397: {  	s9 =	sld [smem:$0x78E]  }
0x398: {  	s8 =	sld [smem:$0x78C]  }
0x399: {  	s5 =	sld [smem:$0x796];
	s4 =	simm.s32 $0x1A  }
0x39a: {  	s13 =	simm.s32 $0x12;
	s14 =	simm.s32 $0x11;
	s15 =	simm.s32 $0x10  }
0x39b: {  	s16 =	simm.s32 $0xF;
	s17 =	simm.s32 $0xE;
	s18 =	simm.s32 $0xD  }
0x39c: {  	s19 =	simm.s32 $0xC;
	s7 =	simm.s32 $0xB;
	s6 =	simm.s32 $0xA  }
0x39d: {  	s22 =	simm.s32 $0x9;
	s25 =	simm.s32 $0x8;
	s26 =	simm.s32 $0x7  }
0x39e: {  	s28 =	simm.s32 $0x6;
	s29 =	simm.s32 $0x5;
	s30 =	simm.s32 $0x4  }
0x39f: {  	s31 =	simm.s32 $0x3;
	s3 =	simm.s32 $0x1000;
	s1 =	simm.s32 $0x1B  }
.LBB2_6:
0x3a0: {  	s0 =	rddreg [dreg:$0x4];
	[sflag:s4] =	ssyncadd.s32 @p0 $0xFFFFFE00  }
0x3a1: {  	[tilespmem:s2], [sflag:$0x1B] =	stream.strided.gather [hbm4b:s23+s3], $0x4000, s0, s3, $0x38;
	[tilespmem:$0x4000] =	vst v63  }
0x3a2: {  	_ =	swait.ge [sflag:s1], $0x4000  }
0x3a3: {  	[sflag:s1] =	ssyncset.done $0x0  }
0x3a4: {  	s0 =	rddreg [dreg:$0x5];
	[sflag:s1] =	ssyncadd.s32 $0xFFFFC000  }
0x3a5: {  	[hbm4b:s20+s2] =	stream.linear.scatter [tilespmem:s2], [sflag:$0x1], $0x80, $0x38;
	[tilespmem:$0x4000] =	vst v63  }
0x3a6: {  	s3 =	rddreg [dreg:$0x6];
	s1 =	sadd.s32 $0x10, s20  }
0x3a7: {  	[hbm4b:s1+s2] =	stream.linear.scatter [tilespmem:s0], [sflag:$0x1], $0x80, $0x38;
	[tilespmem:$0x4000] =	vst v63  }
0x3a8: {  	s0 =	sadd.s32 $0x20, s20;
	s1 =	rddreg [dreg:$0x7]  }
0x3a9: {  	[hbm4b:s0+s2] =	stream.linear.scatter [tilespmem:s3], [sflag:$0x1], $0x80, $0x38;
	[tilespmem:$0x4000] =	vst v63  }
0x3aa: {  	s3 =	sadd.s32 $0x30, s20;
	s20 =	rddreg [dreg:$0x8]  }
0x3ab: {  	[hbm4b:s3+s2] =	stream.linear.scatter [tilespmem:s1], [sflag:$0x1], $0x80, $0x38;
	[tilespmem:$0x4000] =	vst v63  }
0x3ac: {  	s1 =	rddreg [dreg:$0x9]  }
0x3ad: {  	[hbm4b:s21+s2] =	stream.linear.scatter [tilespmem:s20], [sflag:$0x2], $0x80, $0x38;
	[tilespmem:$0x4000] =	vst v63  }
0x3ae: {  	s3 =	rddreg [dreg:$0xa];
	s20 =	sadd.s32 $0x10, s21  }
0x3af: {  	[hbm4b:s20+s2] =	stream.linear.scatter [tilespmem:s1], [sflag:$0x2], $0x80, $0x38;
	[tilespmem:$0x4000] =	vst v63  }
0x3b0: {  	s20 =	sadd.s32 $0x20, s21;
	s1 =	rddreg [dreg:$0xb]  }
0x3b1: {  	[hbm4b:s20+s2] =	stream.linear.scatter [tilespmem:s3], [sflag:$0x2], $0x80, $0x38;
	[tilespmem:$0x4000] =	vst v63  }
0x3b2: {  	s20 =	sadd.s32 $0x30, s21;
	s21 =	rddreg [dreg:$0xc]  }
0x3b3: {  	[hbm4b:s20+s2] =	stream.linear.scatter [tilespmem:s1], [sflag:$0x2], $0x80, $0x38;
	[tilespmem:$0x4000] =	vst v63  }
0x3b4: {  	s1 =	rddreg [dreg:$0xd]  }
0x3b5: {  	[hbm4b:s12+s2] =	stream.linear.scatter [tilespmem:s21], [sflag:$0x3], $0x80, $0x38;
	[tilespmem:$0x4000] =	vst v63  }
0x3b6: {  	s3 =	sadd.s32 $0x10, s12;
	s20 =	rddreg [dreg:$0xe]  }
0x3b7: {  	[hbm4b:s3+s2] =	stream.linear.scatter [tilespmem:s1], [sflag:$0x3], $0x80, $0x38;
	[tilespmem:$0x4000] =	vst v63  }
0x3b8: {  	s21 =	sadd.s32 $0x20, s12;
	s1 =	rddreg [dreg:$0xf]  }
0x3b9: {  	[hbm4b:s21+s2] =	stream.linear.scatter [tilespmem:s20], [sflag:$0x3], $0x80, $0x38;
	[tilespmem:$0x4000] =	vst v63  }
0x3ba: {  	s20 =	sadd.s32 $0x30, s12;
	s21 =	rddreg [dreg:$0x10]  }
0x3bb: {  	[hbm4b:s20+s2] =	stream.linear.scatter [tilespmem:s1], [sflag:$0x3], $0x80, $0x38;
	[tilespmem:$0x4000] =	vst v63  }
0x3bc: {  	s12 =	rddreg [dreg:$0x12]  }
0x3bd: {  	[hbm4b:s11+s2] =	stream.linear.scatter [tilespmem:s21], [sflag:$0x4], $0x80, $0x38;
	[tilespmem:$0x4000] =	vst v63  }
0x3be: {  	s3 =	sadd.s32 $0x10, s11;
	s1 =	rddreg [dreg:$0x11]  }
0x3bf: {  	[hbm4b:s3+s2] =	stream.linear.scatter [tilespmem:s1], [sflag:$0x4], $0x80, $0x38;
	[tilespmem:$0x4000] =	vst v63  }
0x3c0: {  	s20 =	sadd.s32 $0x20, s11;
	s21 =	rddreg [dreg:$0x13]  }
0x3c1: {  	[hbm4b:s20+s2] =	stream.linear.scatter [tilespmem:s12], [sflag:$0x4], $0x80, $0x38;
	[tilespmem:$0x4000] =	vst v63  }
0x3c2: {  	s3 =	sadd.s32 $0x30, s11;
	s11 =	rddreg [dreg:$0x14]  }
0x3c3: {  	[hbm4b:s3+s2] =	stream.linear.scatter [tilespmem:s21], [sflag:$0x4], $0x80, $0x38;
	[tilespmem:$0x4000] =	vst v63  }
0x3c4: {  	s12 =	rddreg [dreg:$0x15]  }
0x3c5: {  	[hbm4b:s10+s2] =	stream.linear.scatter [tilespmem:s11], [sflag:$0x5], $0x80, $0x38;
	[tilespmem:$0x4000] =	vst v63  }
0x3c6: {  	s20 =	sadd.s32 $0x10, s10;
	s21 =	rddreg [dreg:$0x16]  }
0x3c7: {  	[hbm4b:s20+s2] =	stream.linear.scatter [tilespmem:s12], [sflag:$0x5], $0x80, $0x38;
	[tilespmem:$0x4000] =	vst v63  }
0x3c8: {  	s12 =	rddreg [dreg:$0x17]  }
0x3c9: {  	s11 =	sadd.s32 $0x20, s10;
	s20 =	sadd.s32 $0x30, s10;
	s10 =	rddreg [dreg:$0x19]  }
0x3ca: {  	[hbm4b:s11+s2] =	stream.linear.scatter [tilespmem:s21], [sflag:$0x5], $0x80, $0x38;
	[tilespmem:$0x4000] =	vst v63  }
0x3cb: {  	s21 =	rddreg [dreg:$0x18]  }
0x3cc: {  	[hbm4b:s20+s2] =	stream.linear.scatter [tilespmem:s12], [sflag:$0x5], $0x80, $0x38;
	[tilespmem:$0x4000] =	vst v63  }
0x3cd: {  	s12 =	rddreg [dreg:$0x1a]  }
0x3ce: {  	[hbm4b:s9+s2] =	stream.linear.scatter [tilespmem:s21], [sflag:$0x6], $0x80, $0x38;
	[tilespmem:$0x4000] =	vst v63  }
0x3cf: {  	s11 =	sadd.s32 $0x10, s9;
	s21 =	rddreg [dreg:$0x1b]  }
0x3d0: {  	[hbm4b:s11+s2] =	stream.linear.scatter [tilespmem:s10], [sflag:$0x6], $0x80, $0x38;
	[tilespmem:$0x4000] =	vst v63  }
0x3d1: {  	s11 =	rddreg [dreg:$0x1c]  }
0x3d2: {  	s20 =	sadd.s32 $0x20, s9;
	s10 =	sadd.s32 $0x30, s9;
	s9 =	rddreg [dreg:$0x1f]  }
0x3d3: {  	[hbm4b:s20+s2] =	stream.linear.scatter [tilespmem:s12], [sflag:$0x6], $0x80, $0x38;
	[tilespmem:$0x4000] =	vst v63  }
0x3d4: {  	s12 =	rddreg [dreg:$0x1d]  }
0x3d5: {  	[hbm4b:s10+s2] =	stream.linear.scatter [tilespmem:s21], [sflag:$0x6], $0x80, $0x38;
	[tilespmem:$0x4000] =	vst v63  }
0x3d6: {  	s21 =	rddreg [dreg:$0x1e]  }
0x3d7: {  	[hbm4b:s8+s2] =	stream.linear.scatter [tilespmem:s11], [sflag:$0x7], $0x80, $0x38;
	[tilespmem:$0x4000] =	vst v63  }
0x3d8: {  	s20 =	sadd.s32 $0x10, s8;
	s11 =	sld [smem:$0x79F]  }
0x3d9: {  	[hbm4b:s20+s2] =	stream.linear.scatter [tilespmem:s12], [sflag:$0x7], $0x80, $0x38;
	[tilespmem:$0x4000] =	vst v63  }
0x3da: {  	s1 =	sadd.s32 $0x20, s8;
	s10 =	sadd.s32 $0x30, s8;
	s8 =	sld [smem:$0x7A2]  }
0x3db: {  	[hbm4b:s1+s2] =	stream.linear.scatter [tilespmem:s21], [sflag:$0x7], $0x80, $0x38;
	[tilespmem:$0x4000] =	vst v63  }
0x3dc: {  	s12 =	sld [smem:$0x7A0]  }
0x3dd: {  	[hbm4b:s10+s2] =	stream.linear.scatter [tilespmem:s9], [sflag:$0x7], $0x80, $0x38;
	[tilespmem:$0x4000] =	vst v63  }
0x3de: {  	s21 =	sld [smem:$0x7A1]  }
0x3df: {  	[hbm4b:s5+s2] =	stream.linear.scatter [tilespmem:s11], [sflag:$0x8], $0x80, $0x38;
	[tilespmem:$0x4000] =	vst v63  }
0x3e0: {  	s20 =	sadd.s32 $0x10, s5;
	s10 =	sld [smem:$0x7A3]  }
0x3e1: {  	[hbm4b:s20+s2] =	stream.linear.scatter [tilespmem:s12], [sflag:$0x8], $0x80, $0x38;
	[tilespmem:$0x4000] =	vst v63  }
0x3e2: {  	s1 =	sadd.s32 $0x20, s5;
	s11 =	sld [smem:$0x7DD]  }
0x3e3: {  	[hbm4b:s1+s2] =	stream.linear.scatter [tilespmem:s21], [sflag:$0x8], $0x80, $0x38;
	[tilespmem:$0x4000] =	vst v63  }
0x3e4: {  	s9 =	sadd.s32 $0x30, s5;
	s20 =	sld [smem:$0x7A4]  }
0x3e5: {  	[hbm4b:s9+s2] =	stream.linear.scatter [tilespmem:s8], [sflag:$0x8], $0x80, $0x38;
	[tilespmem:$0x4000] =	vst v63  }
0x3e6: {  	s8 =	sld [smem:$0x7A6]  }
0x3e7: {  	s23 =	simm.s32 $0x1000;
	s9 =	sld [smem:$0x7A7]  }
0x3e8: {  	[hbm4b:s11+s2] =	stream.linear.scatter [tilespmem:s23], [sflag:$0x9], $0x80, $0x38;
	[tilespmem:$0x4000] =	vst v63  }
0x3e9: {  	s12 =	sadd.s32 $0x10, s11;
	s23 =	sld [smem:$0x7A5]  }
0x3ea: {  	[hbm4b:s12+s2] =	stream.linear.scatter [tilespmem:s10], [sflag:$0x9], $0x80, $0x38;
	[tilespmem:$0x4000] =	vst v63  }
0x3eb: {  	s21 =	sadd.s32 $0x20, s11;
	s10 =	sld [smem:$0x7DF]  }
0x3ec: {  	[hbm4b:s21+s2] =	stream.linear.scatter [tilespmem:s20], [sflag:$0x9], $0x80, $0x38;
	[tilespmem:$0x4000] =	vst v63  }
0x3ed: {  	s5 =	sadd.s32 $0x30, s11;
	s12 =	sld [smem:$0x7A8]  }
0x3ee: {  	[hbm4b:s5+s2] =	stream.linear.scatter [tilespmem:s23], [sflag:$0x9], $0x80, $0x38;
	[tilespmem:$0x4000] =	vst v63  }
0x3ef: {  	s23 =	sld [smem:$0x7A9]  }
0x3f0: {  	[hbm4b:s10+s2] =	stream.linear.scatter [tilespmem:s8], [sflag:$0xA], $0x80, $0x38;
	[tilespmem:$0x4000] =	vst v63  }
0x3f1: {  	s11 =	sadd.s32 $0x10, s10;
	s8 =	sld [smem:$0x7AA]  }
0x3f2: {  	s21 =	sadd.s32 $0x20, s10;
	s5 =	sadd.s32 $0x30, s10;
	s10 =	sld [smem:$0x7E1]  }
0x3f3: {  	[hbm4b:s11+s2] =	stream.linear.scatter [tilespmem:s9], [sflag:$0xA], $0x80, $0x38;
	[tilespmem:$0x4000] =	vst v63  }
0x3f4: {  	s9 =	sld [smem:$0x7AB]  }
0x3f5: {  	[hbm4b:s21+s2] =	stream.linear.scatter [tilespmem:s12], [sflag:$0xA], $0x80, $0x38;
	[tilespmem:$0x4000] =	vst v63  }
0x3f6: {  	s12 =	sld [smem:$0x7AC]  }
0x3f7: {  	[hbm4b:s5+s2] =	stream.linear.scatter [tilespmem:s23], [sflag:$0xA], $0x80, $0x38;
	[tilespmem:$0x4000] =	vst v63  }
0x3f8: {  	s23 =	sld [smem:$0x7AD]  }
0x3f9: {  	[hbm4b:s10+s2] =	stream.linear.scatter [tilespmem:s8], [sflag:$0xB], $0x80, $0x38;
	[tilespmem:$0x4000] =	vst v63  }
0x3fa: {  	s11 =	sadd.s32 $0x10, s10;
	s8 =	sld [smem:$0x7AE]  }
0x3fb: {  	s20 =	sadd.s32 $0x20, s10;
	s5 =	sadd.s32 $0x30, s10;
	s10 =	sld [smem:$0x7E3]  }
0x3fc: {  	[hbm4b:s11+s2] =	stream.linear.scatter [tilespmem:s9], [sflag:$0xB], $0x80, $0x38;
	[tilespmem:$0x4000] =	vst v63  }
0x3fd: {  	s9 =	sld [smem:$0x7AF]  }
0x3fe: {  	[hbm4b:s20+s2] =	stream.linear.scatter [tilespmem:s12], [sflag:$0xB], $0x80, $0x38;
	[tilespmem:$0x4000] =	vst v63  }
0x3ff: {  	s12 =	sld [smem:$0x7B0]  }
0x400: {  	[hbm4b:s5+s2] =	stream.linear.scatter [tilespmem:s23], [sflag:$0xB], $0x80, $0x38;
	[tilespmem:$0x4000] =	vst v63  }
0x401: {  	s23 =	sld [smem:$0x7B1]  }
0x402: {  	[hbm4b:s10+s2] =	stream.linear.scatter [tilespmem:s8], [sflag:$0xC], $0x80, $0x38;
	[tilespmem:$0x4000] =	vst v63  }
0x403: {  	s11 =	sadd.s32 $0x10, s10;
	s8 =	sld [smem:$0x7B2]  }
0x404: {  	s21 =	sadd.s32 $0x20, s10;
	s5 =	sadd.s32 $0x30, s10;
	s10 =	sld [smem:$0x7E5]  }
0x405: {  	[hbm4b:s11+s2] =	stream.linear.scatter [tilespmem:s9], [sflag:$0xC], $0x80, $0x38;
	[tilespmem:$0x4000] =	vst v63  }
0x406: {  	s9 =	sld [smem:$0x7B3]  }
0x407: {  	[hbm4b:s21+s2] =	stream.linear.scatter [tilespmem:s12], [sflag:$0xC], $0x80, $0x38;
	[tilespmem:$0x4000] =	vst v63  }
0x408: {  	s12 =	sld [smem:$0x7B4]  }
0x409: {  	[hbm4b:s5+s2] =	stream.linear.scatter [tilespmem:s23], [sflag:$0xC], $0x80, $0x38;
	[tilespmem:$0x4000] =	vst v63  }
0x40a: {  	s23 =	sld [smem:$0x7B5]  }
0x40b: {  	[hbm4b:s10+s2] =	stream.linear.scatter [tilespmem:s8], [sflag:$0xD], $0x80, $0x38;
	[tilespmem:$0x4000] =	vst v63  }
0x40c: {  	s11 =	sadd.s32 $0x10, s10;
	s8 =	sld [smem:$0x7B6]  }
0x40d: {  	s20 =	sadd.s32 $0x20, s10;
	s5 =	sadd.s32 $0x30, s10;
	s10 =	sld [smem:$0x7E7]  }
0x40e: {  	[hbm4b:s11+s2] =	stream.linear.scatter [tilespmem:s9], [sflag:$0xD], $0x80, $0x38;
	[tilespmem:$0x4000] =	vst v63  }
0x40f: {  	s9 =	sld [smem:$0x7B7]  }
0x410: {  	[hbm4b:s20+s2] =	stream.linear.scatter [tilespmem:s12], [sflag:$0xD], $0x80, $0x38;
	[tilespmem:$0x4000] =	vst v63  }
0x411: {  	s12 =	sld [smem:$0x7B8]  }
0x412: {  	[hbm4b:s5+s2] =	stream.linear.scatter [tilespmem:s23], [sflag:$0xD], $0x80, $0x38;
	[tilespmem:$0x4000] =	vst v63  }
0x413: {  	s23 =	sld [smem:$0x7B9]  }
0x414: {  	[hbm4b:s10+s2] =	stream.linear.scatter [tilespmem:s8], [sflag:$0xE], $0x80, $0x38;
	[tilespmem:$0x4000] =	vst v63  }
0x415: {  	s11 =	sadd.s32 $0x10, s10;
	s8 =	sld [smem:$0x7BA]  }
0x416: {  	s21 =	sadd.s32 $0x20, s10;
	s5 =	sadd.s32 $0x30, s10;
	s10 =	sld [smem:$0x7E9]  }
0x417: {  	[hbm4b:s11+s2] =	stream.linear.scatter [tilespmem:s9], [sflag:$0xE], $0x80, $0x38;
	[tilespmem:$0x4000] =	vst v63  }
0x418: {  	s9 =	sld [smem:$0x7BB]  }
0x419: {  	[hbm4b:s21+s2] =	stream.linear.scatter [tilespmem:s12], [sflag:$0xE], $0x80, $0x38;
	[tilespmem:$0x4000] =	vst v63  }
0x41a: {  	s12 =	sld [smem:$0x7BC]  }
0x41b: {  	[hbm4b:s5+s2] =	stream.linear.scatter [tilespmem:s23], [sflag:$0xE], $0x80, $0x38;
	[tilespmem:$0x4000] =	vst v63  }
0x41c: {  	s23 =	sld [smem:$0x7BD]  }
0x41d: {  	[hbm4b:s10+s2] =	stream.linear.scatter [tilespmem:s8], [sflag:$0xF], $0x80, $0x38;
	[tilespmem:$0x4000] =	vst v63  }
0x41e: {  	s11 =	sadd.s32 $0x10, s10;
	s8 =	sld [smem:$0x7BE]  }
0x41f: {  	s20 =	sadd.s32 $0x20, s10;
	s5 =	sadd.s32 $0x30, s10;
	s10 =	sld [smem:$0x7EB]  }
0x420: {  	[hbm4b:s11+s2] =	stream.linear.scatter [tilespmem:s9], [sflag:$0xF], $0x80, $0x38;
	[tilespmem:$0x4000] =	vst v63  }
0x421: {  	s9 =	sld [smem:$0x7BF]  }
0x422: {  	[hbm4b:s20+s2] =	stream.linear.scatter [tilespmem:s12], [sflag:$0xF], $0x80, $0x38;
	[tilespmem:$0x4000] =	vst v63  }
0x423: {  	s12 =	sld [smem:$0x7C0]  }
0x424: {  	[hbm4b:s5+s2] =	stream.linear.scatter [tilespmem:s23], [sflag:$0xF], $0x80, $0x38;
	[tilespmem:$0x4000] =	vst v63  }
0x425: {  	s23 =	sld [smem:$0x7C1]  }
0x426: {  	[hbm4b:s10+s2] =	stream.linear.scatter [tilespmem:s8], [sflag:$0x10], $0x80, $0x38;
	[tilespmem:$0x4000] =	vst v63  }
0x427: {  	s11 =	sadd.s32 $0x10, s10;
	s8 =	sld [smem:$0x7C2]  }
0x428: {  	s21 =	sadd.s32 $0x20, s10;
	s5 =	sadd.s32 $0x30, s10;
	s10 =	sld [smem:$0x7ED]  }
0x429: {  	[hbm4b:s11+s2] =	stream.linear.scatter [tilespmem:s9], [sflag:$0x10], $0x80, $0x38;
	[tilespmem:$0x4000] =	vst v63  }
0x42a: {  	s9 =	sld [smem:$0x7C3]  }
0x42b: {  	[hbm4b:s21+s2] =	stream.linear.scatter [tilespmem:s12], [sflag:$0x10], $0x80, $0x38;
	[tilespmem:$0x4000] =	vst v63  }
0x42c: {  	s12 =	sld [smem:$0x7C4]  }
0x42d: {  	[hbm4b:s5+s2] =	stream.linear.scatter [tilespmem:s23], [sflag:$0x10], $0x80, $0x38;
	[tilespmem:$0x4000] =	vst v63  }
0x42e: {  	s23 =	sld [smem:$0x7C5]  }
0x42f: {  	[hbm4b:s10+s2] =	stream.linear.scatter [tilespmem:s8], [sflag:$0x11], $0x80, $0x38;
	[tilespmem:$0x4000] =	vst v63  }
0x430: {  	s11 =	sadd.s32 $0x10, s10;
	s8 =	sld [smem:$0x7C6]  }
0x431: {  	s20 =	sadd.s32 $0x20, s10;
	s5 =	sadd.s32 $0x30, s10;
	s10 =	sld [smem:$0x7EF]  }
0x432: {  	[hbm4b:s11+s2] =	stream.linear.scatter [tilespmem:s9], [sflag:$0x11], $0x80, $0x38;
	[tilespmem:$0x4000] =	vst v63  }
0x433: {  	s9 =	sld [smem:$0x7C7]  }
0x434: {  	[hbm4b:s20+s2] =	stream.linear.scatter [tilespmem:s12], [sflag:$0x11], $0x80, $0x38;
	[tilespmem:$0x4000] =	vst v63  }
0x435: {  	s12 =	sld [smem:$0x7C8]  }
0x436: {  	[hbm4b:s5+s2] =	stream.linear.scatter [tilespmem:s23], [sflag:$0x11], $0x80, $0x38;
	[tilespmem:$0x4000] =	vst v63  }
0x437: {  	s23 =	sld [smem:$0x7C9]  }
0x438: {  	[hbm4b:s10+s2] =	stream.linear.scatter [tilespmem:s8], [sflag:$0x12], $0x80, $0x38;
	[tilespmem:$0x4000] =	vst v63  }
0x439: {  	s11 =	sadd.s32 $0x10, s10;
	s8 =	sld [smem:$0x7CA]  }
0x43a: {  	s21 =	sadd.s32 $0x20, s10;
	s5 =	sadd.s32 $0x30, s10;
	s10 =	sld [smem:$0x7F1]  }
0x43b: {  	[hbm4b:s11+s2] =	stream.linear.scatter [tilespmem:s9], [sflag:$0x12], $0x80, $0x38;
	[tilespmem:$0x4000] =	vst v63  }
0x43c: {  	s9 =	sld [smem:$0x7CB]  }
0x43d: {  	[hbm4b:s21+s2] =	stream.linear.scatter [tilespmem:s12], [sflag:$0x12], $0x80, $0x38;
	[tilespmem:$0x4000] =	vst v63  }
0x43e: {  	s12 =	sld [smem:$0x7CC]  }
0x43f: {  	[hbm4b:s5+s2] =	stream.linear.scatter [tilespmem:s23], [sflag:$0x12], $0x80, $0x38;
	[tilespmem:$0x4000] =	vst v63  }
0x440: {  	s23 =	sld [smem:$0x7CD]  }
0x441: {  	[hbm4b:s10+s2] =	stream.linear.scatter [tilespmem:s8], [sflag:$0x13], $0x80, $0x38;
	[tilespmem:$0x4000] =	vst v63  }
0x442: {  	s11 =	sadd.s32 $0x10, s10;
	s8 =	sld [smem:$0x7CE]  }
0x443: {  	s20 =	sadd.s32 $0x20, s10;
	s5 =	sadd.s32 $0x30, s10;
	s10 =	sld [smem:$0x7F3]  }
0x444: {  	[hbm4b:s11+s2] =	stream.linear.scatter [tilespmem:s9], [sflag:$0x13], $0x80, $0x38;
	[tilespmem:$0x4000] =	vst v63  }
0x445: {  	s9 =	sld [smem:$0x7CF]  }
0x446: {  	[hbm4b:s20+s2] =	stream.linear.scatter [tilespmem:s12], [sflag:$0x13], $0x80, $0x38;
	[tilespmem:$0x4000] =	vst v63  }
0x447: {  	s12 =	sld [smem:$0x7D0]  }
0x448: {  	[hbm4b:s5+s2] =	stream.linear.scatter [tilespmem:s23], [sflag:$0x13], $0x80, $0x38;
	[tilespmem:$0x4000] =	vst v63  }
0x449: {  	s23 =	sld [smem:$0x7D1]  }
0x44a: {  	[hbm4b:s10+s2] =	stream.linear.scatter [tilespmem:s8], [sflag:$0x14], $0x80, $0x38;
	[tilespmem:$0x4000] =	vst v63  }
0x44b: {  	s11 =	sadd.s32 $0x10, s10;
	s8 =	sld [smem:$0x7D2]  }
0x44c: {  	s21 =	sadd.s32 $0x20, s10;
	s5 =	sadd.s32 $0x30, s10;
	s10 =	sld [smem:$0x7F5]  }
0x44d: {  	[hbm4b:s11+s2] =	stream.linear.scatter [tilespmem:s9], [sflag:$0x14], $0x80, $0x38;
	[tilespmem:$0x4000] =	vst v63  }
0x44e: {  	s9 =	sld [smem:$0x7D3]  }
0x44f: {  	[hbm4b:s21+s2] =	stream.linear.scatter [tilespmem:s12], [sflag:$0x14], $0x80, $0x38;
	[tilespmem:$0x4000] =	vst v63  }
0x450: {  	s12 =	sld [smem:$0x7D4]  }
0x451: {  	[hbm4b:s5+s2] =	stream.linear.scatter [tilespmem:s23], [sflag:$0x14], $0x80, $0x38;
	[tilespmem:$0x4000] =	vst v63  }
0x452: {  	s23 =	sld [smem:$0x7D6]  }
0x453: {  	[hbm4b:s10+s2] =	stream.linear.scatter [tilespmem:s8], [sflag:$0x15], $0x80, $0x38;
	[tilespmem:$0x4000] =	vst v63  }
0x454: {  	s11 =	sadd.s32 $0x10, s10;
	s8 =	sld [smem:$0x7D7]  }
0x455: {  	s20 =	sadd.s32 $0x20, s10;
	s5 =	sadd.s32 $0x30, s10;
	s10 =	sld [smem:$0x7F8]  }
0x456: {  	[hbm4b:s11+s2] =	stream.linear.scatter [tilespmem:s9], [sflag:$0x15], $0x80, $0x38;
	[tilespmem:$0x4000] =	vst v63  }
0x457: {  	s9 =	sld [smem:$0x7D8]  }
0x458: {  	[hbm4b:s20+s2] =	stream.linear.scatter [tilespmem:s12], [sflag:$0x15], $0x80, $0x38;
	[tilespmem:$0x4000] =	vst v63  }
0x459: {  	s12 =	sld [smem:$0x7D9]  }
0x45a: {  	[hbm4b:s5+s2] =	stream.linear.scatter [tilespmem:s23], [sflag:$0x15], $0x80, $0x38;
	[tilespmem:$0x4000] =	vst v63  }
0x45b: {  	s23 =	sld [smem:$0x7DA]  }
0x45c: {  	[hbm4b:s10+s2] =	stream.linear.scatter [tilespmem:s8], [sflag:$0x16], $0x80, $0x38;
	[tilespmem:$0x4000] =	vst v63  }
0x45d: {  	s11 =	sadd.s32 $0x10, s10;
	s8 =	sld [smem:$0x7DB]  }
0x45e: {  	s21 =	sadd.s32 $0x20, s10;
	s5 =	sadd.s32 $0x30, s10;
	s10 =	sld [smem:$0x7F9]  }
0x45f: {  	[hbm4b:s11+s2] =	stream.linear.scatter [tilespmem:s9], [sflag:$0x16], $0x80, $0x38;
	[tilespmem:$0x4000] =	vst v63  }
0x460: {  	s9 =	sld [smem:$0x7DC]  }
0x461: {  	[hbm4b:s21+s2] =	stream.linear.scatter [tilespmem:s12], [sflag:$0x16], $0x80, $0x38;
	[tilespmem:$0x4000] =	vst v63  }
0x462: {  	s12 =	sld [smem:$0x7DE]  }
0x463: {  	[hbm4b:s5+s2] =	stream.linear.scatter [tilespmem:s23], [sflag:$0x16], $0x80, $0x38;
	[tilespmem:$0x4000] =	vst v63  }
0x464: {  	s23 =	sld [smem:$0x7E0]  }
0x465: {  	[hbm4b:s10+s2] =	stream.linear.scatter [tilespmem:s8], [sflag:$0x17], $0x80, $0x38;
	[tilespmem:$0x4000] =	vst v63  }
0x466: {  	s11 =	sadd.s32 $0x10, s10;
	s8 =	sld [smem:$0x7E2]  }
0x467: {  	s20 =	sadd.s32 $0x20, s10;
	s5 =	sadd.s32 $0x30, s10;
	s10 =	sld [smem:$0x7FA]  }
0x468: {  	[hbm4b:s11+s2] =	stream.linear.scatter [tilespmem:s9], [sflag:$0x17], $0x80, $0x38;
	[tilespmem:$0x4000] =	vst v63  }
0x469: {  	s9 =	sld [smem:$0x7E4]  }
0x46a: {  	[hbm4b:s20+s2] =	stream.linear.scatter [tilespmem:s12], [sflag:$0x17], $0x80, $0x38;
	[tilespmem:$0x4000] =	vst v63  }
0x46b: {  	s12 =	sld [smem:$0x7E6]  }
0x46c: {  	[hbm4b:s5+s2] =	stream.linear.scatter [tilespmem:s23], [sflag:$0x17], $0x80, $0x38;
	[tilespmem:$0x4000] =	vst v63  }
0x46d: {  	s20 =	sld [smem:$0x7F0]  }
0x46e: {  	[hbm4b:s10+s2] =	stream.linear.scatter [tilespmem:s8], [sflag:$0x18], $0x80, $0x38;
	[tilespmem:$0x4000] =	vst v63  }
0x46f: {  	s11 =	sadd.s32 $0x10, s10;
	s23 =	sld [smem:$0x7E8]  }
0x470: {  	[hbm4b:s11+s2] =	stream.linear.scatter [tilespmem:s9], [sflag:$0x18], $0x80, $0x38;
	[tilespmem:$0x4000] =	vst v63  }
0x471: {  	s21 =	sadd.s32 $0x20, s10;
	s5 =	sld [smem:$0x7EA]  }
0x472: {  	[hbm4b:s21+s2] =	stream.linear.scatter [tilespmem:s12], [sflag:$0x18], $0x80, $0x38;
	[tilespmem:$0x4000] =	vst v63  }
0x473: {  	s3 =	sadd.s32 $0x30, s10;
	s9 =	sld [smem:$0x7FB]  }
0x474: {  	[hbm4b:s3+s2] =	stream.linear.scatter [tilespmem:s23], [sflag:$0x18], $0x80, $0x38;
	[tilespmem:$0x4000] =	vst v63  }
0x475: {  	s8 =	sld [smem:$0x7EC]  }
0x476: {  	[hbm4b:s9+s2] =	stream.linear.scatter [tilespmem:s5], [sflag:$0x19], $0x80, $0x38;
	[tilespmem:$0x4000] =	vst v63  }
0x477: {  	s11 =	sld [smem:$0x7EE];
	s10 =	sadd.s32 $0x10, s9  }
0x478: {  	[hbm4b:s10+s2] =	stream.linear.scatter [tilespmem:s8], [sflag:$0x19], $0x80, $0x38;
	[tilespmem:$0x4000] =	vst v63  }
0x479: {  	s12 =	sadd.s32 $0x20, s9;
	s23 =	sld [smem:$0x7F2]  }
0x47a: {  	[hbm4b:s12+s2] =	stream.linear.scatter [tilespmem:s11], [sflag:$0x19], $0x80, $0x38;
	[tilespmem:$0x4000] =	vst v63  }
0x47b: {  	s21 =	sadd.s32 $0x30, s9;
	s5 =	sld [smem:$0x7FD]  }
0x47c: {  	[hbm4b:s21+s2] =	stream.linear.scatter [tilespmem:s20], [sflag:$0x19], $0x80, $0x38;
	[tilespmem:$0x4000] =	vst v63  }
0x47d: {  	s1 =	sld [smem:$0x7F4]  }
0x47e: {  	[hbm4b:s5+s2] =	stream.linear.scatter [tilespmem:s23], [sflag:$0x1A], $0x80, $0x38;
	[tilespmem:$0x4000] =	vst v63  }
0x47f: {  	s9 =	sld [smem:$0x7F6];
	s8 =	sadd.s32 $0x10, s5  }
0x480: {  	[hbm4b:s8+s2] =	stream.linear.scatter [tilespmem:s1], [sflag:$0x1A], $0x80, $0x38;
	[tilespmem:$0x4000] =	vst v63  }
0x481: {  	s10 =	sadd.s32 $0x20, s5;
	s11 =	sld [smem:$0x7F7]  }
0x482: {  	[hbm4b:s10+s2] =	stream.linear.scatter [tilespmem:s9], [sflag:$0x1A], $0x80, $0x38;
	[tilespmem:$0x4000] =	vst v63  }
0x483: {  	s12 =	sadd.s32 $0x30, s5;
	s20 =	simm.s32 $0x1  }
0x484: {  	[hbm4b:s12+s2] =	stream.linear.scatter [tilespmem:s11], [sflag:$0x1A], $0x80, $0x38;
	[tilespmem:$0x4000] =	vst v63  }
0x485: {  	_ =	swait.ge [sflag:s20], $0x200  }
0x486: {  	[sflag:s20] =	ssyncset.done $0x0  }
0x487: {  	s21 =	simm.s32 $0x2;
	[sflag:s20] =	ssyncadd.s32 $0xFFFFFE00  }
0x488: {  	_ =	swait.ge [sflag:s21], $0x200  }
0x489: {  	[sflag:s21] =	ssyncset.done $0x0  }
0x48a: {  	[sflag:s21] =	ssyncadd.s32 $0xFFFFFE00  }
0x48b: {  	_ =	swait.ge [sflag:s31], $0x200  }
0x48c: {  	[sflag:s31] =	ssyncset.done $0x0  }
0x48d: {  	[sflag:s31] =	ssyncadd.s32 $0xFFFFFE00  }
0x48e: {  	_ =	swait.ge [sflag:s30], $0x200  }
0x48f: {  	[sflag:s30] =	ssyncset.done $0x0  }
0x490: {  	[sflag:s30] =	ssyncadd.s32 $0xFFFFFE00  }
0x491: {  	_ =	swait.ge [sflag:s29], $0x200  }
0x492: {  	[sflag:s29] =	ssyncset.done $0x0  }
0x493: {  	[sflag:s29] =	ssyncadd.s32 $0xFFFFFE00  }
0x494: {  	_ =	swait.ge [sflag:s28], $0x200  }
0x495: {  	[sflag:s28] =	ssyncset.done $0x0  }
0x496: {  	[sflag:s28] =	ssyncadd.s32 $0xFFFFFE00  }
0x497: {  	_ =	swait.ge [sflag:s26], $0x200  }
0x498: {  	[sflag:s26] =	ssyncset.done $0x0  }
0x499: {  	[sflag:s26] =	ssyncadd.s32 $0xFFFFFE00  }
0x49a: {  	_ =	swait.ge [sflag:s25], $0x200  }
0x49b: {  	[sflag:s25] =	ssyncset.done $0x0  }
0x49c: {  	[sflag:s25] =	ssyncadd.s32 $0xFFFFFE00  }
0x49d: {  	_ =	swait.ge [sflag:s22], $0x200  }
0x49e: {  	[sflag:s22] =	ssyncset.done $0x0  }
0x49f: {  	[sflag:s22] =	ssyncadd.s32 $0xFFFFFE00  }
0x4a0: {  	_ =	swait.ge [sflag:s6], $0x200  }
0x4a1: {  	[sflag:s6] =	ssyncset.done $0x0  }
0x4a2: {  	[sflag:s6] =	ssyncadd.s32 $0xFFFFFE00  }
0x4a3: {  	_ =	swait.ge [sflag:s7], $0x200  }
0x4a4: {  	[sflag:s7] =	ssyncset.done $0x0  }
0x4a5: {  	[sflag:s7] =	ssyncadd.s32 $0xFFFFFE00  }
0x4a6: {  	_ =	swait.ge [sflag:s19], $0x200  }
0x4a7: {  	[sflag:s19] =	ssyncset.done $0x0  }
0x4a8: {  	[sflag:s19] =	ssyncadd.s32 $0xFFFFFE00  }
0x4a9: {  	_ =	swait.ge [sflag:s18], $0x200  }
0x4aa: {  	[sflag:s18] =	ssyncset.done $0x0  }
0x4ab: {  	[sflag:s18] =	ssyncadd.s32 $0xFFFFFE00  }
0x4ac: {  	_ =	swait.ge [sflag:s17], $0x200  }
0x4ad: {  	[sflag:s17] =	ssyncset.done $0x0  }
0x4ae: {  	[sflag:s17] =	ssyncadd.s32 $0xFFFFFE00  }
0x4af: {  	_ =	swait.ge [sflag:s16], $0x200  }
0x4b0: {  	[sflag:s16] =	ssyncset.done $0x0  }
0x4b1: {  	[sflag:s16] =	ssyncadd.s32 $0xFFFFFE00  }
0x4b2: {  	_ =	swait.ge [sflag:s15], $0x200  }
0x4b3: {  	[sflag:s15] =	ssyncset.done $0x0  }
0x4b4: {  	[sflag:s15] =	ssyncadd.s32 $0xFFFFFE00  }
0x4b5: {  	_ =	swait.ge [sflag:s14], $0x200  }
0x4b6: {  	[sflag:s14] =	ssyncset.done $0x0  }
0x4b7: {  	[sflag:s14] =	ssyncadd.s32 $0xFFFFFE00  }
0x4b8: {  	_ =	swait.ge [sflag:s13], $0x200  }
0x4b9: {  	[sflag:s13] =	ssyncset.done $0x0  }
0x4ba: {  	s23 =	simm.s32 $0x13;
	[sflag:s13] =	ssyncadd.s32 $0xFFFFFE00  }
0x4bb: {  	_ =	swait.ge [sflag:s23], $0x200  }
0x4bc: {  	[sflag:s23] =	ssyncset.done $0x0  }
0x4bd: {  	s25 =	simm.s32 $0x14;
	[sflag:s23] =	ssyncadd.s32 $0xFFFFFE00  }
0x4be: {  	_ =	swait.ge [sflag:s25], $0x200  }
0x4bf: {  	[sflag:s25] =	ssyncset.done $0x0  }
0x4c0: {  	s26 =	simm.s32 $0x15;
	[sflag:s25] =	ssyncadd.s32 $0xFFFFFE00  }
0x4c1: {  	_ =	swait.ge [sflag:s26], $0x200  }
0x4c2: {  	[sflag:s26] =	ssyncset.done $0x0  }
0x4c3: {  	s28 =	simm.s32 $0x16;
	[sflag:s26] =	ssyncadd.s32 $0xFFFFFE00  }
0x4c4: {  	_ =	swait.ge [sflag:s28], $0x200  }
0x4c5: {  	[sflag:s28] =	ssyncset.done $0x0  }
0x4c6: {  	s29 =	simm.s32 $0x17;
	[sflag:s28] =	ssyncadd.s32 $0xFFFFFE00  }
0x4c7: {  	_ =	swait.ge [sflag:s29], $0x200  }
0x4c8: {  	[sflag:s29] =	ssyncset.done $0x0  }
0x4c9: {  	s30 =	simm.s32 $0x18;
	[sflag:s29] =	ssyncadd.s32 $0xFFFFFE00  }
0x4ca: {  	_ =	swait.ge [sflag:s30], $0x200  }
0x4cb: {  	[sflag:s30] =	ssyncset.done $0x0  }
0x4cc: {  	[sflag:s30] =	ssyncadd.s32 $0xFFFFFE00  }
0x4cd: {  	_ =	swait.ge [sflag:s24], $0x200  }
0x4ce: {  	[sflag:s24] =	ssyncset.done $0x0  }
0x4cf: {  	[sflag:s24] =	ssyncadd.s32 $0xFFFFFE00  }
0x4d0: {  	_ =	swait.ge [sflag:s4], $0x200  }
0x4d1: {  	[sflag:s4] =	ssyncset.done $0x0  }
0x4d2: {  	[sflag:s4] =	ssyncadd.s32 $0xFFFFFE00  }
0x4d3: {  	_ =	sfence.sel $0x180000  }
0x4d4: {  	[bflag:$0x0] =	sbarrier.arrive $0xFFFF  }
0x4d5: {  	_ =	strace $0x90000047  }
0x4d6: {  	s31 =	stileid.u32;
	[bflag:$0x2] =	sbarrier.arrive $0xFFFF  }
0x4d7: {  	p0 =	sne.s32 s31, $0x0;
	s0 =	rddreg [dreg:$0x2]  }
0x4d8: {  	s0 =	sadd.s32 @!p0 $0x100000, s0  }
0x4d9: {  	[sflag:s0] =	ssyncadd.tile.s32 @!p0 $0x1;
	_ =	shalt  }
.LBB2_1:
.Ltmp3:
0x4da: {  	(pc) =	sbr.rel .LBB2_6-.Ltmp3, $3  }
0x4db: {  	_ =	sdelay $0x1  }
0x4dc: {  	s20 =	sld [smem:$0x7FC]  }
0x4dd: {  	s21 =	sld [smem:$0x7D5]  }
.LBB2_7:
0x4de: {  	s20 =	sld [smem:$0x7FC]  }
0x4df: {  	s21 =	sld [smem:$0x7D5]  }
0x4e0: {  	s12 =	sld [smem:$0x794]  }
0x4e1: {  	s11 =	sld [smem:$0x795]  }
0x4e2: {  	s10 =	sld [smem:$0x792]  }
0x4e3: {  	s9 =	sld [smem:$0x78E]  }
0x4e4: {  	s8 =	sld [smem:$0x78C]  }
0x4e5: {  	s5 =	sld [smem:$0x796];
	s4 =	simm.s32 $0x1A;
	s13 =	simm.s32 $0x12  }
0x4e6: {  	s14 =	simm.s32 $0x11;
	s15 =	simm.s32 $0x10;
	s16 =	simm.s32 $0xF  }
.Ltmp4:
0x4e7: {  	s17 =	simm.s32 $0xE;
	s18 =	simm.s32 $0xD;
	(pc) =	sbr.rel .LBB2_6-.Ltmp4, $4  }
0x4e8: {  	s19 =	simm.s32 $0xC;
	s7 =	simm.s32 $0xB;
	s6 =	simm.s32 $0xA  }
0x4e9: {  	s22 =	simm.s32 $0x9;
	s25 =	simm.s32 $0x8;
	s26 =	simm.s32 $0x7  }
0x4ea: {  	s28 =	simm.s32 $0x6;
	s29 =	simm.s32 $0x5;
	s30 =	simm.s32 $0x4  }
0x4eb: {  	s31 =	simm.s32 $0x3;
	s3 =	simm.s32 $0x1000;
	s1 =	simm.s32 $0x1B  }
.Lfunc_end2:
_tile_overlayer_lowered:
.L_overlay_start_2:
0x4ec: {  	(tag) =	ssettag $0x2  }
0x4ed: {  	s0 =	rddreg [dreg:$0x0];
	s2 =	stileid.u32  }
0x4ee: {  	s1 =	rddreg [dreg:$0x1];
	p0 =	sne.s32 s2, $0x0  }
0x4ef: {  	s3 =	rddreg [dreg:$0x2];
	[bflag:$0x3] =	sbarrier.arrive $0xFFFF;
	s2 =	simm.s32 @!p0 $0x1C1B  }
0x4f0: {  	[timem:s3], [sflag:s2] =	dma.local @!p0 [hbm:s0], s1  }
0x4f1: {  	s0 =	simm.s32 @!p0 $0x1B  }
0x4f2: {  	_ =	swait.ge @!p0 [sflag:s0], s1  }
0x4f3: {  	s1 =	ssub.s32 @!p0 $0x0, s1;
	[sflag:s0] =	ssyncset.done @!p0 $0x0  }
0x4f4: {  	[sflag:s0] =	ssyncadd.s32 @!p0 s1  }
0x4f5: {  	[bflag:$0x3] =	sbarrier.arrive $0xFFFF  }
0x4f6: {  	_ =	shalt  }

</sc_bundles>
